<compile_context>
chip_gen: v7x
topology: tpu7x:2x2x1
jax: 0.10.2.dev20260603
libtpu: 0.0.44.dev20260713+nightly
codegen_flags: <defaults>
</compile_context>

<pallas_src>
import functools

import jax
import jax.numpy as jnp
from jax import lax
from jax.experimental import pallas as pl
from jax.experimental.pallas import tpu as pltpu
from jax.experimental.pallas import tpu_sc as plsc

_P = (100, 100, 100)
_BB = 1024
_NC = 2
_NS = 16
_NW = _NC * _NS
_CH = 128
_I2P = 104
_TB = 20



def _table_kernel(c1t_ref, c2q_ref, rl_ref, mask2_ref, out_ref):
    for g in range(_TB // 4):
        mtcat = c1t_ref[...][g * 4:(g + 1) * 4].reshape(128, 128)
        w1cat = jnp.dot(mtcat, rl_ref[...], preferred_element_type=jnp.float32)
        for b in range(4):
            w1 = w1cat[b * 32:(b + 1) * 32]
            w4 = jnp.concatenate([w1, w1, w1, w1], axis=0) * mask2_ref[...]
            out_ref[g * 4 + b] = jnp.dot(
                c2q_ref[...], w4, preferred_element_type=jnp.float32)


def _build_table(c1t, c2q, rl, mask2):
    return pl.pallas_call(
        _table_kernel,
        grid=(_P[1] // _TB,),
        in_specs=[
            pl.BlockSpec((_TB, 32, 128), lambda i: (i, 0, 0)),
            pl.BlockSpec((_I2P, 128), lambda i: (0, 0)),
            pl.BlockSpec((128, 512), lambda i: (0, 0)),
            pl.BlockSpec((128, 512), lambda i: (0, 0)),
        ],
        out_specs=pl.BlockSpec((_TB, _I2P, 512), lambda i: (i, 0, 0)),
        out_shape=jax.ShapeDtypeStruct((_P[1], _I2P, 512), jnp.float32),
    )(c1t, c2q, rl, mask2)



def _sc_gather(table, idx):
    B = idx.shape[0]
    bpw = B // _NW
    n_ch = bpw // _CH
    mesh = plsc.VectorSubcoreMesh(core_axis_name="c", subcore_axis_name="s")

    @functools.partial(
        pl.kernel,
        mesh=mesh,
        out_type=jax.ShapeDtypeStruct((B, 512), jnp.float32),
        scratch_types=[
            pltpu.VMEM((n_ch, _CH), jnp.int32),
            pltpu.VMEM((_CH, 512), jnp.float32),
            pltpu.SemaphoreType.DMA,
        ],
    )
    def k(table_hbm, idx_hbm, out_hbm, key_v, rows_v, sem):
        wid = lax.axis_index("s") * _NC + lax.axis_index("c")
        base = wid * bpw
        for ch in range(n_ch):
            pltpu.sync_copy(idx_hbm.at[pl.ds(base + ch * _CH, _CH)], key_v.at[ch])
        for ch in range(n_ch):
            pltpu.async_copy(table_hbm.at[key_v.at[ch]], rows_v, sem).wait()
            pltpu.sync_copy(rows_v, out_hbm.at[pl.ds(base + ch * _CH, _CH)])

    return k(table, idx)



def _contract_kernel(idx_ref, c0pt_ref, tg_ref, out_ref):
    idx = idx_ref[0, 0, :]
    i0 = idx // (_P[1] * _P[2])
    iota_s = lax.broadcasted_iota(jnp.int32, (128, _BB), 0)
    oh0t = (i0[None, :] == iota_s).astype(jnp.float32)
    a_t = jnp.dot(c0pt_ref[...], oh0t, preferred_element_type=jnp.float32)
    tg_t = tg_ref[...].T
    outs = []
    for q0 in range(4):
        acc = jnp.zeros((16, _BB), jnp.float32)
        for r1 in range(32):
            arow = a_t[q0 * 32 + r1]
            acc = acc + arow[None, :] * tg_t[r1 * 16:(r1 + 1) * 16]
        outs.append(acc)
    out_ref[...] = jnp.concatenate(outs, axis=0).T


def _contract(idx3, c0p, tg):
    B = tg.shape[0]
    grid = B // _BB
    return pl.pallas_call(
        _contract_kernel,
        grid=(grid,),
        in_specs=[
            pl.BlockSpec((1, 1, _BB), lambda i: (i, 0, 0)),
            pl.BlockSpec((128, 128), lambda i: (0, 0)),
            pl.BlockSpec((_BB, 512), lambda i: (i, 0)),
        ],
        out_specs=pl.BlockSpec((_BB, 64), lambda i: (i, 0)),
        out_shape=jax.ShapeDtypeStruct((B, 64), jnp.float32),
    )(idx3, c0p, tg)


@jax.jit
def kernel(indices, core0, core1, core2):
    B = indices.shape[0]
    idx = indices.astype(jnp.int32)
    c1t = core1.reshape(_P[1], 128, 32).transpose(0, 2, 1)
    c2q = core2.reshape(_P[2], 32, 4).transpose(0, 2, 1).reshape(_P[2], 128)
    c2q = jnp.pad(c2q, ((0, _I2P - _P[2]), (0, 0)))
    c0pt = jnp.pad(core0, ((0, 28), (0, 0))).T
    s128 = jnp.arange(128, dtype=jnp.int32)
    l512 = jnp.arange(512, dtype=jnp.int32)
    rl = (s128[:, None] == l512[None, :] // 4).astype(jnp.float32)
    mask2 = (s128[:, None] // 32 == l512[None, :] % 4).astype(jnp.float32)

    table = _build_table(c1t, c2q, rl, mask2).reshape(_P[1] * _I2P, 512)
    pair = ((idx // _P[2]) % _P[1]) * _I2P + idx % _P[2]
    h = B // 2
    outs = []
    for s in range(2):
        pair_h = pair[s * h:(s + 1) * h]
        idx_h = idx[s * h:(s + 1) * h]
        tg = _sc_gather(table, pair_h)
        outs.append(_contract(idx_h.reshape(h // _BB, 1, _BB), c0pt, tg))
    return jnp.concatenate(outs, axis=0)

# --- scband reference (transcript-rebuilt; emitter-appended) ---
"""Pipeline reference for scband-fbttembedding-72825465471568 (READ-ONLY COPY).

The authoritative reference and input builder live on the scoring server;
editing this copy changes nothing except your own understanding.
"""

import jax, jax.numpy as jnp
import numpy as np

# TT-Rec FBTTEmbedding configuration
P = (100, 100, 100)   # tt_p_shapes, prod >= num_embeddings=1,000,000
Q = (4, 4, 4)         # tt_q_shapes, prod == embedding_dim=64
R = (1, 32, 32, 1)    # full tt ranks from tt_ranks=[32,32]
B = 16384
NUM_EMB = 1000000


def setup_inputs(seed: int = 0) -> dict:
    key = jax.random.key(seed)
    k_idx, k0, k1, k2 = jax.random.split(key, 4)
    indices = jax.random.randint(k_idx, (B,), 0, NUM_EMB, dtype=jnp.int64)
    # TT cores stored TT-Rec style: core_i has shape [p_i, r_{i-1} * q_i * r_i]
    # weight_dist='normal' -> normal init scaled so reconstructed rows have ~unit-ish scale
    scale = 1.0 / np.sqrt(np.prod(R))
    core0 = jax.random.normal(k0, (P[0], R[0] * Q[0] * R[1]), dtype=jnp.float32) * scale
    core1 = jax.random.normal(k1, (P[1], R[1] * Q[1] * R[2]), dtype=jnp.float32) * scale
    core2 = jax.random.normal(k2, (P[2], R[2] * Q[2] * R[3]), dtype=jnp.float32) * scale
    return {"indices": indices, "core0": core0, "core1": core1, "core2": core2}


def reference(indices, core0, core1, core2):
    # FBTTEmbedding.forward: offsets = arange(0, B+1) -> each bag has exactly one
    # index, so TTEmbeddingBag reduces to a per-index TT row reconstruction
    # producing output of shape [B, embedding_dim].
    p1p2 = P[1] * P[2]
    i0 = indices // p1p2
    i1 = (indices // P[2]) % P[1]
    i2 = indices % P[2]
    b = indices.shape[0]
    # Gather core slices per index (SparseCore-style gathers)
    a = jnp.take(core0, i0, axis=0).reshape(b, Q[0], R[1])              # [B, q0, r1]
    m = jnp.take(core1, i1, axis=0).reshape(b, R[1], Q[1], R[2])        # [B, r1, q1, r2]
    c = jnp.take(core2, i2, axis=0).reshape(b, R[2], Q[2])              # [B, r2, q2]
    # Contract TT cores: rows = a x m x c
    am = jnp.einsum('bqr,brks->bqks', a, m)                             # [B, q0, q1, r2]
    am = am.reshape(b, Q[0] * Q[1], R[2])
    out = jnp.einsum('bmr,brq->bmq', am, c)                             # [B, q0*q1, q2]
    return out.reshape(b, Q[0] * Q[1] * Q[2])                           # [B, 64]

if __name__ == "__main__":
    import jax
    _d = setup_inputs()
    print(jax.jit(kernel)(*tuple(_d.values())))

</pallas_src>

<mosaic_0001>
#map = affine_map<(d0, d1) -> (0, 0)>
#map1 = affine_map<(d0, d1) -> (0)>
module attributes {stable_mosaic.version = 14 : i64} {
  func.func @k(%arg0: i32, %arg1: i32, %arg2: memref<10400x512xf32, #tpu.memory_space<hbm>>, %arg3: memref<8192xi32, #tpu.memory_space<hbm>>, %arg4: memref<8192x512xf32, #tpu.memory_space<hbm>>, %arg5: memref<2x128xi32, #tpu.memory_space<vmem>>, %arg6: memref<128x512xf32, #tpu.memory_space<vmem>>, %arg7: memref<!tpu.dma_semaphore, #tpu.memory_space<semaphore_mem>>) attributes {dimension_semantics = [#tpu.dimension_semantics<core_parallel>, #tpu.dimension_semantics<subcore_parallel>], iteration_bounds = array<i64: 2, 16>, scalar_prefetch = 0 : i64, scratch_operands = 3 : i64, tpu.core_type = #tpu.core_type<sc_vector_subcore>, window_params = [{transform_indices = #map}, {transform_indices = #map1}, {transform_indices = #map}]} {
    %mul3A = arith.constant 2 : i32
    %mul3A_0 = arith.muli %arg1, %mul3A : i32
    %add3A = arith.addi %mul3A_0, %arg0 : i32
    %mul3A_1 = arith.constant 256 : i32
    %mul3A_2 = arith.muli %add3A, %mul3A_1 : i32
    %add3A_3 = arith.constant 0 : i32
    %add3A_4 = arith.addi %mul3A_2, %add3A_3 : i32
    %run_scoped3A = arith.constant 0 : i32
    "tpu.region"() ({
      %run_scoped3A_38 = tpu.sem_alloc : memref<!tpu.dma_semaphore, #tpu.memory_space<semaphore_mem>>
      %dma_start3A_39 = arith.constant 0 : i32
      %dma_start3A_40 = tpu.memref_slice %arg5[%run_scoped3A, %dma_start3A_39] : memref<2x128xi32, #tpu.memory_space<vmem>> -> memref<1x128xi32, #tpu.memory_space<vmem>>
      %dma_start3A_41 = tpu.memref_squeeze %dma_start3A_40 : memref<1x128xi32, #tpu.memory_space<vmem>> -> memref<128xi32, #tpu.memory_space<vmem>>
      %dma_start3A_42 = tpu.memref_slice %arg3[%add3A_4] : memref<8192xi32, #tpu.memory_space<hbm>> -> memref<128xi32, #tpu.memory_space<hbm>>
      %dma_start3A_43 = arith.constant 0 : i32
      %dma_start3A_44 = tpu.memref_slice %arg5[%run_scoped3A, %dma_start3A_43] : memref<2x128xi32, #tpu.memory_space<vmem>> -> memref<1x128xi32, #tpu.memory_space<vmem>>
      %dma_start3A_45 = tpu.memref_squeeze %dma_start3A_44 : memref<1x128xi32, #tpu.memory_space<vmem>> -> memref<128xi32, #tpu.memory_space<vmem>>
      %dma_start3A_46 = tpu.memref_slice %arg3[%add3A_4] : memref<8192xi32, #tpu.memory_space<hbm>> -> memref<128xi32, #tpu.memory_space<hbm>>
      tpu.enqueue_dma source(%dma_start3A_46 : memref<128xi32, #tpu.memory_space<hbm>>) target(%dma_start3A_45 : memref<128xi32, #tpu.memory_space<vmem>>) target_semaphore(%run_scoped3A_38 : memref<!tpu.dma_semaphore, #tpu.memory_space<semaphore_mem>>)
      %dma_wait3A_47 = arith.constant 0 : i32
      %dma_wait3A_48 = tpu.memref_slice %arg5[%run_scoped3A, %dma_wait3A_47] : memref<2x128xi32, #tpu.memory_space<vmem>> -> memref<1x128xi32, #tpu.memory_space<vmem>>
      %dma_wait3A_49 = tpu.memref_squeeze %dma_wait3A_48 : memref<1x128xi32, #tpu.memory_space<vmem>> -> memref<128xi32, #tpu.memory_space<vmem>>
      %dma_wait3A_50 = tpu.memref_slice %arg3[%add3A_4] : memref<8192xi32, #tpu.memory_space<hbm>> -> memref<128xi32, #tpu.memory_space<hbm>>
      %dma_wait3A_51 = arith.constant 0 : i32
      %dma_wait3A_52 = tpu.memref_slice %arg5[%run_scoped3A, %dma_wait3A_51] : memref<2x128xi32, #tpu.memory_space<vmem>> -> memref<1x128xi32, #tpu.memory_space<vmem>>
      %dma_wait3A_53 = tpu.memref_squeeze %dma_wait3A_52 : memref<1x128xi32, #tpu.memory_space<vmem>> -> memref<128xi32, #tpu.memory_space<vmem>>
      %dma_wait3A_54 = tpu.memref_slice %arg3[%add3A_4] : memref<8192xi32, #tpu.memory_space<hbm>> -> memref<128xi32, #tpu.memory_space<hbm>>
      tpu.wait_dma2 semaphore(%run_scoped3A_38 : memref<!tpu.dma_semaphore, #tpu.memory_space<semaphore_mem>>) src(%dma_wait3A_54 : memref<128xi32, #tpu.memory_space<hbm>>) dst(%dma_wait3A_53 : memref<128xi32, #tpu.memory_space<vmem>>)
      tpu.yield
    }) : () -> ()
    %add3A_5 = arith.constant 128 : i32
    %add3A_6 = arith.addi %mul3A_2, %add3A_5 : i32
    %run_scoped3A_7 = arith.constant 1 : i32
    "tpu.region"() ({
      %run_scoped3A_38 = tpu.sem_alloc : memref<!tpu.dma_semaphore, #tpu.memory_space<semaphore_mem>>
      %dma_start3A_39 = arith.constant 0 : i32
      %dma_start3A_40 = tpu.memref_slice %arg5[%run_scoped3A_7, %dma_start3A_39] : memref<2x128xi32, #tpu.memory_space<vmem>> -> memref<1x128xi32, #tpu.memory_space<vmem>>
      %dma_start3A_41 = tpu.memref_squeeze %dma_start3A_40 : memref<1x128xi32, #tpu.memory_space<vmem>> -> memref<128xi32, #tpu.memory_space<vmem>>
      %dma_start3A_42 = tpu.memref_slice %arg3[%add3A_6] : memref<8192xi32, #tpu.memory_space<hbm>> -> memref<128xi32, #tpu.memory_space<hbm>>
      %dma_start3A_43 = arith.constant 0 : i32
      %dma_start3A_44 = tpu.memref_slice %arg5[%run_scoped3A_7, %dma_start3A_43] : memref<2x128xi32, #tpu.memory_space<vmem>> -> memref<1x128xi32, #tpu.memory_space<vmem>>
      %dma_start3A_45 = tpu.memref_squeeze %dma_start3A_44 : memref<1x128xi32, #tpu.memory_space<vmem>> -> memref<128xi32, #tpu.memory_space<vmem>>
      %dma_start3A_46 = tpu.memref_slice %arg3[%add3A_6] : memref<8192xi32, #tpu.memory_space<hbm>> -> memref<128xi32, #tpu.memory_space<hbm>>
      tpu.enqueue_dma source(%dma_start3A_46 : memref<128xi32, #tpu.memory_space<hbm>>) target(%dma_start3A_45 : memref<128xi32, #tpu.memory_space<vmem>>) target_semaphore(%run_scoped3A_38 : memref<!tpu.dma_semaphore, #tpu.memory_space<semaphore_mem>>)
      %dma_wait3A_47 = arith.constant 0 : i32
      %dma_wait3A_48 = tpu.memref_slice %arg5[%run_scoped3A_7, %dma_wait3A_47] : memref<2x128xi32, #tpu.memory_space<vmem>> -> memref<1x128xi32, #tpu.memory_space<vmem>>
      %dma_wait3A_49 = tpu.memref_squeeze %dma_wait3A_48 : memref<1x128xi32, #tpu.memory_space<vmem>> -> memref<128xi32, #tpu.memory_space<vmem>>
      %dma_wait3A_50 = tpu.memref_slice %arg3[%add3A_6] : memref<8192xi32, #tpu.memory_space<hbm>> -> memref<128xi32, #tpu.memory_space<hbm>>
      %dma_wait3A_51 = arith.constant 0 : i32
      %dma_wait3A_52 = tpu.memref_slice %arg5[%run_scoped3A_7, %dma_wait3A_51] : memref<2x128xi32, #tpu.memory_space<vmem>> -> memref<1x128xi32, #tpu.memory_space<vmem>>
      %dma_wait3A_53 = tpu.memref_squeeze %dma_wait3A_52 : memref<1x128xi32, #tpu.memory_space<vmem>> -> memref<128xi32, #tpu.memory_space<vmem>>
      %dma_wait3A_54 = tpu.memref_slice %arg3[%add3A_6] : memref<8192xi32, #tpu.memory_space<hbm>> -> memref<128xi32, #tpu.memory_space<hbm>>
      tpu.wait_dma2 semaphore(%run_scoped3A_38 : memref<!tpu.dma_semaphore, #tpu.memory_space<semaphore_mem>>) src(%dma_wait3A_54 : memref<128xi32, #tpu.memory_space<hbm>>) dst(%dma_wait3A_53 : memref<128xi32, #tpu.memory_space<vmem>>)
      tpu.yield
    }) : () -> ()
    %dma_start3A = arith.constant 0 : i32
    %dma_start3A_8 = arith.constant 0 : i32
    %dma_start3A_9 = tpu.memref_slice %arg5[%dma_start3A, %dma_start3A_8] : memref<2x128xi32, #tpu.memory_space<vmem>> -> memref<1x128xi32, #tpu.memory_space<vmem>>
    %dma_start3A_10 = tpu.memref_squeeze %dma_start3A_9 : memref<1x128xi32, #tpu.memory_space<vmem>> -> memref<128xi32, #tpu.memory_space<vmem>>
    %dma_start3A_11 = arith.constant 0 : i32
    %dma_start3A_12 = arith.constant 0 : i32
    %dma_start3A_13 = tpu.memref_slice %arg2[%dma_start3A_11, %dma_start3A_12] : memref<10400x512xf32, #tpu.memory_space<hbm>> -> memref<10400x512xf32, #tpu.memory_space<hbm>>
    tpu.enqueue_indirect_dma source(%dma_start3A_13 : memref<10400x512xf32, #tpu.memory_space<hbm>>) target(%arg6 : memref<128x512xf32, #tpu.memory_space<vmem>>) offsets(%dma_start3A_10 : memref<128xi32, #tpu.memory_space<vmem>>) semaphore(%arg7 : memref<!tpu.dma_semaphore, #tpu.memory_space<semaphore_mem>>)
    %dma_wait3A = arith.constant 0 : i32
    %dma_wait3A_14 = arith.constant 0 : i32
    %dma_wait3A_15 = tpu.memref_slice %arg5[%dma_wait3A, %dma_wait3A_14] : memref<2x128xi32, #tpu.memory_space<vmem>> -> memref<1x128xi32, #tpu.memory_space<vmem>>
    %dma_wait3A_16 = tpu.memref_squeeze %dma_wait3A_15 : memref<1x128xi32, #tpu.memory_space<vmem>> -> memref<128xi32, #tpu.memory_space<vmem>>
    %dma_wait3A_17 = arith.constant 0 : i32
    %dma_wait3A_18 = arith.constant 0 : i32
    %dma_wait3A_19 = tpu.memref_slice %arg2[%dma_wait3A_17, %dma_wait3A_18] : memref<10400x512xf32, #tpu.memory_space<hbm>> -> memref<10400x512xf32, #tpu.memory_space<hbm>>
    tpu.wait_indirect_dma semaphore(%arg7 : memref<!tpu.dma_semaphore, #tpu.memory_space<semaphore_mem>>) src(%dma_wait3A_19 : memref<10400x512xf32, #tpu.memory_space<hbm>>) dst(%arg6 : memref<128x512xf32, #tpu.memory_space<vmem>>)
    %add3A_20 = arith.constant 0 : i32
    %add3A_21 = arith.addi %mul3A_2, %add3A_20 : i32
    "tpu.region"() ({
      %run_scoped3A_38 = tpu.sem_alloc : memref<!tpu.dma_semaphore, #tpu.memory_space<semaphore_mem>>
      %dma_start3A_39 = arith.constant 0 : i32
      %dma_start3A_40 = tpu.memref_slice %arg4[%add3A_21, %dma_start3A_39] : memref<8192x512xf32, #tpu.memory_space<hbm>> -> memref<128x512xf32, #tpu.memory_space<hbm>>
      %dma_start3A_41 = arith.constant 0 : i32
      %dma_start3A_42 = tpu.memref_slice %arg4[%add3A_21, %dma_start3A_41] : memref<8192x512xf32, #tpu.memory_space<hbm>> -> memref<128x512xf32, #tpu.memory_space<hbm>>
      tpu.enqueue_dma source(%arg6 : memref<128x512xf32, #tpu.memory_space<vmem>>) target(%dma_start3A_42 : memref<128x512xf32, #tpu.memory_space<hbm>>) target_semaphore(%run_scoped3A_38 : memref<!tpu.dma_semaphore, #tpu.memory_space<semaphore_mem>>)
      %dma_wait3A_43 = arith.constant 0 : i32
      %dma_wait3A_44 = tpu.memref_slice %arg4[%add3A_21, %dma_wait3A_43] : memref<8192x512xf32, #tpu.memory_space<hbm>> -> memref<128x512xf32, #tpu.memory_space<hbm>>
      %dma_wait3A_45 = arith.constant 0 : i32
      %dma_wait3A_46 = tpu.memref_slice %arg4[%add3A_21, %dma_wait3A_45] : memref<8192x512xf32, #tpu.memory_space<hbm>> -> memref<128x512xf32, #tpu.memory_space<hbm>>
      tpu.wait_dma2 semaphore(%run_scoped3A_38 : memref<!tpu.dma_semaphore, #tpu.memory_space<semaphore_mem>>) src(%arg6 : memref<128x512xf32, #tpu.memory_space<vmem>>) dst(%dma_wait3A_46 : memref<128x512xf32, #tpu.memory_space<hbm>>)
      tpu.yield
    }) : () -> ()
    %dma_start3A_22 = arith.constant 1 : i32
    %dma_start3A_23 = arith.constant 0 : i32
    %dma_start3A_24 = tpu.memref_slice %arg5[%dma_start3A_22, %dma_start3A_23] : memref<2x128xi32, #tpu.memory_space<vmem>> -> memref<1x128xi32, #tpu.memory_space<vmem>>
    %dma_start3A_25 = tpu.memref_squeeze %dma_start3A_24 : memref<1x128xi32, #tpu.memory_space<vmem>> -> memref<128xi32, #tpu.memory_space<vmem>>
    %dma_start3A_26 = arith.constant 0 : i32
    %dma_start3A_27 = arith.constant 0 : i32
    %dma_start3A_28 = tpu.memref_slice %arg2[%dma_start3A_26, %dma_start3A_27] : memref<10400x512xf32, #tpu.memory_space<hbm>> -> memref<10400x512xf32, #tpu.memory_space<hbm>>
    tpu.enqueue_indirect_dma source(%dma_start3A_28 : memref<10400x512xf32, #tpu.memory_space<hbm>>) target(%arg6 : memref<128x512xf32, #tpu.memory_space<vmem>>) offsets(%dma_start3A_25 : memref<128xi32, #tpu.memory_space<vmem>>) semaphore(%arg7 : memref<!tpu.dma_semaphore, #tpu.memory_space<semaphore_mem>>)
    %dma_wait3A_29 = arith.constant 1 : i32
    %dma_wait3A_30 = arith.constant 0 : i32
    %dma_wait3A_31 = tpu.memref_slice %arg5[%dma_wait3A_29, %dma_wait3A_30] : memref<2x128xi32, #tpu.memory_space<vmem>> -> memref<1x128xi32, #tpu.memory_space<vmem>>
    %dma_wait3A_32 = tpu.memref_squeeze %dma_wait3A_31 : memref<1x128xi32, #tpu.memory_space<vmem>> -> memref<128xi32, #tpu.memory_space<vmem>>
    %dma_wait3A_33 = arith.constant 0 : i32
    %dma_wait3A_34 = arith.constant 0 : i32
    %dma_wait3A_35 = tpu.memref_slice %arg2[%dma_wait3A_33, %dma_wait3A_34] : memref<10400x512xf32, #tpu.memory_space<hbm>> -> memref<10400x512xf32, #tpu.memory_space<hbm>>
    tpu.wait_indirect_dma semaphore(%arg7 : memref<!tpu.dma_semaphore, #tpu.memory_space<semaphore_mem>>) src(%dma_wait3A_35 : memref<10400x512xf32, #tpu.memory_space<hbm>>) dst(%arg6 : memref<128x512xf32, #tpu.memory_space<vmem>>)
    %add3A_36 = arith.constant 128 : i32
    %add3A_37 = arith.addi %mul3A_2, %add3A_36 : i32
    "tpu.region"() ({
      %run_scoped3A_38 = tpu.sem_alloc : memref<!tpu.dma_semaphore, #tpu.memory_space<semaphore_mem>>
      %dma_start3A_39 = arith.constant 0 : i32
      %dma_start3A_40 = tpu.memref_slice %arg4[%add3A_37, %dma_start3A_39] : memref<8192x512xf32, #tpu.memory_space<hbm>> -> memref<128x512xf32, #tpu.memory_space<hbm>>
      %dma_start3A_41 = arith.constant 0 : i32
      %dma_start3A_42 = tpu.memref_slice %arg4[%add3A_37, %dma_start3A_41] : memref<8192x512xf32, #tpu.memory_space<hbm>> -> memref<128x512xf32, #tpu.memory_space<hbm>>
      tpu.enqueue_dma source(%arg6 : memref<128x512xf32, #tpu.memory_space<vmem>>) target(%dma_start3A_42 : memref<128x512xf32, #tpu.memory_space<hbm>>) target_semaphore(%run_scoped3A_38 : memref<!tpu.dma_semaphore, #tpu.memory_space<semaphore_mem>>)
      %dma_wait3A_43 = arith.constant 0 : i32
      %dma_wait3A_44 = tpu.memref_slice %arg4[%add3A_37, %dma_wait3A_43] : memref<8192x512xf32, #tpu.memory_space<hbm>> -> memref<128x512xf32, #tpu.memory_space<hbm>>
      %dma_wait3A_45 = arith.constant 0 : i32
      %dma_wait3A_46 = tpu.memref_slice %arg4[%add3A_37, %dma_wait3A_45] : memref<8192x512xf32, #tpu.memory_space<hbm>> -> memref<128x512xf32, #tpu.memory_space<hbm>>
      tpu.wait_dma2 semaphore(%run_scoped3A_38 : memref<!tpu.dma_semaphore, #tpu.memory_space<semaphore_mem>>) src(%arg6 : memref<128x512xf32, #tpu.memory_space<vmem>>) dst(%dma_wait3A_46 : memref<128x512xf32, #tpu.memory_space<hbm>>)
      tpu.yield
    }) : () -> ()
    return
  }
}

#map = affine_map<(d0, d1) -> (0, 0)>
#map1 = affine_map<(d0, d1) -> (0)>
module attributes {stable_mosaic.version = 14 : i64} {
  func.func @k(%arg0: i32, %arg1: i32, %arg2: memref<10400x512xf32, #tpu.memory_space<hbm>>, %arg3: memref<8192xi32, #tpu.memory_space<hbm>>, %arg4: memref<8192x512xf32, #tpu.memory_space<hbm>>, %arg5: memref<2x128xi32, #tpu.memory_space<vmem>>, %arg6: memref<128x512xf32, #tpu.memory_space<vmem>>, %arg7: memref<!tpu.dma_semaphore, #tpu.memory_space<semaphore_mem>>) attributes {dimension_semantics = [#tpu.dimension_semantics<core_parallel>, #tpu.dimension_semantics<subcore_parallel>], iteration_bounds = array<i64: 2, 16>, scalar_prefetch = 0 : i64, scratch_operands = 3 : i64, tpu.core_type = #tpu.core_type<sc_vector_subcore>, window_params = [{transform_indices = #map}, {transform_indices = #map1}, {transform_indices = #map}]} {
    %mul3A = arith.constant 2 : i32
    %mul3A_0 = arith.muli %arg1, %mul3A : i32
    %add3A = arith.addi %mul3A_0, %arg0 : i32
    %mul3A_1 = arith.constant 256 : i32
    %mul3A_2 = arith.muli %add3A, %mul3A_1 : i32
    %add3A_3 = arith.constant 0 : i32
    %add3A_4 = arith.addi %mul3A_2, %add3A_3 : i32
    %run_scoped3A = arith.constant 0 : i32
    "tpu.region"() ({
      %run_scoped3A_38 = tpu.sem_alloc : memref<!tpu.dma_semaphore, #tpu.memory_space<semaphore_mem>>
      %dma_start3A_39 = arith.constant 0 : i32
      %dma_start3A_40 = tpu.memref_slice %arg5[%run_scoped3A, %dma_start3A_39] : memref<2x128xi32, #tpu.memory_space<vmem>> -> memref<1x128xi32, #tpu.memory_space<vmem>>
      %dma_start3A_41 = tpu.memref_squeeze %dma_start3A_40 : memref<1x128xi32, #tpu.memory_space<vmem>> -> memref<128xi32, #tpu.memory_space<vmem>>
      %dma_start3A_42 = tpu.memref_slice %arg3[%add3A_4] : memref<8192xi32, #tpu.memory_space<hbm>> -> memref<128xi32, #tpu.memory_space<hbm>>
      %dma_start3A_43 = arith.constant 0 : i32
      %dma_start3A_44 = tpu.memref_slice %arg5[%run_scoped3A, %dma_start3A_43] : memref<2x128xi32, #tpu.memory_space<vmem>> -> memref<1x128xi32, #tpu.memory_space<vmem>>
      %dma_start3A_45 = tpu.memref_squeeze %dma_start3A_44 : memref<1x128xi32, #tpu.memory_space<vmem>> -> memref<128xi32, #tpu.memory_space<vmem>>
      %dma_start3A_46 = tpu.memref_slice %arg3[%add3A_4] : memref<8192xi32, #tpu.memory_space<hbm>> -> memref<128xi32, #tpu.memory_space<hbm>>
      tpu.enqueue_dma source(%dma_start3A_46 : memref<128xi32, #tpu.memory_space<hbm>>) target(%dma_start3A_45 : memref<128xi32, #tpu.memory_space<vmem>>) target_semaphore(%run_scoped3A_38 : memref<!tpu.dma_semaphore, #tpu.memory_space<semaphore_mem>>)
      %dma_wait3A_47 = arith.constant 0 : i32
      %dma_wait3A_48 = tpu.memref_slice %arg5[%run_scoped3A, %dma_wait3A_47] : memref<2x128xi32, #tpu.memory_space<vmem>> -> memref<1x128xi32, #tpu.memory_space<vmem>>
      %dma_wait3A_49 = tpu.memref_squeeze %dma_wait3A_48 : memref<1x128xi32, #tpu.memory_space<vmem>> -> memref<128xi32, #tpu.memory_space<vmem>>
      %dma_wait3A_50 = tpu.memref_slice %arg3[%add3A_4] : memref<8192xi32, #tpu.memory_space<hbm>> -> memref<128xi32, #tpu.memory_space<hbm>>
      %dma_wait3A_51 = arith.constant 0 : i32
      %dma_wait3A_52 = tpu.memref_slice %arg5[%run_scoped3A, %dma_wait3A_51] : memref<2x128xi32, #tpu.memory_space<vmem>> -> memref<1x128xi32, #tpu.memory_space<vmem>>
      %dma_wait3A_53 = tpu.memref_squeeze %dma_wait3A_52 : memref<1x128xi32, #tpu.memory_space<vmem>> -> memref<128xi32, #tpu.memory_space<vmem>>
      %dma_wait3A_54 = tpu.memref_slice %arg3[%add3A_4] : memref<8192xi32, #tpu.memory_space<hbm>> -> memref<128xi32, #tpu.memory_space<hbm>>
      tpu.wait_dma2 semaphore(%run_scoped3A_38 : memref<!tpu.dma_semaphore, #tpu.memory_space<semaphore_mem>>) src(%dma_wait3A_54 : memref<128xi32, #tpu.memory_space<hbm>>) dst(%dma_wait3A_53 : memref<128xi32, #tpu.memory_space<vmem>>)
      tpu.yield
    }) : () -> ()
    %add3A_5 = arith.constant 128 : i32
    %add3A_6 = arith.addi %mul3A_2, %add3A_5 : i32
    %run_scoped3A_7 = arith.constant 1 : i32
    "tpu.region"() ({
      %run_scoped3A_38 = tpu.sem_alloc : memref<!tpu.dma_semaphore, #tpu.memory_space<semaphore_mem>>
      %dma_start3A_39 = arith.constant 0 : i32
      %dma_start3A_40 = tpu.memref_slice %arg5[%run_scoped3A_7, %dma_start3A_39] : memref<2x128xi32, #tpu.memory_space<vmem>> -> memref<1x128xi32, #tpu.memory_space<vmem>>
      %dma_start3A_41 = tpu.memref_squeeze %dma_start3A_40 : memref<1x128xi32, #tpu.memory_space<vmem>> -> memref<128xi32, #tpu.memory_space<vmem>>
      %dma_start3A_42 = tpu.memref_slice %arg3[%add3A_6] : memref<8192xi32, #tpu.memory_space<hbm>> -> memref<128xi32, #tpu.memory_space<hbm>>
      %dma_start3A_43 = arith.constant 0 : i32
      %dma_start3A_44 = tpu.memref_slice %arg5[%run_scoped3A_7, %dma_start3A_43] : memref<2x128xi32, #tpu.memory_space<vmem>> -> memref<1x128xi32, #tpu.memory_space<vmem>>
      %dma_start3A_45 = tpu.memref_squeeze %dma_start3A_44 : memref<1x128xi32, #tpu.memory_space<vmem>> -> memref<128xi32, #tpu.memory_space<vmem>>
      %dma_start3A_46 = tpu.memref_slice %arg3[%add3A_6] : memref<8192xi32, #tpu.memory_space<hbm>> -> memref<128xi32, #tpu.memory_space<hbm>>
      tpu.enqueue_dma source(%dma_start3A_46 : memref<128xi32, #tpu.memory_space<hbm>>) target(%dma_start3A_45 : memref<128xi32, #tpu.memory_space<vmem>>) target_semaphore(%run_scoped3A_38 : memref<!tpu.dma_semaphore, #tpu.memory_space<semaphore_mem>>)
      %dma_wait3A_47 = arith.constant 0 : i32
      %dma_wait3A_48 = tpu.memref_slice %arg5[%run_scoped3A_7, %dma_wait3A_47] : memref<2x128xi32, #tpu.memory_space<vmem>> -> memref<1x128xi32, #tpu.memory_space<vmem>>
      %dma_wait3A_49 = tpu.memref_squeeze %dma_wait3A_48 : memref<1x128xi32, #tpu.memory_space<vmem>> -> memref<128xi32, #tpu.memory_space<vmem>>
      %dma_wait3A_50 = tpu.memref_slice %arg3[%add3A_6] : memref<8192xi32, #tpu.memory_space<hbm>> -> memref<128xi32, #tpu.memory_space<hbm>>
      %dma_wait3A_51 = arith.constant 0 : i32
      %dma_wait3A_52 = tpu.memref_slice %arg5[%run_scoped3A_7, %dma_wait3A_51] : memref<2x128xi32, #tpu.memory_space<vmem>> -> memref<1x128xi32, #tpu.memory_space<vmem>>
      %dma_wait3A_53 = tpu.memref_squeeze %dma_wait3A_52 : memref<1x128xi32, #tpu.memory_space<vmem>> -> memref<128xi32, #tpu.memory_space<vmem>>
      %dma_wait3A_54 = tpu.memref_slice %arg3[%add3A_6] : memref<8192xi32, #tpu.memory_space<hbm>> -> memref<128xi32, #tpu.memory_space<hbm>>
      tpu.wait_dma2 semaphore(%run_scoped3A_38 : memref<!tpu.dma_semaphore, #tpu.memory_space<semaphore_mem>>) src(%dma_wait3A_54 : memref<128xi32, #tpu.memory_space<hbm>>) dst(%dma_wait3A_53 : memref<128xi32, #tpu.memory_space<vmem>>)
      tpu.yield
    }) : () -> ()
    %dma_start3A = arith.constant 0 : i32
    %dma_start3A_8 = arith.constant 0 : i32
    %dma_start3A_9 = tpu.memref_slice %arg5[%dma_start3A, %dma_start3A_8] : memref<2x128xi32, #tpu.memory_space<vmem>> -> memref<1x128xi32, #tpu.memory_space<vmem>>
    %dma_start3A_10 = tpu.memref_squeeze %dma_start3A_9 : memref<1x128xi32, #tpu.memory_space<vmem>> -> memref<128xi32, #tpu.memory_space<vmem>>
    %dma_start3A_11 = arith.constant 0 : i32
    %dma_start3A_12 = arith.constant 0 : i32
    %dma_start3A_13 = tpu.memref_slice %arg2[%dma_start3A_11, %dma_start3A_12] : memref<10400x512xf32, #tpu.memory_space<hbm>> -> memref<10400x512xf32, #tpu.memory_space<hbm>>
    tpu.enqueue_indirect_dma source(%dma_start3A_13 : memref<10400x512xf32, #tpu.memory_space<hbm>>) target(%arg6 : memref<128x512xf32, #tpu.memory_space<vmem>>) offsets(%dma_start3A_10 : memref<128xi32, #tpu.memory_space<vmem>>) semaphore(%arg7 : memref<!tpu.dma_semaphore, #tpu.memory_space<semaphore_mem>>)
    %dma_wait3A = arith.constant 0 : i32
    %dma_wait3A_14 = arith.constant 0 : i32
    %dma_wait3A_15 = tpu.memref_slice %arg5[%dma_wait3A, %dma_wait3A_14] : memref<2x128xi32, #tpu.memory_space<vmem>> -> memref<1x128xi32, #tpu.memory_space<vmem>>
    %dma_wait3A_16 = tpu.memref_squeeze %dma_wait3A_15 : memref<1x128xi32, #tpu.memory_space<vmem>> -> memref<128xi32, #tpu.memory_space<vmem>>
    %dma_wait3A_17 = arith.constant 0 : i32
    %dma_wait3A_18 = arith.constant 0 : i32
    %dma_wait3A_19 = tpu.memref_slice %arg2[%dma_wait3A_17, %dma_wait3A_18] : memref<10400x512xf32, #tpu.memory_space<hbm>> -> memref<10400x512xf32, #tpu.memory_space<hbm>>
    tpu.wait_indirect_dma semaphore(%arg7 : memref<!tpu.dma_semaphore, #tpu.memory_space<semaphore_mem>>) src(%dma_wait3A_19 : memref<10400x512xf32, #tpu.memory_space<hbm>>) dst(%arg6 : memref<128x512xf32, #tpu.memory_space<vmem>>)
    %add3A_20 = arith.constant 0 : i32
    %add3A_21 = arith.addi %mul3A_2, %add3A_20 : i32
    "tpu.region"() ({
      %run_scoped3A_38 = tpu.sem_alloc : memref<!tpu.dma_semaphore, #tpu.memory_space<semaphore_mem>>
      %dma_start3A_39 = arith.constant 0 : i32
      %dma_start3A_40 = tpu.memref_slice %arg4[%add3A_21, %dma_start3A_39] : memref<8192x512xf32, #tpu.memory_space<hbm>> -> memref<128x512xf32, #tpu.memory_space<hbm>>
      %dma_start3A_41 = arith.constant 0 : i32
      %dma_start3A_42 = tpu.memref_slice %arg4[%add3A_21, %dma_start3A_41] : memref<8192x512xf32, #tpu.memory_space<hbm>> -> memref<128x512xf32, #tpu.memory_space<hbm>>
      tpu.enqueue_dma source(%arg6 : memref<128x512xf32, #tpu.memory_space<vmem>>) target(%dma_start3A_42 : memref<128x512xf32, #tpu.memory_space<hbm>>) target_semaphore(%run_scoped3A_38 : memref<!tpu.dma_semaphore, #tpu.memory_space<semaphore_mem>>)
      %dma_wait3A_43 = arith.constant 0 : i32
      %dma_wait3A_44 = tpu.memref_slice %arg4[%add3A_21, %dma_wait3A_43] : memref<8192x512xf32, #tpu.memory_space<hbm>> -> memref<128x512xf32, #tpu.memory_space<hbm>>
      %dma_wait3A_45 = arith.constant 0 : i32
      %dma_wait3A_46 = tpu.memref_slice %arg4[%add3A_21, %dma_wait3A_45] : memref<8192x512xf32, #tpu.memory_space<hbm>> -> memref<128x512xf32, #tpu.memory_space<hbm>>
      tpu.wait_dma2 semaphore(%run_scoped3A_38 : memref<!tpu.dma_semaphore, #tpu.memory_space<semaphore_mem>>) src(%arg6 : memref<128x512xf32, #tpu.memory_space<vmem>>) dst(%dma_wait3A_46 : memref<128x512xf32, #tpu.memory_space<hbm>>)
      tpu.yield
    }) : () -> ()
    %dma_start3A_22 = arith.constant 1 : i32
    %dma_start3A_23 = arith.constant 0 : i32
    %dma_start3A_24 = tpu.memref_slice %arg5[%dma_start3A_22, %dma_start3A_23] : memref<2x128xi32, #tpu.memory_space<vmem>> -> memref<1x128xi32, #tpu.memory_space<vmem>>
    %dma_start3A_25 = tpu.memref_squeeze %dma_start3A_24 : memref<1x128xi32, #tpu.memory_space<vmem>> -> memref<128xi32, #tpu.memory_space<vmem>>
    %dma_start3A_26 = arith.constant 0 : i32
    %dma_start3A_27 = arith.constant 0 : i32
    %dma_start3A_28 = tpu.memref_slice %arg2[%dma_start3A_26, %dma_start3A_27] : memref<10400x512xf32, #tpu.memory_space<hbm>> -> memref<10400x512xf32, #tpu.memory_space<hbm>>
    tpu.enqueue_indirect_dma source(%dma_start3A_28 : memref<10400x512xf32, #tpu.memory_space<hbm>>) target(%arg6 : memref<128x512xf32, #tpu.memory_space<vmem>>) offsets(%dma_start3A_25 : memref<128xi32, #tpu.memory_space<vmem>>) semaphore(%arg7 : memref<!tpu.dma_semaphore, #tpu.memory_space<semaphore_mem>>)
    %dma_wait3A_29 = arith.constant 1 : i32
    %dma_wait3A_30 = arith.constant 0 : i32
    %dma_wait3A_31 = tpu.memref_slice %arg5[%dma_wait3A_29, %dma_wait3A_30] : memref<2x128xi32, #tpu.memory_space<vmem>> -> memref<1x128xi32, #tpu.memory_space<vmem>>
    %dma_wait3A_32 = tpu.memref_squeeze %dma_wait3A_31 : memref<1x128xi32, #tpu.memory_space<vmem>> -> memref<128xi32, #tpu.memory_space<vmem>>
    %dma_wait3A_33 = arith.constant 0 : i32
    %dma_wait3A_34 = arith.constant 0 : i32
    %dma_wait3A_35 = tpu.memref_slice %arg2[%dma_wait3A_33, %dma_wait3A_34] : memref<10400x512xf32, #tpu.memory_space<hbm>> -> memref<10400x512xf32, #tpu.memory_space<hbm>>
    tpu.wait_indirect_dma semaphore(%arg7 : memref<!tpu.dma_semaphore, #tpu.memory_space<semaphore_mem>>) src(%dma_wait3A_35 : memref<10400x512xf32, #tpu.memory_space<hbm>>) dst(%arg6 : memref<128x512xf32, #tpu.memory_space<vmem>>)
    %add3A_36 = arith.constant 128 : i32
    %add3A_37 = arith.addi %mul3A_2, %add3A_36 : i32
    "tpu.region"() ({
      %run_scoped3A_38 = tpu.sem_alloc : memref<!tpu.dma_semaphore, #tpu.memory_space<semaphore_mem>>
      %dma_start3A_39 = arith.constant 0 : i32
      %dma_start3A_40 = tpu.memref_slice %arg4[%add3A_37, %dma_start3A_39] : memref<8192x512xf32, #tpu.memory_space<hbm>> -> memref<128x512xf32, #tpu.memory_space<hbm>>
      %dma_start3A_41 = arith.constant 0 : i32
      %dma_start3A_42 = tpu.memref_slice %arg4[%add3A_37, %dma_start3A_41] : memref<8192x512xf32, #tpu.memory_space<hbm>> -> memref<128x512xf32, #tpu.memory_space<hbm>>
      tpu.enqueue_dma source(%arg6 : memref<128x512xf32, #tpu.memory_space<vmem>>) target(%dma_start3A_42 : memref<128x512xf32, #tpu.memory_space<hbm>>) target_semaphore(%run_scoped3A_38 : memref<!tpu.dma_semaphore, #tpu.memory_space<semaphore_mem>>)
      %dma_wait3A_43 = arith.constant 0 : i32
      %dma_wait3A_44 = tpu.memref_slice %arg4[%add3A_37, %dma_wait3A_43] : memref<8192x512xf32, #tpu.memory_space<hbm>> -> memref<128x512xf32, #tpu.memory_space<hbm>>
      %dma_wait3A_45 = arith.constant 0 : i32
      %dma_wait3A_46 = tpu.memref_slice %arg4[%add3A_37, %dma_wait3A_45] : memref<8192x512xf32, #tpu.memory_space<hbm>> -> memref<128x512xf32, #tpu.memory_space<hbm>>
      tpu.wait_dma2 semaphore(%run_scoped3A_38 : memref<!tpu.dma_semaphore, #tpu.memory_space<semaphore_mem>>) src(%arg6 : memref<128x512xf32, #tpu.memory_space<vmem>>) dst(%dma_wait3A_46 : memref<128x512xf32, #tpu.memory_space<hbm>>)
      tpu.yield
    }) : () -> ()
    return
  }
}

module attributes {stable_mosaic.version = 14 : i64} {
  func.func @_contract_kernel(%arg0: i32, %arg1: memref<1x1x1024xi32, #tpu.memory_space<vmem>>, %arg2: memref<128x128xf32, #tpu.memory_space<vmem>>, %arg3: memref<1024x512xf32, #tpu.memory_space<vmem>>, %arg4: memref<1024x64xf32, #tpu.memory_space<vmem>>) attributes {dimension_semantics = [#tpu.dimension_semantics<arbitrary>], iteration_bounds = array<i64: 8>, scalar_prefetch = 0 : i64, scratch_operands = 0 : i64, tpu.core_type = #tpu.core_type<tc>, window_params = [{transform_indices = @transform_0, window_bounds = array<i64: 1, 1, 1024>}, {pipeline_mode = #tpu.pipeline_mode<synchronous>, transform_indices = @transform_1, window_bounds = array<i64: 128, 128>}, {transform_indices = @transform_2, window_bounds = array<i64: 1024, 512>}, {transform_indices = @transform_3, window_bounds = array<i64: 1024, 64>}]} {
    %get3A = arith.constant 0 : index
    %get3A_0 = arith.constant 0 : index
    %get3A_1 = arith.constant 0 : index
    %get3A_2 = vector.load %arg1[%get3A, %get3A_0, %get3A_1] : memref<1x1x1024xi32, #tpu.memory_space<vmem>>, vector<1x1x1024xi32>
    %get3A_3 = vector.shape_cast %get3A_2 : vector<1x1x1024xi32> to vector<1024xi32>
    %jit3A = arith.constant 10000 : i32
    %div3A = vector.broadcast %jit3A : i32 to vector<1024xi32>
    %div3A_4 = arith.divsi %get3A_3, %div3A : vector<1024xi32>
    %sign3A = arith.constant 0 : i32
    %sign3A_5 = vector.broadcast %sign3A : i32 to vector<1024xi32>
    %sign3A_6 = arith.cmpi sgt, %get3A_3, %sign3A_5 : vector<1024xi32>
    %sign3A_7 = arith.extui %sign3A_6 : vector<1024xi1> to vector<1024xi32>
    %sign3A_8 = arith.constant 0 : i32
    %sign3A_9 = vector.broadcast %sign3A_8 : i32 to vector<1024xi32>
    %sign3A_10 = arith.cmpi slt, %get3A_3, %sign3A_9 : vector<1024xi32>
    %sign3A_11 = arith.extui %sign3A_10 : vector<1024xi1> to vector<1024xi32>
    %sign3A_12 = arith.subi %sign3A_7, %sign3A_11 : vector<1024xi32>
    %sign3A_13 = arith.constant 0 : i32
    %sign3A_14 = arith.cmpi sgt, %jit3A, %sign3A_13 : i32
    %sign3A_15 = arith.extui %sign3A_14 : i1 to i32
    %sign3A_16 = arith.constant 0 : i32
    %sign3A_17 = arith.cmpi slt, %jit3A, %sign3A_16 : i32
    %sign3A_18 = arith.extui %sign3A_17 : i1 to i32
    %sign3A_19 = arith.subi %sign3A_15, %sign3A_18 : i32
    %ne3A = vector.broadcast %sign3A_19 : i32 to vector<1024xi32>
    %ne3A_20 = arith.cmpi ne, %sign3A_12, %ne3A : vector<1024xi32>
    %rem3A = vector.broadcast %jit3A : i32 to vector<1024xi32>
    %rem3A_21 = arith.remsi %get3A_3, %rem3A : vector<1024xi32>
    %ne3A_22 = arith.constant 0 : i32
    %ne3A_23 = vector.broadcast %ne3A_22 : i32 to vector<1024xi32>
    %ne3A_24 = arith.cmpi ne, %rem3A_21, %ne3A_23 : vector<1024xi32>
    %and3A = arith.andi %ne3A_20, %ne3A_24 : vector<1024xi1>
    %sub3A = arith.constant 1 : i32
    %sub3A_25 = vector.broadcast %sub3A : i32 to vector<1024xi32>
    %sub3A_26 = arith.subi %div3A_4, %sub3A_25 : vector<1024xi32>
    %select_n3A = arith.select %and3A, %sub3A_26, %div3A_4 : vector<1024xi1>, vector<1024xi32>
    %iota3A = tpu.iota {dimensions = array<i32: 0>} : vector<128x1024xi32>
    %broadcast_in_dim3A = vector.shape_cast %select_n3A : vector<1024xi32> to vector<1x1024xi32>
    %eq3A = vector.broadcast %broadcast_in_dim3A : vector<1x1024xi32> to vector<128x1024xi32>
    %eq3A_27 = arith.cmpi eq, %eq3A, %iota3A : vector<128x1024xi32>
    %convert_element_type3A = arith.extui %eq3A_27 : vector<128x1024xi1> to vector<128x1024xi32>
    %convert_element_type3A_28 = arith.sitofp %convert_element_type3A : vector<128x1024xi32> to vector<128x1024xf32>
    %get3A_29 = arith.constant 0 : index
    %get3A_30 = arith.constant 0 : index
    %get3A_31 = vector.load %arg2[%get3A_29, %get3A_30] : memref<128x128xf32, #tpu.memory_space<vmem>>, vector<128x128xf32>
    %dot_general3A = arith.constant dense<0.000000e+00> : vector<128x1024xf32>
    %dot_general3A_32 = tpu.matmul %get3A_31, %convert_element_type3A_28, %dot_general3A {dimension_numbers = #tpu.dot_dimension_numbers<[1], [0], [0], [1], [0, 0, 1, 1], [], []>, transpose_lhs_hint = false} : vector<128x128xf32>, vector<128x1024xf32>, vector<128x1024xf32> -> vector<128x1024xf32>
    %get3A_33 = arith.constant 0 : index
    %get3A_34 = arith.constant 0 : index
    %get3A_35 = vector.load %arg3[%get3A_33, %get3A_34] : memref<1024x512xf32, #tpu.memory_space<vmem>>, vector<1024x512xf32>
    %transpose3A = tpu.transpose %get3A_35, [1, 0] : vector<1024x512xf32> -> vector<512x1024xf32>
    %broadcast_in_dim3A_36 = arith.constant 0.000000e+00 : f32
    %broadcast_in_dim3A_37 = vector.broadcast %broadcast_in_dim3A_36 : f32 to vector<16x1024xf32>
    %slice3A = vector.extract_strided_slice %dot_general3A_32 {offsets = [0, 0], sizes = [1, 1024], strides = [1, 1]} : vector<128x1024xf32> to vector<1x1024xf32>
    %squeeze3A = vector.shape_cast %slice3A : vector<1x1024xf32> to vector<1024xf32>
    %broadcast_in_dim3A_38 = vector.shape_cast %squeeze3A : vector<1024xf32> to vector<1x1024xf32>
    %slice3A_39 = vector.extract_strided_slice %transpose3A {offsets = [0, 0], sizes = [16, 1024], strides = [1, 1]} : vector<512x1024xf32> to vector<16x1024xf32>
    %mul3A = vector.broadcast %broadcast_in_dim3A_38 : vector<1x1024xf32> to vector<16x1024xf32>
    %mul3A_40 = arith.mulf %mul3A, %slice3A_39 : vector<16x1024xf32>
    %add3A = arith.addf %broadcast_in_dim3A_37, %mul3A_40 : vector<16x1024xf32>
    %slice3A_41 = vector.extract_strided_slice %dot_general3A_32 {offsets = [1, 0], sizes = [1, 1024], strides = [1, 1]} : vector<128x1024xf32> to vector<1x1024xf32>
    %squeeze3A_42 = vector.shape_cast %slice3A_41 : vector<1x1024xf32> to vector<1024xf32>
    %broadcast_in_dim3A_43 = vector.shape_cast %squeeze3A_42 : vector<1024xf32> to vector<1x1024xf32>
    %slice3A_44 = vector.extract_strided_slice %transpose3A {offsets = [16, 0], sizes = [16, 1024], strides = [1, 1]} : vector<512x1024xf32> to vector<16x1024xf32>
    %mul3A_45 = vector.broadcast %broadcast_in_dim3A_43 : vector<1x1024xf32> to vector<16x1024xf32>
    %mul3A_46 = arith.mulf %mul3A_45, %slice3A_44 : vector<16x1024xf32>
    %add3A_47 = arith.addf %add3A, %mul3A_46 : vector<16x1024xf32>
    %slice3A_48 = vector.extract_strided_slice %dot_general3A_32 {offsets = [2, 0], sizes = [1, 1024], strides = [1, 1]} : vector<128x1024xf32> to vector<1x1024xf32>
    %squeeze3A_49 = vector.shape_cast %slice3A_48 : vector<1x1024xf32> to vector<1024xf32>
    %broadcast_in_dim3A_50 = vector.shape_cast %squeeze3A_49 : vector<1024xf32> to vector<1x1024xf32>
    %slice3A_51 = vector.extract_strided_slice %transpose3A {offsets = [32, 0], sizes = [16, 1024], strides = [1, 1]} : vector<512x1024xf32> to vector<16x1024xf32>
    %mul3A_52 = vector.broadcast %broadcast_in_dim3A_50 : vector<1x1024xf32> to vector<16x1024xf32>
    %mul3A_53 = arith.mulf %mul3A_52, %slice3A_51 : vector<16x1024xf32>
    %add3A_54 = arith.addf %add3A_47, %mul3A_53 : vector<16x1024xf32>
    %slice3A_55 = vector.extract_strided_slice %dot_general3A_32 {offsets = [3, 0], sizes = [1, 1024], strides = [1, 1]} : vector<128x1024xf32> to vector<1x1024xf32>
    %squeeze3A_56 = vector.shape_cast %slice3A_55 : vector<1x1024xf32> to vector<1024xf32>
    %broadcast_in_dim3A_57 = vector.shape_cast %squeeze3A_56 : vector<1024xf32> to vector<1x1024xf32>
    %slice3A_58 = vector.extract_strided_slice %transpose3A {offsets = [48, 0], sizes = [16, 1024], strides = [1, 1]} : vector<512x1024xf32> to vector<16x1024xf32>
    %mul3A_59 = vector.broadcast %broadcast_in_dim3A_57 : vector<1x1024xf32> to vector<16x1024xf32>
    %mul3A_60 = arith.mulf %mul3A_59, %slice3A_58 : vector<16x1024xf32>
    %add3A_61 = arith.addf %add3A_54, %mul3A_60 : vector<16x1024xf32>
    %slice3A_62 = vector.extract_strided_slice %dot_general3A_32 {offsets = [4, 0], sizes = [1, 1024], strides = [1, 1]} : vector<128x1024xf32> to vector<1x1024xf32>
    %squeeze3A_63 = vector.shape_cast %slice3A_62 : vector<1x1024xf32> to vector<1024xf32>
    %broadcast_in_dim3A_64 = vector.shape_cast %squeeze3A_63 : vector<1024xf32> to vector<1x1024xf32>
    %slice3A_65 = vector.extract_strided_slice %transpose3A {offsets = [64, 0], sizes = [16, 1024], strides = [1, 1]} : vector<512x1024xf32> to vector<16x1024xf32>
    %mul3A_66 = vector.broadcast %broadcast_in_dim3A_64 : vector<1x1024xf32> to vector<16x1024xf32>
    %mul3A_67 = arith.mulf %mul3A_66, %slice3A_65 : vector<16x1024xf32>
    %add3A_68 = arith.addf %add3A_61, %mul3A_67 : vector<16x1024xf32>
    %slice3A_69 = vector.extract_strided_slice %dot_general3A_32 {offsets = [5, 0], sizes = [1, 1024], strides = [1, 1]} : vector<128x1024xf32> to vector<1x1024xf32>
    %squeeze3A_70 = vector.shape_cast %slice3A_69 : vector<1x1024xf32> to vector<1024xf32>
    %broadcast_in_dim3A_71 = vector.shape_cast %squeeze3A_70 : vector<1024xf32> to vector<1x1024xf32>
    %slice3A_72 = vector.extract_strided_slice %transpose3A {offsets = [80, 0], sizes = [16, 1024], strides = [1, 1]} : vector<512x1024xf32> to vector<16x1024xf32>
    %mul3A_73 = vector.broadcast %broadcast_in_dim3A_71 : vector<1x1024xf32> to vector<16x1024xf32>
    %mul3A_74 = arith.mulf %mul3A_73, %slice3A_72 : vector<16x1024xf32>
    %add3A_75 = arith.addf %add3A_68, %mul3A_74 : vector<16x1024xf32>
    %slice3A_76 = vector.extract_strided_slice %dot_general3A_32 {offsets = [6, 0], sizes = [1, 1024], strides = [1, 1]} : vector<128x1024xf32> to vector<1x1024xf32>
    %squeeze3A_77 = vector.shape_cast %slice3A_76 : vector<1x1024xf32> to vector<1024xf32>
    %broadcast_in_dim3A_78 = vector.shape_cast %squeeze3A_77 : vector<1024xf32> to vector<1x1024xf32>
    %slice3A_79 = vector.extract_strided_slice %transpose3A {offsets = [96, 0], sizes = [16, 1024], strides = [1, 1]} : vector<512x1024xf32> to vector<16x1024xf32>
    %mul3A_80 = vector.broadcast %broadcast_in_dim3A_78 : vector<1x1024xf32> to vector<16x1024xf32>
    %mul3A_81 = arith.mulf %mul3A_80, %slice3A_79 : vector<16x1024xf32>
    %add3A_82 = arith.addf %add3A_75, %mul3A_81 : vector<16x1024xf32>
    %slice3A_83 = vector.extract_strided_slice %dot_general3A_32 {offsets = [7, 0], sizes = [1, 1024], strides = [1, 1]} : vector<128x1024xf32> to vector<1x1024xf32>
    %squeeze3A_84 = vector.shape_cast %slice3A_83 : vector<1x1024xf32> to vector<1024xf32>
    %broadcast_in_dim3A_85 = vector.shape_cast %squeeze3A_84 : vector<1024xf32> to vector<1x1024xf32>
    %slice3A_86 = vector.extract_strided_slice %transpose3A {offsets = [112, 0], sizes = [16, 1024], strides = [1, 1]} : vector<512x1024xf32> to vector<16x1024xf32>
    %mul3A_87 = vector.broadcast %broadcast_in_dim3A_85 : vector<1x1024xf32> to vector<16x1024xf32>
    %mul3A_88 = arith.mulf %mul3A_87, %slice3A_86 : vector<16x1024xf32>
    %add3A_89 = arith.addf %add3A_82, %mul3A_88 : vector<16x1024xf32>
    %slice3A_90 = vector.extract_strided_slice %dot_general3A_32 {offsets = [8, 0], sizes = [1, 1024], strides = [1, 1]} : vector<128x1024xf32> to vector<1x1024xf32>
    %squeeze3A_91 = vector.shape_cast %slice3A_90 : vector<1x1024xf32> to vector<1024xf32>
    %broadcast_in_dim3A_92 = vector.shape_cast %squeeze3A_91 : vector<1024xf32> to vector<1x1024xf32>
    %slice3A_93 = vector.extract_strided_slice %transpose3A {offsets = [128, 0], sizes = [16, 1024], strides = [1, 1]} : vector<512x1024xf32> to vector<16x1024xf32>
    %mul3A_94 = vector.broadcast %broadcast_in_dim3A_92 : vector<1x1024xf32> to vector<16x1024xf32>
    %mul3A_95 = arith.mulf %mul3A_94, %slice3A_93 : vector<16x1024xf32>
    %add3A_96 = arith.addf %add3A_89, %mul3A_95 : vector<16x1024xf32>
    %slice3A_97 = vector.extract_strided_slice %dot_general3A_32 {offsets = [9, 0], sizes = [1, 1024], strides = [1, 1]} : vector<128x1024xf32> to vector<1x1024xf32>
    %squeeze3A_98 = vector.shape_cast %slice3A_97 : vector<1x1024xf32> to vector<1024xf32>
    %broadcast_in_dim3A_99 = vector.shape_cast %squeeze3A_98 : vector<1024xf32> to vector<1x1024xf32>
    %slice3A_100 = vector.extract_strided_slice %transpose3A {offsets = [144, 0], sizes = [16, 1024], strides = [1, 1]} : vector<512x1024xf32> to vector<16x1024xf32>
    %mul3A_101 = vector.broadcast %broadcast_in_dim3A_99 : vector<1x1024xf32> to vector<16x1024xf32>
    %mul3A_102 = arith.mulf %mul3A_101, %slice3A_100 : vector<16x1024xf32>
    %add3A_103 = arith.addf %add3A_96, %mul3A_102 : vector<16x1024xf32>
    %slice3A_104 = vector.extract_strided_slice %dot_general3A_32 {offsets = [10, 0], sizes = [1, 1024], strides = [1, 1]} : vector<128x1024xf32> to vector<1x1024xf32>
    %squeeze3A_105 = vector.shape_cast %slice3A_104 : vector<1x1024xf32> to vector<1024xf32>
    %broadcast_in_dim3A_106 = vector.shape_cast %squeeze3A_105 : vector<1024xf32> to vector<1x1024xf32>
    %slice3A_107 = vector.extract_strided_slice %transpose3A {offsets = [160, 0], sizes = [16, 1024], strides = [1, 1]} : vector<512x1024xf32> to vector<16x1024xf32>
    %mul3A_108 = vector.broadcast %broadcast_in_dim3A_106 : vector<1x1024xf32> to vector<16x1024xf32>
    %mul3A_109 = arith.mulf %mul3A_108, %slice3A_107 : vector<16x1024xf32>
    %add3A_110 = arith.addf %add3A_103, %mul3A_109 : vector<16x1024xf32>
    %slice3A_111 = vector.extract_strided_slice %dot_general3A_32 {offsets = [11, 0], sizes = [1, 1024], strides = [1, 1]} : vector<128x1024xf32> to vector<1x1024xf32>
    %squeeze3A_112 = vector.shape_cast %slice3A_111 : vector<1x1024xf32> to vector<1024xf32>
    %broadcast_in_dim3A_113 = vector.shape_cast %squeeze3A_112 : vector<1024xf32> to vector<1x1024xf32>
    %slice3A_114 = vector.extract_strided_slice %transpose3A {offsets = [176, 0], sizes = [16, 1024], strides = [1, 1]} : vector<512x1024xf32> to vector<16x1024xf32>
    %mul3A_115 = vector.broadcast %broadcast_in_dim3A_113 : vector<1x1024xf32> to vector<16x1024xf32>
    %mul3A_116 = arith.mulf %mul3A_115, %slice3A_114 : vector<16x1024xf32>
    %add3A_117 = arith.addf %add3A_110, %mul3A_116 : vector<16x1024xf32>
    %slice3A_118 = vector.extract_strided_slice %dot_general3A_32 {offsets = [12, 0], sizes = [1, 1024], strides = [1, 1]} : vector<128x1024xf32> to vector<1x1024xf32>
    %squeeze3A_119 = vector.shape_cast %slice3A_118 : vector<1x1024xf32> to vector<1024xf32>
    %broadcast_in_dim3A_120 = vector.shape_cast %squeeze3A_119 : vector<1024xf32> to vector<1x1024xf32>
    %slice3A_121 = vector.extract_strided_slice %transpose3A {offsets = [192, 0], sizes = [16, 1024], strides = [1, 1]} : vector<512x1024xf32> to vector<16x1024xf32>
    %mul3A_122 = vector.broadcast %broadcast_in_dim3A_120 : vector<1x1024xf32> to vector<16x1024xf32>
    %mul3A_123 = arith.mulf %mul3A_122, %slice3A_121 : vector<16x1024xf32>
    %add3A_124 = arith.addf %add3A_117, %mul3A_123 : vector<16x1024xf32>
    %slice3A_125 = vector.extract_strided_slice %dot_general3A_32 {offsets = [13, 0], sizes = [1, 1024], strides = [1, 1]} : vector<128x1024xf32> to vector<1x1024xf32>
    %squeeze3A_126 = vector.shape_cast %slice3A_125 : vector<1x1024xf32> to vector<1024xf32>
    %broadcast_in_dim3A_127 = vector.shape_cast %squeeze3A_126 : vector<1024xf32> to vector<1x1024xf32>
    %slice3A_128 = vector.extract_strided_slice %transpose3A {offsets = [208, 0], sizes = [16, 1024], strides = [1, 1]} : vector<512x1024xf32> to vector<16x1024xf32>
    %mul3A_129 = vector.broadcast %broadcast_in_dim3A_127 : vector<1x1024xf32> to vector<16x1024xf32>
    %mul3A_130 = arith.mulf %mul3A_129, %slice3A_128 : vector<16x1024xf32>
    %add3A_131 = arith.addf %add3A_124, %mul3A_130 : vector<16x1024xf32>
    %slice3A_132 = vector.extract_strided_slice %dot_general3A_32 {offsets = [14, 0], sizes = [1, 1024], strides = [1, 1]} : vector<128x1024xf32> to vector<1x1024xf32>
    %squeeze3A_133 = vector.shape_cast %slice3A_132 : vector<1x1024xf32> to vector<1024xf32>
    %broadcast_in_dim3A_134 = vector.shape_cast %squeeze3A_133 : vector<1024xf32> to vector<1x1024xf32>
    %slice3A_135 = vector.extract_strided_slice %transpose3A {offsets = [224, 0], sizes = [16, 1024], strides = [1, 1]} : vector<512x1024xf32> to vector<16x1024xf32>
    %mul3A_136 = vector.broadcast %broadcast_in_dim3A_134 : vector<1x1024xf32> to vector<16x1024xf32>
    %mul3A_137 = arith.mulf %mul3A_136, %slice3A_135 : vector<16x1024xf32>
    %add3A_138 = arith.addf %add3A_131, %mul3A_137 : vector<16x1024xf32>
    %slice3A_139 = vector.extract_strided_slice %dot_general3A_32 {offsets = [15, 0], sizes = [1, 1024], strides = [1, 1]} : vector<128x1024xf32> to vector<1x1024xf32>
    %squeeze3A_140 = vector.shape_cast %slice3A_139 : vector<1x1024xf32> to vector<1024xf32>
    %broadcast_in_dim3A_141 = vector.shape_cast %squeeze3A_140 : vector<1024xf32> to vector<1x1024xf32>
    %slice3A_142 = vector.extract_strided_slice %transpose3A {offsets = [240, 0], sizes = [16, 1024], strides = [1, 1]} : vector<512x1024xf32> to vector<16x1024xf32>
    %mul3A_143 = vector.broadcast %broadcast_in_dim3A_141 : vector<1x1024xf32> to vector<16x1024xf32>
    %mul3A_144 = arith.mulf %mul3A_143, %slice3A_142 : vector<16x1024xf32>
    %add3A_145 = arith.addf %add3A_138, %mul3A_144 : vector<16x1024xf32>
    %slice3A_146 = vector.extract_strided_slice %dot_general3A_32 {offsets = [16, 0], sizes = [1, 1024], strides = [1, 1]} : vector<128x1024xf32> to vector<1x1024xf32>
    %squeeze3A_147 = vector.shape_cast %slice3A_146 : vector<1x1024xf32> to vector<1024xf32>
    %broadcast_in_dim3A_148 = vector.shape_cast %squeeze3A_147 : vector<1024xf32> to vector<1x1024xf32>
    %slice3A_149 = vector.extract_strided_slice %transpose3A {offsets = [256, 0], sizes = [16, 1024], strides = [1, 1]} : vector<512x1024xf32> to vector<16x1024xf32>
    %mul3A_150 = vector.broadcast %broadcast_in_dim3A_148 : vector<1x1024xf32> to vector<16x1024xf32>
    %mul3A_151 = arith.mulf %mul3A_150, %slice3A_149 : vector<16x1024xf32>
    %add3A_152 = arith.addf %add3A_145, %mul3A_151 : vector<16x1024xf32>
    %slice3A_153 = vector.extract_strided_slice %dot_general3A_32 {offsets = [17, 0], sizes = [1, 1024], strides = [1, 1]} : vector<128x1024xf32> to vector<1x1024xf32>
    %squeeze3A_154 = vector.shape_cast %slice3A_153 : vector<1x1024xf32> to vector<1024xf32>
    %broadcast_in_dim3A_155 = vector.shape_cast %squeeze3A_154 : vector<1024xf32> to vector<1x1024xf32>
    %slice3A_156 = vector.extract_strided_slice %transpose3A {offsets = [272, 0], sizes = [16, 1024], strides = [1, 1]} : vector<512x1024xf32> to vector<16x1024xf32>
    %mul3A_157 = vector.broadcast %broadcast_in_dim3A_155 : vector<1x1024xf32> to vector<16x1024xf32>
    %mul3A_158 = arith.mulf %mul3A_157, %slice3A_156 : vector<16x1024xf32>
    %add3A_159 = arith.addf %add3A_152, %mul3A_158 : vector<16x1024xf32>
    %slice3A_160 = vector.extract_strided_slice %dot_general3A_32 {offsets = [18, 0], sizes = [1, 1024], strides = [1, 1]} : vector<128x1024xf32> to vector<1x1024xf32>
    %squeeze3A_161 = vector.shape_cast %slice3A_160 : vector<1x1024xf32> to vector<1024xf32>
    %broadcast_in_dim3A_162 = vector.shape_cast %squeeze3A_161 : vector<1024xf32> to vector<1x1024xf32>
    %slice3A_163 = vector.extract_strided_slice %transpose3A {offsets = [288, 0], sizes = [16, 1024], strides = [1, 1]} : vector<512x1024xf32> to vector<16x1024xf32>
    %mul3A_164 = vector.broadcast %broadcast_in_dim3A_162 : vector<1x1024xf32> to vector<16x1024xf32>
    %mul3A_165 = arith.mulf %mul3A_164, %slice3A_163 : vector<16x1024xf32>
    %add3A_166 = arith.addf %add3A_159, %mul3A_165 : vector<16x1024xf32>
    %slice3A_167 = vector.extract_strided_slice %dot_general3A_32 {offsets = [19, 0], sizes = [1, 1024], strides = [1, 1]} : vector<128x1024xf32> to vector<1x1024xf32>
    %squeeze3A_168 = vector.shape_cast %slice3A_167 : vector<1x1024xf32> to vector<1024xf32>
    %broadcast_in_dim3A_169 = vector.shape_cast %squeeze3A_168 : vector<1024xf32> to vector<1x1024xf32>
    %slice3A_170 = vector.extract_strided_slice %transpose3A {offsets = [304, 0], sizes = [16, 1024], strides = [1, 1]} : vector<512x1024xf32> to vector<16x1024xf32>
    %mul3A_171 = vector.broadcast %broadcast_in_dim3A_169 : vector<1x1024xf32> to vector<16x1024xf32>
    %mul3A_172 = arith.mulf %mul3A_171, %slice3A_170 : vector<16x1024xf32>
    %add3A_173 = arith.addf %add3A_166, %mul3A_172 : vector<16x1024xf32>
    %slice3A_174 = vector.extract_strided_slice %dot_general3A_32 {offsets = [20, 0], sizes = [1, 1024], strides = [1, 1]} : vector<128x1024xf32> to vector<1x1024xf32>
    %squeeze3A_175 = vector.shape_cast %slice3A_174 : vector<1x1024xf32> to vector<1024xf32>
    %broadcast_in_dim3A_176 = vector.shape_cast %squeeze3A_175 : vector<1024xf32> to vector<1x1024xf32>
    %slice3A_177 = vector.extract_strided_slice %transpose3A {offsets = [320, 0], sizes = [16, 1024], strides = [1, 1]} : vector<512x1024xf32> to vector<16x1024xf32>
    %mul3A_178 = vector.broadcast %broadcast_in_dim3A_176 : vector<1x1024xf32> to vector<16x1024xf32>
    %mul3A_179 = arith.mulf %mul3A_178, %slice3A_177 : vector<16x1024xf32>
    %add3A_180 = arith.addf %add3A_173, %mul3A_179 : vector<16x1024xf32>
    %slice3A_181 = vector.extract_strided_slice %dot_general3A_32 {offsets = [21, 0], sizes = [1, 1024], strides = [1, 1]} : vector<128x1024xf32> to vector<1x1024xf32>
    %squeeze3A_182 = vector.shape_cast %slice3A_181 : vector<1x1024xf32> to vector<1024xf32>
    %broadcast_in_dim3A_183 = vector.shape_cast %squeeze3A_182 : vector<1024xf32> to vector<1x1024xf32>
    %slice3A_184 = vector.extract_strided_slice %transpose3A {offsets = [336, 0], sizes = [16, 1024], strides = [1, 1]} : vector<512x1024xf32> to vector<16x1024xf32>
    %mul3A_185 = vector.broadcast %broadcast_in_dim3A_183 : vector<1x1024xf32> to vector<16x1024xf32>
    %mul3A_186 = arith.mulf %mul3A_185, %slice3A_184 : vector<16x1024xf32>
    %add3A_187 = arith.addf %add3A_180, %mul3A_186 : vector<16x1024xf32>
    %slice3A_188 = vector.extract_strided_slice %dot_general3A_32 {offsets = [22, 0], sizes = [1, 1024], strides = [1, 1]} : vector<128x1024xf32> to vector<1x1024xf32>
    %squeeze3A_189 = vector.shape_cast %slice3A_188 : vector<1x1024xf32> to vector<1024xf32>
    %broadcast_in_dim3A_190 = vector.shape_cast %squeeze3A_189 : vector<1024xf32> to vector<1x1024xf32>
    %slice3A_191 = vector.extract_strided_slice %transpose3A {offsets = [352, 0], sizes = [16, 1024], strides = [1, 1]} : vector<512x1024xf32> to vector<16x1024xf32>
    %mul3A_192 = vector.broadcast %broadcast_in_dim3A_190 : vector<1x1024xf32> to vector<16x1024xf32>
    %mul3A_193 = arith.mulf %mul3A_192, %slice3A_191 : vector<16x1024xf32>
    %add3A_194 = arith.addf %add3A_187, %mul3A_193 : vector<16x1024xf32>
    %slice3A_195 = vector.extract_strided_slice %dot_general3A_32 {offsets = [23, 0], sizes = [1, 1024], strides = [1, 1]} : vector<128x1024xf32> to vector<1x1024xf32>
    %squeeze3A_196 = vector.shape_cast %slice3A_195 : vector<1x1024xf32> to vector<1024xf32>
    %broadcast_in_dim3A_197 = vector.shape_cast %squeeze3A_196 : vector<1024xf32> to vector<1x1024xf32>
    %slice3A_198 = vector.extract_strided_slice %transpose3A {offsets = [368, 0], sizes = [16, 1024], strides = [1, 1]} : vector<512x1024xf32> to vector<16x1024xf32>
    %mul3A_199 = vector.broadcast %broadcast_in_dim3A_197 : vector<1x1024xf32> to vector<16x1024xf32>
    %mul3A_200 = arith.mulf %mul3A_199, %slice3A_198 : vector<16x1024xf32>
    %add3A_201 = arith.addf %add3A_194, %mul3A_200 : vector<16x1024xf32>
    %slice3A_202 = vector.extract_strided_slice %dot_general3A_32 {offsets = [24, 0], sizes = [1, 1024], strides = [1, 1]} : vector<128x1024xf32> to vector<1x1024xf32>
    %squeeze3A_203 = vector.shape_cast %slice3A_202 : vector<1x1024xf32> to vector<1024xf32>
    %broadcast_in_dim3A_204 = vector.shape_cast %squeeze3A_203 : vector<1024xf32> to vector<1x1024xf32>
    %slice3A_205 = vector.extract_strided_slice %transpose3A {offsets = [384, 0], sizes = [16, 1024], strides = [1, 1]} : vector<512x1024xf32> to vector<16x1024xf32>
    %mul3A_206 = vector.broadcast %broadcast_in_dim3A_204 : vector<1x1024xf32> to vector<16x1024xf32>
    %mul3A_207 = arith.mulf %mul3A_206, %slice3A_205 : vector<16x1024xf32>
    %add3A_208 = arith.addf %add3A_201, %mul3A_207 : vector<16x1024xf32>
    %slice3A_209 = vector.extract_strided_slice %dot_general3A_32 {offsets = [25, 0], sizes = [1, 1024], strides = [1, 1]} : vector<128x1024xf32> to vector<1x1024xf32>
    %squeeze3A_210 = vector.shape_cast %slice3A_209 : vector<1x1024xf32> to vector<1024xf32>
    %broadcast_in_dim3A_211 = vector.shape_cast %squeeze3A_210 : vector<1024xf32> to vector<1x1024xf32>
    %slice3A_212 = vector.extract_strided_slice %transpose3A {offsets = [400, 0], sizes = [16, 1024], strides = [1, 1]} : vector<512x1024xf32> to vector<16x1024xf32>
    %mul3A_213 = vector.broadcast %broadcast_in_dim3A_211 : vector<1x1024xf32> to vector<16x1024xf32>
    %mul3A_214 = arith.mulf %mul3A_213, %slice3A_212 : vector<16x1024xf32>
    %add3A_215 = arith.addf %add3A_208, %mul3A_214 : vector<16x1024xf32>
    %slice3A_216 = vector.extract_strided_slice %dot_general3A_32 {offsets = [26, 0], sizes = [1, 1024], strides = [1, 1]} : vector<128x1024xf32> to vector<1x1024xf32>
    %squeeze3A_217 = vector.shape_cast %slice3A_216 : vector<1x1024xf32> to vector<1024xf32>
    %broadcast_in_dim3A_218 = vector.shape_cast %squeeze3A_217 : vector<1024xf32> to vector<1x1024xf32>
    %slice3A_219 = vector.extract_strided_slice %transpose3A {offsets = [416, 0], sizes = [16, 1024], strides = [1, 1]} : vector<512x1024xf32> to vector<16x1024xf32>
    %mul3A_220 = vector.broadcast %broadcast_in_dim3A_218 : vector<1x1024xf32> to vector<16x1024xf32>
    %mul3A_221 = arith.mulf %mul3A_220, %slice3A_219 : vector<16x1024xf32>
    %add3A_222 = arith.addf %add3A_215, %mul3A_221 : vector<16x1024xf32>
    %slice3A_223 = vector.extract_strided_slice %dot_general3A_32 {offsets = [27, 0], sizes = [1, 1024], strides = [1, 1]} : vector<128x1024xf32> to vector<1x1024xf32>
    %squeeze3A_224 = vector.shape_cast %slice3A_223 : vector<1x1024xf32> to vector<1024xf32>
    %broadcast_in_dim3A_225 = vector.shape_cast %squeeze3A_224 : vector<1024xf32> to vector<1x1024xf32>
    %slice3A_226 = vector.extract_strided_slice %transpose3A {offsets = [432, 0], sizes = [16, 1024], strides = [1, 1]} : vector<512x1024xf32> to vector<16x1024xf32>
    %mul3A_227 = vector.broadcast %broadcast_in_dim3A_225 : vector<1x1024xf32> to vector<16x1024xf32>
    %mul3A_228 = arith.mulf %mul3A_227, %slice3A_226 : vector<16x1024xf32>
    %add3A_229 = arith.addf %add3A_222, %mul3A_228 : vector<16x1024xf32>
    %slice3A_230 = vector.extract_strided_slice %dot_general3A_32 {offsets = [28, 0], sizes = [1, 1024], strides = [1, 1]} : vector<128x1024xf32> to vector<1x1024xf32>
    %squeeze3A_231 = vector.shape_cast %slice3A_230 : vector<1x1024xf32> to vector<1024xf32>
    %broadcast_in_dim3A_232 = vector.shape_cast %squeeze3A_231 : vector<1024xf32> to vector<1x1024xf32>
    %slice3A_233 = vector.extract_strided_slice %transpose3A {offsets = [448, 0], sizes = [16, 1024], strides = [1, 1]} : vector<512x1024xf32> to vector<16x1024xf32>
    %mul3A_234 = vector.broadcast %broadcast_in_dim3A_232 : vector<1x1024xf32> to vector<16x1024xf32>
    %mul3A_235 = arith.mulf %mul3A_234, %slice3A_233 : vector<16x1024xf32>
    %add3A_236 = arith.addf %add3A_229, %mul3A_235 : vector<16x1024xf32>
    %slice3A_237 = vector.extract_strided_slice %dot_general3A_32 {offsets = [29, 0], sizes = [1, 1024], strides = [1, 1]} : vector<128x1024xf32> to vector<1x1024xf32>
    %squeeze3A_238 = vector.shape_cast %slice3A_237 : vector<1x1024xf32> to vector<1024xf32>
    %broadcast_in_dim3A_239 = vector.shape_cast %squeeze3A_238 : vector<1024xf32> to vector<1x1024xf32>
    %slice3A_240 = vector.extract_strided_slice %transpose3A {offsets = [464, 0], sizes = [16, 1024], strides = [1, 1]} : vector<512x1024xf32> to vector<16x1024xf32>
    %mul3A_241 = vector.broadcast %broadcast_in_dim3A_239 : vector<1x1024xf32> to vector<16x1024xf32>
    %mul3A_242 = arith.mulf %mul3A_241, %slice3A_240 : vector<16x1024xf32>
    %add3A_243 = arith.addf %add3A_236, %mul3A_242 : vector<16x1024xf32>
    %slice3A_244 = vector.extract_strided_slice %dot_general3A_32 {offsets = [30, 0], sizes = [1, 1024], strides = [1, 1]} : vector<128x1024xf32> to vector<1x1024xf32>
    %squeeze3A_245 = vector.shape_cast %slice3A_244 : vector<1x1024xf32> to vector<1024xf32>
    %broadcast_in_dim3A_246 = vector.shape_cast %squeeze3A_245 : vector<1024xf32> to vector<1x1024xf32>
    %slice3A_247 = vector.extract_strided_slice %transpose3A {offsets = [480, 0], sizes = [16, 1024], strides = [1, 1]} : vector<512x1024xf32> to vector<16x1024xf32>
    %mul3A_248 = vector.broadcast %broadcast_in_dim3A_246 : vector<1x1024xf32> to vector<16x1024xf32>
    %mul3A_249 = arith.mulf %mul3A_248, %slice3A_247 : vector<16x1024xf32>
    %add3A_250 = arith.addf %add3A_243, %mul3A_249 : vector<16x1024xf32>
    %slice3A_251 = vector.extract_strided_slice %dot_general3A_32 {offsets = [31, 0], sizes = [1, 1024], strides = [1, 1]} : vector<128x1024xf32> to vector<1x1024xf32>
    %squeeze3A_252 = vector.shape_cast %slice3A_251 : vector<1x1024xf32> to vector<1024xf32>
    %broadcast_in_dim3A_253 = vector.shape_cast %squeeze3A_252 : vector<1024xf32> to vector<1x1024xf32>
    %slice3A_254 = vector.extract_strided_slice %transpose3A {offsets = [496, 0], sizes = [16, 1024], strides = [1, 1]} : vector<512x1024xf32> to vector<16x1024xf32>
    %mul3A_255 = vector.broadcast %broadcast_in_dim3A_253 : vector<1x1024xf32> to vector<16x1024xf32>
    %mul3A_256 = arith.mulf %mul3A_255, %slice3A_254 : vector<16x1024xf32>
    %add3A_257 = arith.addf %add3A_250, %mul3A_256 : vector<16x1024xf32>
    %broadcast_in_dim3A_258 = arith.constant 0.000000e+00 : f32
    %broadcast_in_dim3A_259 = vector.broadcast %broadcast_in_dim3A_258 : f32 to vector<16x1024xf32>
    %slice3A_260 = vector.extract_strided_slice %dot_general3A_32 {offsets = [32, 0], sizes = [1, 1024], strides = [1, 1]} : vector<128x1024xf32> to vector<1x1024xf32>
    %squeeze3A_261 = vector.shape_cast %slice3A_260 : vector<1x1024xf32> to vector<1024xf32>
    %broadcast_in_dim3A_262 = vector.shape_cast %squeeze3A_261 : vector<1024xf32> to vector<1x1024xf32>
    %slice3A_263 = vector.extract_strided_slice %transpose3A {offsets = [0, 0], sizes = [16, 1024], strides = [1, 1]} : vector<512x1024xf32> to vector<16x1024xf32>
    %mul3A_264 = vector.broadcast %broadcast_in_dim3A_262 : vector<1x1024xf32> to vector<16x1024xf32>
    %mul3A_265 = arith.mulf %mul3A_264, %slice3A_263 : vector<16x1024xf32>
    %add3A_266 = arith.addf %broadcast_in_dim3A_259, %mul3A_265 : vector<16x1024xf32>
    %slice3A_267 = vector.extract_strided_slice %dot_general3A_32 {offsets = [33, 0], sizes = [1, 1024], strides = [1, 1]} : vector<128x1024xf32> to vector<1x1024xf32>
    %squeeze3A_268 = vector.shape_cast %slice3A_267 : vector<1x1024xf32> to vector<1024xf32>
    %broadcast_in_dim3A_269 = vector.shape_cast %squeeze3A_268 : vector<1024xf32> to vector<1x1024xf32>
    %slice3A_270 = vector.extract_strided_slice %transpose3A {offsets = [16, 0], sizes = [16, 1024], strides = [1, 1]} : vector<512x1024xf32> to vector<16x1024xf32>
    %mul3A_271 = vector.broadcast %broadcast_in_dim3A_269 : vector<1x1024xf32> to vector<16x1024xf32>
    %mul3A_272 = arith.mulf %mul3A_271, %slice3A_270 : vector<16x1024xf32>
    %add3A_273 = arith.addf %add3A_266, %mul3A_272 : vector<16x1024xf32>
    %slice3A_274 = vector.extract_strided_slice %dot_general3A_32 {offsets = [34, 0], sizes = [1, 1024], strides = [1, 1]} : vector<128x1024xf32> to vector<1x1024xf32>
    %squeeze3A_275 = vector.shape_cast %slice3A_274 : vector<1x1024xf32> to vector<1024xf32>
    %broadcast_in_dim3A_276 = vector.shape_cast %squeeze3A_275 : vector<1024xf32> to vector<1x1024xf32>
    %slice3A_277 = vector.extract_strided_slice %transpose3A {offsets = [32, 0], sizes = [16, 1024], strides = [1, 1]} : vector<512x1024xf32> to vector<16x1024xf32>
    %mul3A_278 = vector.broadcast %broadcast_in_dim3A_276 : vector<1x1024xf32> to vector<16x1024xf32>
    %mul3A_279 = arith.mulf %mul3A_278, %slice3A_277 : vector<16x1024xf32>
    %add3A_280 = arith.addf %add3A_273, %mul3A_279 : vector<16x1024xf32>
    %slice3A_281 = vector.extract_strided_slice %dot_general3A_32 {offsets = [35, 0], sizes = [1, 1024], strides = [1, 1]} : vector<128x1024xf32> to vector<1x1024xf32>
    %squeeze3A_282 = vector.shape_cast %slice3A_281 : vector<1x1024xf32> to vector<1024xf32>
    %broadcast_in_dim3A_283 = vector.shape_cast %squeeze3A_282 : vector<1024xf32> to vector<1x1024xf32>
    %slice3A_284 = vector.extract_strided_slice %transpose3A {offsets = [48, 0], sizes = [16, 1024], strides = [1, 1]} : vector<512x1024xf32> to vector<16x1024xf32>
    %mul3A_285 = vector.broadcast %broadcast_in_dim3A_283 : vector<1x1024xf32> to vector<16x1024xf32>
    %mul3A_286 = arith.mulf %mul3A_285, %slice3A_284 : vector<16x1024xf32>
    %add3A_287 = arith.addf %add3A_280, %mul3A_286 : vector<16x1024xf32>
    %slice3A_288 = vector.extract_strided_slice %dot_general3A_32 {offsets = [36, 0], sizes = [1, 1024], strides = [1, 1]} : vector<128x1024xf32> to vector<1x1024xf32>
    %squeeze3A_289 = vector.shape_cast %slice3A_288 : vector<1x1024xf32> to vector<1024xf32>
    %broadcast_in_dim3A_290 = vector.shape_cast %squeeze3A_289 : vector<1024xf32> to vector<1x1024xf32>
    %slice3A_291 = vector.extract_strided_slice %transpose3A {offsets = [64, 0], sizes = [16, 1024], strides = [1, 1]} : vector<512x1024xf32> to vector<16x1024xf32>
    %mul3A_292 = vector.broadcast %broadcast_in_dim3A_290 : vector<1x1024xf32> to vector<16x1024xf32>
    %mul3A_293 = arith.mulf %mul3A_292, %slice3A_291 : vector<16x1024xf32>
    %add3A_294 = arith.addf %add3A_287, %mul3A_293 : vector<16x1024xf32>
    %slice3A_295 = vector.extract_strided_slice %dot_general3A_32 {offsets = [37, 0], sizes = [1, 1024], strides = [1, 1]} : vector<128x1024xf32> to vector<1x1024xf32>
    %squeeze3A_296 = vector.shape_cast %slice3A_295 : vector<1x1024xf32> to vector<1024xf32>
    %broadcast_in_dim3A_297 = vector.shape_cast %squeeze3A_296 : vector<1024xf32> to vector<1x1024xf32>
    %slice3A_298 = vector.extract_strided_slice %transpose3A {offsets = [80, 0], sizes = [16, 1024], strides = [1, 1]} : vector<512x1024xf32> to vector<16x1024xf32>
    %mul3A_299 = vector.broadcast %broadcast_in_dim3A_297 : vector<1x1024xf32> to vector<16x1024xf32>
    %mul3A_300 = arith.mulf %mul3A_299, %slice3A_298 : vector<16x1024xf32>
    %add3A_301 = arith.addf %add3A_294, %mul3A_300 : vector<16x1024xf32>
    %slice3A_302 = vector.extract_strided_slice %dot_general3A_32 {offsets = [38, 0], sizes = [1, 1024], strides = [1, 1]} : vector<128x1024xf32> to vector<1x1024xf32>
    %squeeze3A_303 = vector.shape_cast %slice3A_302 : vector<1x1024xf32> to vector<1024xf32>
    %broadcast_in_dim3A_304 = vector.shape_cast %squeeze3A_303 : vector<1024xf32> to vector<1x1024xf32>
    %slice3A_305 = vector.extract_strided_slice %transpose3A {offsets = [96, 0], sizes = [16, 1024], strides = [1, 1]} : vector<512x1024xf32> to vector<16x1024xf32>
    %mul3A_306 = vector.broadcast %broadcast_in_dim3A_304 : vector<1x1024xf32> to vector<16x1024xf32>
    %mul3A_307 = arith.mulf %mul3A_306, %slice3A_305 : vector<16x1024xf32>
    %add3A_308 = arith.addf %add3A_301, %mul3A_307 : vector<16x1024xf32>
    %slice3A_309 = vector.extract_strided_slice %dot_general3A_32 {offsets = [39, 0], sizes = [1, 1024], strides = [1, 1]} : vector<128x1024xf32> to vector<1x1024xf32>
    %squeeze3A_310 = vector.shape_cast %slice3A_309 : vector<1x1024xf32> to vector<1024xf32>
    %broadcast_in_dim3A_311 = vector.shape_cast %squeeze3A_310 : vector<1024xf32> to vector<1x1024xf32>
    %slice3A_312 = vector.extract_strided_slice %transpose3A {offsets = [112, 0], sizes = [16, 1024], strides = [1, 1]} : vector<512x1024xf32> to vector<16x1024xf32>
    %mul3A_313 = vector.broadcast %broadcast_in_dim3A_311 : vector<1x1024xf32> to vector<16x1024xf32>
    %mul3A_314 = arith.mulf %mul3A_313, %slice3A_312 : vector<16x1024xf32>
    %add3A_315 = arith.addf %add3A_308, %mul3A_314 : vector<16x1024xf32>
    %slice3A_316 = vector.extract_strided_slice %dot_general3A_32 {offsets = [40, 0], sizes = [1, 1024], strides = [1, 1]} : vector<128x1024xf32> to vector<1x1024xf32>
    %squeeze3A_317 = vector.shape_cast %slice3A_316 : vector<1x1024xf32> to vector<1024xf32>
    %broadcast_in_dim3A_318 = vector.shape_cast %squeeze3A_317 : vector<1024xf32> to vector<1x1024xf32>
    %slice3A_319 = vector.extract_strided_slice %transpose3A {offsets = [128, 0], sizes = [16, 1024], strides = [1, 1]} : vector<512x1024xf32> to vector<16x1024xf32>
    %mul3A_320 = vector.broadcast %broadcast_in_dim3A_318 : vector<1x1024xf32> to vector<16x1024xf32>
    %mul3A_321 = arith.mulf %mul3A_320, %slice3A_319 : vector<16x1024xf32>
    %add3A_322 = arith.addf %add3A_315, %mul3A_321 : vector<16x1024xf32>
    %slice3A_323 = vector.extract_strided_slice %dot_general3A_32 {offsets = [41, 0], sizes = [1, 1024], strides = [1, 1]} : vector<128x1024xf32> to vector<1x1024xf32>
    %squeeze3A_324 = vector.shape_cast %slice3A_323 : vector<1x1024xf32> to vector<1024xf32>
    %broadcast_in_dim3A_325 = vector.shape_cast %squeeze3A_324 : vector<1024xf32> to vector<1x1024xf32>
    %slice3A_326 = vector.extract_strided_slice %transpose3A {offsets = [144, 0], sizes = [16, 1024], strides = [1, 1]} : vector<512x1024xf32> to vector<16x1024xf32>
    %mul3A_327 = vector.broadcast %broadcast_in_dim3A_325 : vector<1x1024xf32> to vector<16x1024xf32>
    %mul3A_328 = arith.mulf %mul3A_327, %slice3A_326 : vector<16x1024xf32>
    %add3A_329 = arith.addf %add3A_322, %mul3A_328 : vector<16x1024xf32>
    %slice3A_330 = vector.extract_strided_slice %dot_general3A_32 {offsets = [42, 0], sizes = [1, 1024], strides = [1, 1]} : vector<128x1024xf32> to vector<1x1024xf32>
    %squeeze3A_331 = vector.shape_cast %slice3A_330 : vector<1x1024xf32> to vector<1024xf32>
    %broadcast_in_dim3A_332 = vector.shape_cast %squeeze3A_331 : vector<1024xf32> to vector<1x1024xf32>
    %slice3A_333 = vector.extract_strided_slice %transpose3A {offsets = [160, 0], sizes = [16, 1024], strides = [1, 1]} : vector<512x1024xf32> to vector<16x1024xf32>
    %mul3A_334 = vector.broadcast %broadcast_in_dim3A_332 : vector<1x1024xf32> to vector<16x1024xf32>
    %mul3A_335 = arith.mulf %mul3A_334, %slice3A_333 : vector<16x1024xf32>
    %add3A_336 = arith.addf %add3A_329, %mul3A_335 : vector<16x1024xf32>
    %slice3A_337 = vector.extract_strided_slice %dot_general3A_32 {offsets = [43, 0], sizes = [1, 1024], strides = [1, 1]} : vector<128x1024xf32> to vector<1x1024xf32>
    %squeeze3A_338 = vector.shape_cast %slice3A_337 : vector<1x1024xf32> to vector<1024xf32>
    %broadcast_in_dim3A_339 = vector.shape_cast %squeeze3A_338 : vector<1024xf32> to vector<1x1024xf32>
    %slice3A_340 = vector.extract_strided_slice %transpose3A {offsets = [176, 0], sizes = [16, 1024], strides = [1, 1]} : vector<512x1024xf32> to vector<16x1024xf32>
    %mul3A_341 = vector.broadcast %broadcast_in_dim3A_339 : vector<1x1024xf32> to vector<16x1024xf32>
    %mul3A_342 = arith.mulf %mul3A_341, %slice3A_340 : vector<16x1024xf32>
    %add3A_343 = arith.addf %add3A_336, %mul3A_342 : vector<16x1024xf32>
    %slice3A_344 = vector.extract_strided_slice %dot_general3A_32 {offsets = [44, 0], sizes = [1, 1024], strides = [1, 1]} : vector<128x1024xf32> to vector<1x1024xf32>
    %squeeze3A_345 = vector.shape_cast %slice3A_344 : vector<1x1024xf32> to vector<1024xf32>
    %broadcast_in_dim3A_346 = vector.shape_cast %squeeze3A_345 : vector<1024xf32> to vector<1x1024xf32>
    %slice3A_347 = vector.extract_strided_slice %transpose3A {offsets = [192, 0], sizes = [16, 1024], strides = [1, 1]} : vector<512x1024xf32> to vector<16x1024xf32>
    %mul3A_348 = vector.broadcast %broadcast_in_dim3A_346 : vector<1x1024xf32> to vector<16x1024xf32>
    %mul3A_349 = arith.mulf %mul3A_348, %slice3A_347 : vector<16x1024xf32>
    %add3A_350 = arith.addf %add3A_343, %mul3A_349 : vector<16x1024xf32>
    %slice3A_351 = vector.extract_strided_slice %dot_general3A_32 {offsets = [45, 0], sizes = [1, 1024], strides = [1, 1]} : vector<128x1024xf32> to vector<1x1024xf32>
    %squeeze3A_352 = vector.shape_cast %slice3A_351 : vector<1x1024xf32> to vector<1024xf32>
    %broadcast_in_dim3A_353 = vector.shape_cast %squeeze3A_352 : vector<1024xf32> to vector<1x1024xf32>
    %slice3A_354 = vector.extract_strided_slice %transpose3A {offsets = [208, 0], sizes = [16, 1024], strides = [1, 1]} : vector<512x1024xf32> to vector<16x1024xf32>
    %mul3A_355 = vector.broadcast %broadcast_in_dim3A_353 : vector<1x1024xf32> to vector<16x1024xf32>
    %mul3A_356 = arith.mulf %mul3A_355, %slice3A_354 : vector<16x1024xf32>
    %add3A_357 = arith.addf %add3A_350, %mul3A_356 : vector<16x1024xf32>
    %slice3A_358 = vector.extract_strided_slice %dot_general3A_32 {offsets = [46, 0], sizes = [1, 1024], strides = [1, 1]} : vector<128x1024xf32> to vector<1x1024xf32>
    %squeeze3A_359 = vector.shape_cast %slice3A_358 : vector<1x1024xf32> to vector<1024xf32>
    %broadcast_in_dim3A_360 = vector.shape_cast %squeeze3A_359 : vector<1024xf32> to vector<1x1024xf32>
    %slice3A_361 = vector.extract_strided_slice %transpose3A {offsets = [224, 0], sizes = [16, 1024], strides = [1, 1]} : vector<512x1024xf32> to vector<16x1024xf32>
    %mul3A_362 = vector.broadcast %broadcast_in_dim3A_360 : vector<1x1024xf32> to vector<16x1024xf32>
    %mul3A_363 = arith.mulf %mul3A_362, %slice3A_361 : vector<16x1024xf32>
    %add3A_364 = arith.addf %add3A_357, %mul3A_363 : vector<16x1024xf32>
    %slice3A_365 = vector.extract_strided_slice %dot_general3A_32 {offsets = [47, 0], sizes = [1, 1024], strides = [1, 1]} : vector<128x1024xf32> to vector<1x1024xf32>
    %squeeze3A_366 = vector.shape_cast %slice3A_365 : vector<1x1024xf32> to vector<1024xf32>
    %broadcast_in_dim3A_367 = vector.shape_cast %squeeze3A_366 : vector<1024xf32> to vector<1x1024xf32>
    %slice3A_368 = vector.extract_strided_slice %transpose3A {offsets = [240, 0], sizes = [16, 1024], strides = [1, 1]} : vector<512x1024xf32> to vector<16x1024xf32>
    %mul3A_369 = vector.broadcast %broadcast_in_dim3A_367 : vector<1x1024xf32> to vector<16x1024xf32>
    %mul3A_370 = arith.mulf %mul3A_369, %slice3A_368 : vector<16x1024xf32>
    %add3A_371 = arith.addf %add3A_364, %mul3A_370 : vector<16x1024xf32>
    %slice3A_372 = vector.extract_strided_slice %dot_general3A_32 {offsets = [48, 0], sizes = [1, 1024], strides = [1, 1]} : vector<128x1024xf32> to vector<1x1024xf32>
    %squeeze3A_373 = vector.shape_cast %slice3A_372 : vector<1x1024xf32> to vector<1024xf32>
    %broadcast_in_dim3A_374 = vector.shape_cast %squeeze3A_373 : vector<1024xf32> to vector<1x1024xf32>
    %slice3A_375 = vector.extract_strided_slice %transpose3A {offsets = [256, 0], sizes = [16, 1024], strides = [1, 1]} : vector<512x1024xf32> to vector<16x1024xf32>
    %mul3A_376 = vector.broadcast %broadcast_in_dim3A_374 : vector<1x1024xf32> to vector<16x1024xf32>
    %mul3A_377 = arith.mulf %mul3A_376, %slice3A_375 : vector<16x1024xf32>
    %add3A_378 = arith.addf %add3A_371, %mul3A_377 : vector<16x1024xf32>
    %slice3A_379 = vector.extract_strided_slice %dot_general3A_32 {offsets = [49, 0], sizes = [1, 1024], strides = [1, 1]} : vector<128x1024xf32> to vector<1x1024xf32>
    %squeeze3A_380 = vector.shape_cast %slice3A_379 : vector<1x1024xf32> to vector<1024xf32>
    %broadcast_in_dim3A_381 = vector.shape_cast %squeeze3A_380 : vector<1024xf32> to vector<1x1024xf32>
    %slice3A_382 = vector.extract_strided_slice %transpose3A {offsets = [272, 0], sizes = [16, 1024], strides = [1, 1]} : vector<512x1024xf32> to vector<16x1024xf32>
    %mul3A_383 = vector.broadcast %broadcast_in_dim3A_381 : vector<1x1024xf32> to vector<16x1024xf32>
    %mul3A_384 = arith.mulf %mul3A_383, %slice3A_382 : vector<16x1024xf32>
    %add3A_385 = arith.addf %add3A_378, %mul3A_384 : vector<16x1024xf32>
    %slice3A_386 = vector.extract_strided_slice %dot_general3A_32 {offsets = [50, 0], sizes = [1, 1024], strides = [1, 1]} : vector<128x1024xf32> to vector<1x1024xf32>
    %squeeze3A_387 = vector.shape_cast %slice3A_386 : vector<1x1024xf32> to vector<1024xf32>
    %broadcast_in_dim3A_388 = vector.shape_cast %squeeze3A_387 : vector<1024xf32> to vector<1x1024xf32>
    %slice3A_389 = vector.extract_strided_slice %transpose3A {offsets = [288, 0], sizes = [16, 1024], strides = [1, 1]} : vector<512x1024xf32> to vector<16x1024xf32>
    %mul3A_390 = vector.broadcast %broadcast_in_dim3A_388 : vector<1x1024xf32> to vector<16x1024xf32>
    %mul3A_391 = arith.mulf %mul3A_390, %slice3A_389 : vector<16x1024xf32>
    %add3A_392 = arith.addf %add3A_385, %mul3A_391 : vector<16x1024xf32>
    %slice3A_393 = vector.extract_strided_slice %dot_general3A_32 {offsets = [51, 0], sizes = [1, 1024], strides = [1, 1]} : vector<128x1024xf32> to vector<1x1024xf32>
    %squeeze3A_394 = vector.shape_cast %slice3A_393 : vector<1x1024xf32> to vector<1024xf32>
    %broadcast_in_dim3A_395 = vector.shape_cast %squeeze3A_394 : vector<1024xf32> to vector<1x1024xf32>
    %slice3A_396 = vector.extract_strided_slice %transpose3A {offsets = [304, 0], sizes = [16, 1024], strides = [1, 1]} : vector<512x1024xf32> to vector<16x1024xf32>
    %mul3A_397 = vector.broadcast %broadcast_in_dim3A_395 : vector<1x1024xf32> to vector<16x1024xf32>
    %mul3A_398 = arith.mulf %mul3A_397, %slice3A_396 : vector<16x1024xf32>
    %add3A_399 = arith.addf %add3A_392, %mul3A_398 : vector<16x1024xf32>
    %slice3A_400 = vector.extract_strided_slice %dot_general3A_32 {offsets = [52, 0], sizes = [1, 1024], strides = [1, 1]} : vector<128x1024xf32> to vector<1x1024xf32>
    %squeeze3A_401 = vector.shape_cast %slice3A_400 : vector<1x1024xf32> to vector<1024xf32>
    %broadcast_in_dim3A_402 = vector.shape_cast %squeeze3A_401 : vector<1024xf32> to vector<1x1024xf32>
    %slice3A_403 = vector.extract_strided_slice %transpose3A {offsets = [320, 0], sizes = [16, 1024], strides = [1, 1]} : vector<512x1024xf32> to vector<16x1024xf32>
    %mul3A_404 = vector.broadcast %broadcast_in_dim3A_402 : vector<1x1024xf32> to vector<16x1024xf32>
    %mul3A_405 = arith.mulf %mul3A_404, %slice3A_403 : vector<16x1024xf32>
    %add3A_406 = arith.addf %add3A_399, %mul3A_405 : vector<16x1024xf32>
    %slice3A_407 = vector.extract_strided_slice %dot_general3A_32 {offsets = [53, 0], sizes = [1, 1024], strides = [1, 1]} : vector<128x1024xf32> to vector<1x1024xf32>
    %squeeze3A_408 = vector.shape_cast %slice3A_407 : vector<1x1024xf32> to vector<1024xf32>
    %broadcast_in_dim3A_409 = vector.shape_cast %squeeze3A_408 : vector<1024xf32> to vector<1x1024xf32>
    %slice3A_410 = vector.extract_strided_slice %transpose3A {offsets = [336, 0], sizes = [16, 1024], strides = [1, 1]} : vector<512x1024xf32> to vector<16x1024xf32>
    %mul3A_411 = vector.broadcast %broadcast_in_dim3A_409 : vector<1x1024xf32> to vector<16x1024xf32>
    %mul3A_412 = arith.mulf %mul3A_411, %slice3A_410 : vector<16x1024xf32>
    %add3A_413 = arith.addf %add3A_406, %mul3A_412 : vector<16x1024xf32>
    %slice3A_414 = vector.extract_strided_slice %dot_general3A_32 {offsets = [54, 0], sizes = [1, 1024], strides = [1, 1]} : vector<128x1024xf32> to vector<1x1024xf32>
    %squeeze3A_415 = vector.shape_cast %slice3A_414 : vector<1x1024xf32> to vector<1024xf32>
    %broadcast_in_dim3A_416 = vector.shape_cast %squeeze3A_415 : vector<1024xf32> to vector<1x1024xf32>
    %slice3A_417 = vector.extract_strided_slice %transpose3A {offsets = [352, 0], sizes = [16, 1024], strides = [1, 1]} : vector<512x1024xf32> to vector<16x1024xf32>
    %mul3A_418 = vector.broadcast %broadcast_in_dim3A_416 : vector<1x1024xf32> to vector<16x1024xf32>
    %mul3A_419 = arith.mulf %mul3A_418, %slice3A_417 : vector<16x1024xf32>
    %add3A_420 = arith.addf %add3A_413, %mul3A_419 : vector<16x1024xf32>
    %slice3A_421 = vector.extract_strided_slice %dot_general3A_32 {offsets = [55, 0], sizes = [1, 1024], strides = [1, 1]} : vector<128x1024xf32> to vector<1x1024xf32>
    %squeeze3A_422 = vector.shape_cast %slice3A_421 : vector<1x1024xf32> to vector<1024xf32>
    %broadcast_in_dim3A_423 = vector.shape_cast %squeeze3A_422 : vector<1024xf32> to vector<1x1024xf32>
    %slice3A_424 = vector.extract_strided_slice %transpose3A {offsets = [368, 0], sizes = [16, 1024], strides = [1, 1]} : vector<512x1024xf32> to vector<16x1024xf32>
    %mul3A_425 = vector.broadcast %broadcast_in_dim3A_423 : vector<1x1024xf32> to vector<16x1024xf32>
    %mul3A_426 = arith.mulf %mul3A_425, %slice3A_424 : vector<16x1024xf32>
    %add3A_427 = arith.addf %add3A_420, %mul3A_426 : vector<16x1024xf32>
    %slice3A_428 = vector.extract_strided_slice %dot_general3A_32 {offsets = [56, 0], sizes = [1, 1024], strides = [1, 1]} : vector<128x1024xf32> to vector<1x1024xf32>
    %squeeze3A_429 = vector.shape_cast %slice3A_428 : vector<1x1024xf32> to vector<1024xf32>
    %broadcast_in_dim3A_430 = vector.shape_cast %squeeze3A_429 : vector<1024xf32> to vector<1x1024xf32>
    %slice3A_431 = vector.extract_strided_slice %transpose3A {offsets = [384, 0], sizes = [16, 1024], strides = [1, 1]} : vector<512x1024xf32> to vector<16x1024xf32>
    %mul3A_432 = vector.broadcast %broadcast_in_dim3A_430 : vector<1x1024xf32> to vector<16x1024xf32>
    %mul3A_433 = arith.mulf %mul3A_432, %slice3A_431 : vector<16x1024xf32>
    %add3A_434 = arith.addf %add3A_427, %mul3A_433 : vector<16x1024xf32>
    %slice3A_435 = vector.extract_strided_slice %dot_general3A_32 {offsets = [57, 0], sizes = [1, 1024], strides = [1, 1]} : vector<128x1024xf32> to vector<1x1024xf32>
    %squeeze3A_436 = vector.shape_cast %slice3A_435 : vector<1x1024xf32> to vector<1024xf32>
    %broadcast_in_dim3A_437 = vector.shape_cast %squeeze3A_436 : vector<1024xf32> to vector<1x1024xf32>
    %slice3A_438 = vector.extract_strided_slice %transpose3A {offsets = [400, 0], sizes = [16, 1024], strides = [1, 1]} : vector<512x1024xf32> to vector<16x1024xf32>
    %mul3A_439 = vector.broadcast %broadcast_in_dim3A_437 : vector<1x1024xf32> to vector<16x1024xf32>
    %mul3A_440 = arith.mulf %mul3A_439, %slice3A_438 : vector<16x1024xf32>
    %add3A_441 = arith.addf %add3A_434, %mul3A_440 : vector<16x1024xf32>
    %slice3A_442 = vector.extract_strided_slice %dot_general3A_32 {offsets = [58, 0], sizes = [1, 1024], strides = [1, 1]} : vector<128x1024xf32> to vector<1x1024xf32>
    %squeeze3A_443 = vector.shape_cast %slice3A_442 : vector<1x1024xf32> to vector<1024xf32>
    %broadcast_in_dim3A_444 = vector.shape_cast %squeeze3A_443 : vector<1024xf32> to vector<1x1024xf32>
    %slice3A_445 = vector.extract_strided_slice %transpose3A {offsets = [416, 0], sizes = [16, 1024], strides = [1, 1]} : vector<512x1024xf32> to vector<16x1024xf32>
    %mul3A_446 = vector.broadcast %broadcast_in_dim3A_444 : vector<1x1024xf32> to vector<16x1024xf32>
    %mul3A_447 = arith.mulf %mul3A_446, %slice3A_445 : vector<16x1024xf32>
    %add3A_448 = arith.addf %add3A_441, %mul3A_447 : vector<16x1024xf32>
    %slice3A_449 = vector.extract_strided_slice %dot_general3A_32 {offsets = [59, 0], sizes = [1, 1024], strides = [1, 1]} : vector<128x1024xf32> to vector<1x1024xf32>
    %squeeze3A_450 = vector.shape_cast %slice3A_449 : vector<1x1024xf32> to vector<1024xf32>
    %broadcast_in_dim3A_451 = vector.shape_cast %squeeze3A_450 : vector<1024xf32> to vector<1x1024xf32>
    %slice3A_452 = vector.extract_strided_slice %transpose3A {offsets = [432, 0], sizes = [16, 1024], strides = [1, 1]} : vector<512x1024xf32> to vector<16x1024xf32>
    %mul3A_453 = vector.broadcast %broadcast_in_dim3A_451 : vector<1x1024xf32> to vector<16x1024xf32>
    %mul3A_454 = arith.mulf %mul3A_453, %slice3A_452 : vector<16x1024xf32>
    %add3A_455 = arith.addf %add3A_448, %mul3A_454 : vector<16x1024xf32>
    %slice3A_456 = vector.extract_strided_slice %dot_general3A_32 {offsets = [60, 0], sizes = [1, 1024], strides = [1, 1]} : vector<128x1024xf32> to vector<1x1024xf32>
    %squeeze3A_457 = vector.shape_cast %slice3A_456 : vector<1x1024xf32> to vector<1024xf32>
    %broadcast_in_dim3A_458 = vector.shape_cast %squeeze3A_457 : vector<1024xf32> to vector<1x1024xf32>
    %slice3A_459 = vector.extract_strided_slice %transpose3A {offsets = [448, 0], sizes = [16, 1024], strides = [1, 1]} : vector<512x1024xf32> to vector<16x1024xf32>
    %mul3A_460 = vector.broadcast %broadcast_in_dim3A_458 : vector<1x1024xf32> to vector<16x1024xf32>
    %mul3A_461 = arith.mulf %mul3A_460, %slice3A_459 : vector<16x1024xf32>
    %add3A_462 = arith.addf %add3A_455, %mul3A_461 : vector<16x1024xf32>
    %slice3A_463 = vector.extract_strided_slice %dot_general3A_32 {offsets = [61, 0], sizes = [1, 1024], strides = [1, 1]} : vector<128x1024xf32> to vector<1x1024xf32>
    %squeeze3A_464 = vector.shape_cast %slice3A_463 : vector<1x1024xf32> to vector<1024xf32>
    %broadcast_in_dim3A_465 = vector.shape_cast %squeeze3A_464 : vector<1024xf32> to vector<1x1024xf32>
    %slice3A_466 = vector.extract_strided_slice %transpose3A {offsets = [464, 0], sizes = [16, 1024], strides = [1, 1]} : vector<512x1024xf32> to vector<16x1024xf32>
    %mul3A_467 = vector.broadcast %broadcast_in_dim3A_465 : vector<1x1024xf32> to vector<16x1024xf32>
    %mul3A_468 = arith.mulf %mul3A_467, %slice3A_466 : vector<16x1024xf32>
    %add3A_469 = arith.addf %add3A_462, %mul3A_468 : vector<16x1024xf32>
    %slice3A_470 = vector.extract_strided_slice %dot_general3A_32 {offsets = [62, 0], sizes = [1, 1024], strides = [1, 1]} : vector<128x1024xf32> to vector<1x1024xf32>
    %squeeze3A_471 = vector.shape_cast %slice3A_470 : vector<1x1024xf32> to vector<1024xf32>
    %broadcast_in_dim3A_472 = vector.shape_cast %squeeze3A_471 : vector<1024xf32> to vector<1x1024xf32>
    %slice3A_473 = vector.extract_strided_slice %transpose3A {offsets = [480, 0], sizes = [16, 1024], strides = [1, 1]} : vector<512x1024xf32> to vector<16x1024xf32>
    %mul3A_474 = vector.broadcast %broadcast_in_dim3A_472 : vector<1x1024xf32> to vector<16x1024xf32>
    %mul3A_475 = arith.mulf %mul3A_474, %slice3A_473 : vector<16x1024xf32>
    %add3A_476 = arith.addf %add3A_469, %mul3A_475 : vector<16x1024xf32>
    %slice3A_477 = vector.extract_strided_slice %dot_general3A_32 {offsets = [63, 0], sizes = [1, 1024], strides = [1, 1]} : vector<128x1024xf32> to vector<1x1024xf32>
    %squeeze3A_478 = vector.shape_cast %slice3A_477 : vector<1x1024xf32> to vector<1024xf32>
    %broadcast_in_dim3A_479 = vector.shape_cast %squeeze3A_478 : vector<1024xf32> to vector<1x1024xf32>
    %slice3A_480 = vector.extract_strided_slice %transpose3A {offsets = [496, 0], sizes = [16, 1024], strides = [1, 1]} : vector<512x1024xf32> to vector<16x1024xf32>
    %mul3A_481 = vector.broadcast %broadcast_in_dim3A_479 : vector<1x1024xf32> to vector<16x1024xf32>
    %mul3A_482 = arith.mulf %mul3A_481, %slice3A_480 : vector<16x1024xf32>
    %add3A_483 = arith.addf %add3A_476, %mul3A_482 : vector<16x1024xf32>
    %broadcast_in_dim3A_484 = arith.constant 0.000000e+00 : f32
    %broadcast_in_dim3A_485 = vector.broadcast %broadcast_in_dim3A_484 : f32 to vector<16x1024xf32>
    %slice3A_486 = vector.extract_strided_slice %dot_general3A_32 {offsets = [64, 0], sizes = [1, 1024], strides = [1, 1]} : vector<128x1024xf32> to vector<1x1024xf32>
    %squeeze3A_487 = vector.shape_cast %slice3A_486 : vector<1x1024xf32> to vector<1024xf32>
    %broadcast_in_dim3A_488 = vector.shape_cast %squeeze3A_487 : vector<1024xf32> to vector<1x1024xf32>
    %slice3A_489 = vector.extract_strided_slice %transpose3A {offsets = [0, 0], sizes = [16, 1024], strides = [1, 1]} : vector<512x1024xf32> to vector<16x1024xf32>
    %mul3A_490 = vector.broadcast %broadcast_in_dim3A_488 : vector<1x1024xf32> to vector<16x1024xf32>
    %mul3A_491 = arith.mulf %mul3A_490, %slice3A_489 : vector<16x1024xf32>
    %add3A_492 = arith.addf %broadcast_in_dim3A_485, %mul3A_491 : vector<16x1024xf32>
    %slice3A_493 = vector.extract_strided_slice %dot_general3A_32 {offsets = [65, 0], sizes = [1, 1024], strides = [1, 1]} : vector<128x1024xf32> to vector<1x1024xf32>
    %squeeze3A_494 = vector.shape_cast %slice3A_493 : vector<1x1024xf32> to vector<1024xf32>
    %broadcast_in_dim3A_495 = vector.shape_cast %squeeze3A_494 : vector<1024xf32> to vector<1x1024xf32>
    %slice3A_496 = vector.extract_strided_slice %transpose3A {offsets = [16, 0], sizes = [16, 1024], strides = [1, 1]} : vector<512x1024xf32> to vector<16x1024xf32>
    %mul3A_497 = vector.broadcast %broadcast_in_dim3A_495 : vector<1x1024xf32> to vector<16x1024xf32>
    %mul3A_498 = arith.mulf %mul3A_497, %slice3A_496 : vector<16x1024xf32>
    %add3A_499 = arith.addf %add3A_492, %mul3A_498 : vector<16x1024xf32>
    %slice3A_500 = vector.extract_strided_slice %dot_general3A_32 {offsets = [66, 0], sizes = [1, 1024], strides = [1, 1]} : vector<128x1024xf32> to vector<1x1024xf32>
    %squeeze3A_501 = vector.shape_cast %slice3A_500 : vector<1x1024xf32> to vector<1024xf32>
    %broadcast_in_dim3A_502 = vector.shape_cast %squeeze3A_501 : vector<1024xf32> to vector<1x1024xf32>
    %slice3A_503 = vector.extract_strided_slice %transpose3A {offsets = [32, 0], sizes = [16, 1024], strides = [1, 1]} : vector<512x1024xf32> to vector<16x1024xf32>
    %mul3A_504 = vector.broadcast %broadcast_in_dim3A_502 : vector<1x1024xf32> to vector<16x1024xf32>
    %mul3A_505 = arith.mulf %mul3A_504, %slice3A_503 : vector<16x1024xf32>
    %add3A_506 = arith.addf %add3A_499, %mul3A_505 : vector<16x1024xf32>
    %slice3A_507 = vector.extract_strided_slice %dot_general3A_32 {offsets = [67, 0], sizes = [1, 1024], strides = [1, 1]} : vector<128x1024xf32> to vector<1x1024xf32>
    %squeeze3A_508 = vector.shape_cast %slice3A_507 : vector<1x1024xf32> to vector<1024xf32>
    %broadcast_in_dim3A_509 = vector.shape_cast %squeeze3A_508 : vector<1024xf32> to vector<1x1024xf32>
    %slice3A_510 = vector.extract_strided_slice %transpose3A {offsets = [48, 0], sizes = [16, 1024], strides = [1, 1]} : vector<512x1024xf32> to vector<16x1024xf32>
    %mul3A_511 = vector.broadcast %broadcast_in_dim3A_509 : vector<1x1024xf32> to vector<16x1024xf32>
    %mul3A_512 = arith.mulf %mul3A_511, %slice3A_510 : vector<16x1024xf32>
    %add3A_513 = arith.addf %add3A_506, %mul3A_512 : vector<16x1024xf32>
    %slice3A_514 = vector.extract_strided_slice %dot_general3A_32 {offsets = [68, 0], sizes = [1, 1024], strides = [1, 1]} : vector<128x1024xf32> to vector<1x1024xf32>
    %squeeze3A_515 = vector.shape_cast %slice3A_514 : vector<1x1024xf32> to vector<1024xf32>
    %broadcast_in_dim3A_516 = vector.shape_cast %squeeze3A_515 : vector<1024xf32> to vector<1x1024xf32>
    %slice3A_517 = vector.extract_strided_slice %transpose3A {offsets = [64, 0], sizes = [16, 1024], strides = [1, 1]} : vector<512x1024xf32> to vector<16x1024xf32>
    %mul3A_518 = vector.broadcast %broadcast_in_dim3A_516 : vector<1x1024xf32> to vector<16x1024xf32>
    %mul3A_519 = arith.mulf %mul3A_518, %slice3A_517 : vector<16x1024xf32>
    %add3A_520 = arith.addf %add3A_513, %mul3A_519 : vector<16x1024xf32>
    %slice3A_521 = vector.extract_strided_slice %dot_general3A_32 {offsets = [69, 0], sizes = [1, 1024], strides = [1, 1]} : vector<128x1024xf32> to vector<1x1024xf32>
    %squeeze3A_522 = vector.shape_cast %slice3A_521 : vector<1x1024xf32> to vector<1024xf32>
    %broadcast_in_dim3A_523 = vector.shape_cast %squeeze3A_522 : vector<1024xf32> to vector<1x1024xf32>
    %slice3A_524 = vector.extract_strided_slice %transpose3A {offsets = [80, 0], sizes = [16, 1024], strides = [1, 1]} : vector<512x1024xf32> to vector<16x1024xf32>
    %mul3A_525 = vector.broadcast %broadcast_in_dim3A_523 : vector<1x1024xf32> to vector<16x1024xf32>
    %mul3A_526 = arith.mulf %mul3A_525, %slice3A_524 : vector<16x1024xf32>
    %add3A_527 = arith.addf %add3A_520, %mul3A_526 : vector<16x1024xf32>
    %slice3A_528 = vector.extract_strided_slice %dot_general3A_32 {offsets = [70, 0], sizes = [1, 1024], strides = [1, 1]} : vector<128x1024xf32> to vector<1x1024xf32>
    %squeeze3A_529 = vector.shape_cast %slice3A_528 : vector<1x1024xf32> to vector<1024xf32>
    %broadcast_in_dim3A_530 = vector.shape_cast %squeeze3A_529 : vector<1024xf32> to vector<1x1024xf32>
    %slice3A_531 = vector.extract_strided_slice %transpose3A {offsets = [96, 0], sizes = [16, 1024], strides = [1, 1]} : vector<512x1024xf32> to vector<16x1024xf32>
    %mul3A_532 = vector.broadcast %broadcast_in_dim3A_530 : vector<1x1024xf32> to vector<16x1024xf32>
    %mul3A_533 = arith.mulf %mul3A_532, %slice3A_531 : vector<16x1024xf32>
    %add3A_534 = arith.addf %add3A_527, %mul3A_533 : vector<16x1024xf32>
    %slice3A_535 = vector.extract_strided_slice %dot_general3A_32 {offsets = [71, 0], sizes = [1, 1024], strides = [1, 1]} : vector<128x1024xf32> to vector<1x1024xf32>
    %squeeze3A_536 = vector.shape_cast %slice3A_535 : vector<1x1024xf32> to vector<1024xf32>
    %broadcast_in_dim3A_537 = vector.shape_cast %squeeze3A_536 : vector<1024xf32> to vector<1x1024xf32>
    %slice3A_538 = vector.extract_strided_slice %transpose3A {offsets = [112, 0], sizes = [16, 1024], strides = [1, 1]} : vector<512x1024xf32> to vector<16x1024xf32>
    %mul3A_539 = vector.broadcast %broadcast_in_dim3A_537 : vector<1x1024xf32> to vector<16x1024xf32>
    %mul3A_540 = arith.mulf %mul3A_539, %slice3A_538 : vector<16x1024xf32>
    %add3A_541 = arith.addf %add3A_534, %mul3A_540 : vector<16x1024xf32>
    %slice3A_542 = vector.extract_strided_slice %dot_general3A_32 {offsets = [72, 0], sizes = [1, 1024], strides = [1, 1]} : vector<128x1024xf32> to vector<1x1024xf32>
    %squeeze3A_543 = vector.shape_cast %slice3A_542 : vector<1x1024xf32> to vector<1024xf32>
    %broadcast_in_dim3A_544 = vector.shape_cast %squeeze3A_543 : vector<1024xf32> to vector<1x1024xf32>
    %slice3A_545 = vector.extract_strided_slice %transpose3A {offsets = [128, 0], sizes = [16, 1024], strides = [1, 1]} : vector<512x1024xf32> to vector<16x1024xf32>
    %mul3A_546 = vector.broadcast %broadcast_in_dim3A_544 : vector<1x1024xf32> to vector<16x1024xf32>
    %mul3A_547 = arith.mulf %mul3A_546, %slice3A_545 : vector<16x1024xf32>
    %add3A_548 = arith.addf %add3A_541, %mul3A_547 : vector<16x1024xf32>
    %slice3A_549 = vector.extract_strided_slice %dot_general3A_32 {offsets = [73, 0], sizes = [1, 1024], strides = [1, 1]} : vector<128x1024xf32> to vector<1x1024xf32>
    %squeeze3A_550 = vector.shape_cast %slice3A_549 : vector<1x1024xf32> to vector<1024xf32>
    %broadcast_in_dim3A_551 = vector.shape_cast %squeeze3A_550 : vector<1024xf32> to vector<1x1024xf32>
    %slice3A_552 = vector.extract_strided_slice %transpose3A {offsets = [144, 0], sizes = [16, 1024], strides = [1, 1]} : vector<512x1024xf32> to vector<16x1024xf32>
    %mul3A_553 = vector.broadcast %broadcast_in_dim3A_551 : vector<1x1024xf32> to vector<16x1024xf32>
    %mul3A_554 = arith.mulf %mul3A_553, %slice3A_552 : vector<16x1024xf32>
    %add3A_555 = arith.addf %add3A_548, %mul3A_554 : vector<16x1024xf32>
    %slice3A_556 = vector.extract_strided_slice %dot_general3A_32 {offsets = [74, 0], sizes = [1, 1024], strides = [1, 1]} : vector<128x1024xf32> to vector<1x1024xf32>
    %squeeze3A_557 = vector.shape_cast %slice3A_556 : vector<1x1024xf32> to vector<1024xf32>
    %broadcast_in_dim3A_558 = vector.shape_cast %squeeze3A_557 : vector<1024xf32> to vector<1x1024xf32>
    %slice3A_559 = vector.extract_strided_slice %transpose3A {offsets = [160, 0], sizes = [16, 1024], strides = [1, 1]} : vector<512x1024xf32> to vector<16x1024xf32>
    %mul3A_560 = vector.broadcast %broadcast_in_dim3A_558 : vector<1x1024xf32> to vector<16x1024xf32>
    %mul3A_561 = arith.mulf %mul3A_560, %slice3A_559 : vector<16x1024xf32>
    %add3A_562 = arith.addf %add3A_555, %mul3A_561 : vector<16x1024xf32>
    %slice3A_563 = vector.extract_strided_slice %dot_general3A_32 {offsets = [75, 0], sizes = [1, 1024], strides = [1, 1]} : vector<128x1024xf32> to vector<1x1024xf32>
    %squeeze3A_564 = vector.shape_cast %slice3A_563 : vector<1x1024xf32> to vector<1024xf32>
    %broadcast_in_dim3A_565 = vector.shape_cast %squeeze3A_564 : vector<1024xf32> to vector<1x1024xf32>
    %slice3A_566 = vector.extract_strided_slice %transpose3A {offsets = [176, 0], sizes = [16, 1024], strides = [1, 1]} : vector<512x1024xf32> to vector<16x1024xf32>
    %mul3A_567 = vector.broadcast %broadcast_in_dim3A_565 : vector<1x1024xf32> to vector<16x1024xf32>
    %mul3A_568 = arith.mulf %mul3A_567, %slice3A_566 : vector<16x1024xf32>
    %add3A_569 = arith.addf %add3A_562, %mul3A_568 : vector<16x1024xf32>
    %slice3A_570 = vector.extract_strided_slice %dot_general3A_32 {offsets = [76, 0], sizes = [1, 1024], strides = [1, 1]} : vector<128x1024xf32> to vector<1x1024xf32>
    %squeeze3A_571 = vector.shape_cast %slice3A_570 : vector<1x1024xf32> to vector<1024xf32>
    %broadcast_in_dim3A_572 = vector.shape_cast %squeeze3A_571 : vector<1024xf32> to vector<1x1024xf32>
    %slice3A_573 = vector.extract_strided_slice %transpose3A {offsets = [192, 0], sizes = [16, 1024], strides = [1, 1]} : vector<512x1024xf32> to vector<16x1024xf32>
    %mul3A_574 = vector.broadcast %broadcast_in_dim3A_572 : vector<1x1024xf32> to vector<16x1024xf32>
    %mul3A_575 = arith.mulf %mul3A_574, %slice3A_573 : vector<16x1024xf32>
    %add3A_576 = arith.addf %add3A_569, %mul3A_575 : vector<16x1024xf32>
    %slice3A_577 = vector.extract_strided_slice %dot_general3A_32 {offsets = [77, 0], sizes = [1, 1024], strides = [1, 1]} : vector<128x1024xf32> to vector<1x1024xf32>
    %squeeze3A_578 = vector.shape_cast %slice3A_577 : vector<1x1024xf32> to vector<1024xf32>
    %broadcast_in_dim3A_579 = vector.shape_cast %squeeze3A_578 : vector<1024xf32> to vector<1x1024xf32>
    %slice3A_580 = vector.extract_strided_slice %transpose3A {offsets = [208, 0], sizes = [16, 1024], strides = [1, 1]} : vector<512x1024xf32> to vector<16x1024xf32>
    %mul3A_581 = vector.broadcast %broadcast_in_dim3A_579 : vector<1x1024xf32> to vector<16x1024xf32>
    %mul3A_582 = arith.mulf %mul3A_581, %slice3A_580 : vector<16x1024xf32>
    %add3A_583 = arith.addf %add3A_576, %mul3A_582 : vector<16x1024xf32>
    %slice3A_584 = vector.extract_strided_slice %dot_general3A_32 {offsets = [78, 0], sizes = [1, 1024], strides = [1, 1]} : vector<128x1024xf32> to vector<1x1024xf32>
    %squeeze3A_585 = vector.shape_cast %slice3A_584 : vector<1x1024xf32> to vector<1024xf32>
    %broadcast_in_dim3A_586 = vector.shape_cast %squeeze3A_585 : vector<1024xf32> to vector<1x1024xf32>
    %slice3A_587 = vector.extract_strided_slice %transpose3A {offsets = [224, 0], sizes = [16, 1024], strides = [1, 1]} : vector<512x1024xf32> to vector<16x1024xf32>
    %mul3A_588 = vector.broadcast %broadcast_in_dim3A_586 : vector<1x1024xf32> to vector<16x1024xf32>
    %mul3A_589 = arith.mulf %mul3A_588, %slice3A_587 : vector<16x1024xf32>
    %add3A_590 = arith.addf %add3A_583, %mul3A_589 : vector<16x1024xf32>
    %slice3A_591 = vector.extract_strided_slice %dot_general3A_32 {offsets = [79, 0], sizes = [1, 1024], strides = [1, 1]} : vector<128x1024xf32> to vector<1x1024xf32>
    %squeeze3A_592 = vector.shape_cast %slice3A_591 : vector<1x1024xf32> to vector<1024xf32>
    %broadcast_in_dim3A_593 = vector.shape_cast %squeeze3A_592 : vector<1024xf32> to vector<1x1024xf32>
    %slice3A_594 = vector.extract_strided_slice %transpose3A {offsets = [240, 0], sizes = [16, 1024], strides = [1, 1]} : vector<512x1024xf32> to vector<16x1024xf32>
    %mul3A_595 = vector.broadcast %broadcast_in_dim3A_593 : vector<1x1024xf32> to vector<16x1024xf32>
    %mul3A_596 = arith.mulf %mul3A_595, %slice3A_594 : vector<16x1024xf32>
    %add3A_597 = arith.addf %add3A_590, %mul3A_596 : vector<16x1024xf32>
    %slice3A_598 = vector.extract_strided_slice %dot_general3A_32 {offsets = [80, 0], sizes = [1, 1024], strides = [1, 1]} : vector<128x1024xf32> to vector<1x1024xf32>
    %squeeze3A_599 = vector.shape_cast %slice3A_598 : vector<1x1024xf32> to vector<1024xf32>
    %broadcast_in_dim3A_600 = vector.shape_cast %squeeze3A_599 : vector<1024xf32> to vector<1x1024xf32>
    %slice3A_601 = vector.extract_strided_slice %transpose3A {offsets = [256, 0], sizes = [16, 1024], strides = [1, 1]} : vector<512x1024xf32> to vector<16x1024xf32>
    %mul3A_602 = vector.broadcast %broadcast_in_dim3A_600 : vector<1x1024xf32> to vector<16x1024xf32>
    %mul3A_603 = arith.mulf %mul3A_602, %slice3A_601 : vector<16x1024xf32>
    %add3A_604 = arith.addf %add3A_597, %mul3A_603 : vector<16x1024xf32>
    %slice3A_605 = vector.extract_strided_slice %dot_general3A_32 {offsets = [81, 0], sizes = [1, 1024], strides = [1, 1]} : vector<128x1024xf32> to vector<1x1024xf32>
    %squeeze3A_606 = vector.shape_cast %slice3A_605 : vector<1x1024xf32> to vector<1024xf32>
    %broadcast_in_dim3A_607 = vector.shape_cast %squeeze3A_606 : vector<1024xf32> to vector<1x1024xf32>
    %slice3A_608 = vector.extract_strided_slice %transpose3A {offsets = [272, 0], sizes = [16, 1024], strides = [1, 1]} : vector<512x1024xf32> to vector<16x1024xf32>
    %mul3A_609 = vector.broadcast %broadcast_in_dim3A_607 : vector<1x1024xf32> to vector<16x1024xf32>
    %mul3A_610 = arith.mulf %mul3A_609, %slice3A_608 : vector<16x1024xf32>
    %add3A_611 = arith.addf %add3A_604, %mul3A_610 : vector<16x1024xf32>
    %slice3A_612 = vector.extract_strided_slice %dot_general3A_32 {offsets = [82, 0], sizes = [1, 1024], strides = [1, 1]} : vector<128x1024xf32> to vector<1x1024xf32>
    %squeeze3A_613 = vector.shape_cast %slice3A_612 : vector<1x1024xf32> to vector<1024xf32>
    %broadcast_in_dim3A_614 = vector.shape_cast %squeeze3A_613 : vector<1024xf32> to vector<1x1024xf32>
    %slice3A_615 = vector.extract_strided_slice %transpose3A {offsets = [288, 0], sizes = [16, 1024], strides = [1, 1]} : vector<512x1024xf32> to vector<16x1024xf32>
    %mul3A_616 = vector.broadcast %broadcast_in_dim3A_614 : vector<1x1024xf32> to vector<16x1024xf32>
    %mul3A_617 = arith.mulf %mul3A_616, %slice3A_615 : vector<16x1024xf32>
    %add3A_618 = arith.addf %add3A_611, %mul3A_617 : vector<16x1024xf32>
    %slice3A_619 = vector.extract_strided_slice %dot_general3A_32 {offsets = [83, 0], sizes = [1, 1024], strides = [1, 1]} : vector<128x1024xf32> to vector<1x1024xf32>
    %squeeze3A_620 = vector.shape_cast %slice3A_619 : vector<1x1024xf32> to vector<1024xf32>
    %broadcast_in_dim3A_621 = vector.shape_cast %squeeze3A_620 : vector<1024xf32> to vector<1x1024xf32>
    %slice3A_622 = vector.extract_strided_slice %transpose3A {offsets = [304, 0], sizes = [16, 1024], strides = [1, 1]} : vector<512x1024xf32> to vector<16x1024xf32>
    %mul3A_623 = vector.broadcast %broadcast_in_dim3A_621 : vector<1x1024xf32> to vector<16x1024xf32>
    %mul3A_624 = arith.mulf %mul3A_623, %slice3A_622 : vector<16x1024xf32>
    %add3A_625 = arith.addf %add3A_618, %mul3A_624 : vector<16x1024xf32>
    %slice3A_626 = vector.extract_strided_slice %dot_general3A_32 {offsets = [84, 0], sizes = [1, 1024], strides = [1, 1]} : vector<128x1024xf32> to vector<1x1024xf32>
    %squeeze3A_627 = vector.shape_cast %slice3A_626 : vector<1x1024xf32> to vector<1024xf32>
    %broadcast_in_dim3A_628 = vector.shape_cast %squeeze3A_627 : vector<1024xf32> to vector<1x1024xf32>
    %slice3A_629 = vector.extract_strided_slice %transpose3A {offsets = [320, 0], sizes = [16, 1024], strides = [1, 1]} : vector<512x1024xf32> to vector<16x1024xf32>
    %mul3A_630 = vector.broadcast %broadcast_in_dim3A_628 : vector<1x1024xf32> to vector<16x1024xf32>
    %mul3A_631 = arith.mulf %mul3A_630, %slice3A_629 : vector<16x1024xf32>
    %add3A_632 = arith.addf %add3A_625, %mul3A_631 : vector<16x1024xf32>
    %slice3A_633 = vector.extract_strided_slice %dot_general3A_32 {offsets = [85, 0], sizes = [1, 1024], strides = [1, 1]} : vector<128x1024xf32> to vector<1x1024xf32>
    %squeeze3A_634 = vector.shape_cast %slice3A_633 : vector<1x1024xf32> to vector<1024xf32>
    %broadcast_in_dim3A_635 = vector.shape_cast %squeeze3A_634 : vector<1024xf32> to vector<1x1024xf32>
    %slice3A_636 = vector.extract_strided_slice %transpose3A {offsets = [336, 0], sizes = [16, 1024], strides = [1, 1]} : vector<512x1024xf32> to vector<16x1024xf32>
    %mul3A_637 = vector.broadcast %broadcast_in_dim3A_635 : vector<1x1024xf32> to vector<16x1024xf32>
    %mul3A_638 = arith.mulf %mul3A_637, %slice3A_636 : vector<16x1024xf32>
    %add3A_639 = arith.addf %add3A_632, %mul3A_638 : vector<16x1024xf32>
    %slice3A_640 = vector.extract_strided_slice %dot_general3A_32 {offsets = [86, 0], sizes = [1, 1024], strides = [1, 1]} : vector<128x1024xf32> to vector<1x1024xf32>
    %squeeze3A_641 = vector.shape_cast %slice3A_640 : vector<1x1024xf32> to vector<1024xf32>
    %broadcast_in_dim3A_642 = vector.shape_cast %squeeze3A_641 : vector<1024xf32> to vector<1x1024xf32>
    %slice3A_643 = vector.extract_strided_slice %transpose3A {offsets = [352, 0], sizes = [16, 1024], strides = [1, 1]} : vector<512x1024xf32> to vector<16x1024xf32>
    %mul3A_644 = vector.broadcast %broadcast_in_dim3A_642 : vector<1x1024xf32> to vector<16x1024xf32>
    %mul3A_645 = arith.mulf %mul3A_644, %slice3A_643 : vector<16x1024xf32>
    %add3A_646 = arith.addf %add3A_639, %mul3A_645 : vector<16x1024xf32>
    %slice3A_647 = vector.extract_strided_slice %dot_general3A_32 {offsets = [87, 0], sizes = [1, 1024], strides = [1, 1]} : vector<128x1024xf32> to vector<1x1024xf32>
    %squeeze3A_648 = vector.shape_cast %slice3A_647 : vector<1x1024xf32> to vector<1024xf32>
    %broadcast_in_dim3A_649 = vector.shape_cast %squeeze3A_648 : vector<1024xf32> to vector<1x1024xf32>
    %slice3A_650 = vector.extract_strided_slice %transpose3A {offsets = [368, 0], sizes = [16, 1024], strides = [1, 1]} : vector<512x1024xf32> to vector<16x1024xf32>
    %mul3A_651 = vector.broadcast %broadcast_in_dim3A_649 : vector<1x1024xf32> to vector<16x1024xf32>
    %mul3A_652 = arith.mulf %mul3A_651, %slice3A_650 : vector<16x1024xf32>
    %add3A_653 = arith.addf %add3A_646, %mul3A_652 : vector<16x1024xf32>
    %slice3A_654 = vector.extract_strided_slice %dot_general3A_32 {offsets = [88, 0], sizes = [1, 1024], strides = [1, 1]} : vector<128x1024xf32> to vector<1x1024xf32>
    %squeeze3A_655 = vector.shape_cast %slice3A_654 : vector<1x1024xf32> to vector<1024xf32>
    %broadcast_in_dim3A_656 = vector.shape_cast %squeeze3A_655 : vector<1024xf32> to vector<1x1024xf32>
    %slice3A_657 = vector.extract_strided_slice %transpose3A {offsets = [384, 0], sizes = [16, 1024], strides = [1, 1]} : vector<512x1024xf32> to vector<16x1024xf32>
    %mul3A_658 = vector.broadcast %broadcast_in_dim3A_656 : vector<1x1024xf32> to vector<16x1024xf32>
    %mul3A_659 = arith.mulf %mul3A_658, %slice3A_657 : vector<16x1024xf32>
    %add3A_660 = arith.addf %add3A_653, %mul3A_659 : vector<16x1024xf32>
    %slice3A_661 = vector.extract_strided_slice %dot_general3A_32 {offsets = [89, 0], sizes = [1, 1024], strides = [1, 1]} : vector<128x1024xf32> to vector<1x1024xf32>
    %squeeze3A_662 = vector.shape_cast %slice3A_661 : vector<1x1024xf32> to vector<1024xf32>
    %broadcast_in_dim3A_663 = vector.shape_cast %squeeze3A_662 : vector<1024xf32> to vector<1x1024xf32>
    %slice3A_664 = vector.extract_strided_slice %transpose3A {offsets = [400, 0], sizes = [16, 1024], strides = [1, 1]} : vector<512x1024xf32> to vector<16x1024xf32>
    %mul3A_665 = vector.broadcast %broadcast_in_dim3A_663 : vector<1x1024xf32> to vector<16x1024xf32>
    %mul3A_666 = arith.mulf %mul3A_665, %slice3A_664 : vector<16x1024xf32>
    %add3A_667 = arith.addf %add3A_660, %mul3A_666 : vector<16x1024xf32>
    %slice3A_668 = vector.extract_strided_slice %dot_general3A_32 {offsets = [90, 0], sizes = [1, 1024], strides = [1, 1]} : vector<128x1024xf32> to vector<1x1024xf32>
    %squeeze3A_669 = vector.shape_cast %slice3A_668 : vector<1x1024xf32> to vector<1024xf32>
    %broadcast_in_dim3A_670 = vector.shape_cast %squeeze3A_669 : vector<1024xf32> to vector<1x1024xf32>
    %slice3A_671 = vector.extract_strided_slice %transpose3A {offsets = [416, 0], sizes = [16, 1024], strides = [1, 1]} : vector<512x1024xf32> to vector<16x1024xf32>
    %mul3A_672 = vector.broadcast %broadcast_in_dim3A_670 : vector<1x1024xf32> to vector<16x1024xf32>
    %mul3A_673 = arith.mulf %mul3A_672, %slice3A_671 : vector<16x1024xf32>
    %add3A_674 = arith.addf %add3A_667, %mul3A_673 : vector<16x1024xf32>
    %slice3A_675 = vector.extract_strided_slice %dot_general3A_32 {offsets = [91, 0], sizes = [1, 1024], strides = [1, 1]} : vector<128x1024xf32> to vector<1x1024xf32>
    %squeeze3A_676 = vector.shape_cast %slice3A_675 : vector<1x1024xf32> to vector<1024xf32>
    %broadcast_in_dim3A_677 = vector.shape_cast %squeeze3A_676 : vector<1024xf32> to vector<1x1024xf32>
    %slice3A_678 = vector.extract_strided_slice %transpose3A {offsets = [432, 0], sizes = [16, 1024], strides = [1, 1]} : vector<512x1024xf32> to vector<16x1024xf32>
    %mul3A_679 = vector.broadcast %broadcast_in_dim3A_677 : vector<1x1024xf32> to vector<16x1024xf32>
    %mul3A_680 = arith.mulf %mul3A_679, %slice3A_678 : vector<16x1024xf32>
    %add3A_681 = arith.addf %add3A_674, %mul3A_680 : vector<16x1024xf32>
    %slice3A_682 = vector.extract_strided_slice %dot_general3A_32 {offsets = [92, 0], sizes = [1, 1024], strides = [1, 1]} : vector<128x1024xf32> to vector<1x1024xf32>
    %squeeze3A_683 = vector.shape_cast %slice3A_682 : vector<1x1024xf32> to vector<1024xf32>
    %broadcast_in_dim3A_684 = vector.shape_cast %squeeze3A_683 : vector<1024xf32> to vector<1x1024xf32>
    %slice3A_685 = vector.extract_strided_slice %transpose3A {offsets = [448, 0], sizes = [16, 1024], strides = [1, 1]} : vector<512x1024xf32> to vector<16x1024xf32>
    %mul3A_686 = vector.broadcast %broadcast_in_dim3A_684 : vector<1x1024xf32> to vector<16x1024xf32>
    %mul3A_687 = arith.mulf %mul3A_686, %slice3A_685 : vector<16x1024xf32>
    %add3A_688 = arith.addf %add3A_681, %mul3A_687 : vector<16x1024xf32>
    %slice3A_689 = vector.extract_strided_slice %dot_general3A_32 {offsets = [93, 0], sizes = [1, 1024], strides = [1, 1]} : vector<128x1024xf32> to vector<1x1024xf32>
    %squeeze3A_690 = vector.shape_cast %slice3A_689 : vector<1x1024xf32> to vector<1024xf32>
    %broadcast_in_dim3A_691 = vector.shape_cast %squeeze3A_690 : vector<1024xf32> to vector<1x1024xf32>
    %slice3A_692 = vector.extract_strided_slice %transpose3A {offsets = [464, 0], sizes = [16, 1024], strides = [1, 1]} : vector<512x1024xf32> to vector<16x1024xf32>
    %mul3A_693 = vector.broadcast %broadcast_in_dim3A_691 : vector<1x1024xf32> to vector<16x1024xf32>
    %mul3A_694 = arith.mulf %mul3A_693, %slice3A_692 : vector<16x1024xf32>
    %add3A_695 = arith.addf %add3A_688, %mul3A_694 : vector<16x1024xf32>
    %slice3A_696 = vector.extract_strided_slice %dot_general3A_32 {offsets = [94, 0], sizes = [1, 1024], strides = [1, 1]} : vector<128x1024xf32> to vector<1x1024xf32>
    %squeeze3A_697 = vector.shape_cast %slice3A_696 : vector<1x1024xf32> to vector<1024xf32>
    %broadcast_in_dim3A_698 = vector.shape_cast %squeeze3A_697 : vector<1024xf32> to vector<1x1024xf32>
    %slice3A_699 = vector.extract_strided_slice %transpose3A {offsets = [480, 0], sizes = [16, 1024], strides = [1, 1]} : vector<512x1024xf32> to vector<16x1024xf32>
    %mul3A_700 = vector.broadcast %broadcast_in_dim3A_698 : vector<1x1024xf32> to vector<16x1024xf32>
    %mul3A_701 = arith.mulf %mul3A_700, %slice3A_699 : vector<16x1024xf32>
    %add3A_702 = arith.addf %add3A_695, %mul3A_701 : vector<16x1024xf32>
    %slice3A_703 = vector.extract_strided_slice %dot_general3A_32 {offsets = [95, 0], sizes = [1, 1024], strides = [1, 1]} : vector<128x1024xf32> to vector<1x1024xf32>
    %squeeze3A_704 = vector.shape_cast %slice3A_703 : vector<1x1024xf32> to vector<1024xf32>
    %broadcast_in_dim3A_705 = vector.shape_cast %squeeze3A_704 : vector<1024xf32> to vector<1x1024xf32>
    %slice3A_706 = vector.extract_strided_slice %transpose3A {offsets = [496, 0], sizes = [16, 1024], strides = [1, 1]} : vector<512x1024xf32> to vector<16x1024xf32>
    %mul3A_707 = vector.broadcast %broadcast_in_dim3A_705 : vector<1x1024xf32> to vector<16x1024xf32>
    %mul3A_708 = arith.mulf %mul3A_707, %slice3A_706 : vector<16x1024xf32>
    %add3A_709 = arith.addf %add3A_702, %mul3A_708 : vector<16x1024xf32>
    %broadcast_in_dim3A_710 = arith.constant 0.000000e+00 : f32
    %broadcast_in_dim3A_711 = vector.broadcast %broadcast_in_dim3A_710 : f32 to vector<16x1024xf32>
    %slice3A_712 = vector.extract_strided_slice %dot_general3A_32 {offsets = [96, 0], sizes = [1, 1024], strides = [1, 1]} : vector<128x1024xf32> to vector<1x1024xf32>
    %squeeze3A_713 = vector.shape_cast %slice3A_712 : vector<1x1024xf32> to vector<1024xf32>
    %broadcast_in_dim3A_714 = vector.shape_cast %squeeze3A_713 : vector<1024xf32> to vector<1x1024xf32>
    %slice3A_715 = vector.extract_strided_slice %transpose3A {offsets = [0, 0], sizes = [16, 1024], strides = [1, 1]} : vector<512x1024xf32> to vector<16x1024xf32>
    %mul3A_716 = vector.broadcast %broadcast_in_dim3A_714 : vector<1x1024xf32> to vector<16x1024xf32>
    %mul3A_717 = arith.mulf %mul3A_716, %slice3A_715 : vector<16x1024xf32>
    %add3A_718 = arith.addf %broadcast_in_dim3A_711, %mul3A_717 : vector<16x1024xf32>
    %slice3A_719 = vector.extract_strided_slice %dot_general3A_32 {offsets = [97, 0], sizes = [1, 1024], strides = [1, 1]} : vector<128x1024xf32> to vector<1x1024xf32>
    %squeeze3A_720 = vector.shape_cast %slice3A_719 : vector<1x1024xf32> to vector<1024xf32>
    %broadcast_in_dim3A_721 = vector.shape_cast %squeeze3A_720 : vector<1024xf32> to vector<1x1024xf32>
    %slice3A_722 = vector.extract_strided_slice %transpose3A {offsets = [16, 0], sizes = [16, 1024], strides = [1, 1]} : vector<512x1024xf32> to vector<16x1024xf32>
    %mul3A_723 = vector.broadcast %broadcast_in_dim3A_721 : vector<1x1024xf32> to vector<16x1024xf32>
    %mul3A_724 = arith.mulf %mul3A_723, %slice3A_722 : vector<16x1024xf32>
    %add3A_725 = arith.addf %add3A_718, %mul3A_724 : vector<16x1024xf32>
    %slice3A_726 = vector.extract_strided_slice %dot_general3A_32 {offsets = [98, 0], sizes = [1, 1024], strides = [1, 1]} : vector<128x1024xf32> to vector<1x1024xf32>
    %squeeze3A_727 = vector.shape_cast %slice3A_726 : vector<1x1024xf32> to vector<1024xf32>
    %broadcast_in_dim3A_728 = vector.shape_cast %squeeze3A_727 : vector<1024xf32> to vector<1x1024xf32>
    %slice3A_729 = vector.extract_strided_slice %transpose3A {offsets = [32, 0], sizes = [16, 1024], strides = [1, 1]} : vector<512x1024xf32> to vector<16x1024xf32>
    %mul3A_730 = vector.broadcast %broadcast_in_dim3A_728 : vector<1x1024xf32> to vector<16x1024xf32>
    %mul3A_731 = arith.mulf %mul3A_730, %slice3A_729 : vector<16x1024xf32>
    %add3A_732 = arith.addf %add3A_725, %mul3A_731 : vector<16x1024xf32>
    %slice3A_733 = vector.extract_strided_slice %dot_general3A_32 {offsets = [99, 0], sizes = [1, 1024], strides = [1, 1]} : vector<128x1024xf32> to vector<1x1024xf32>
    %squeeze3A_734 = vector.shape_cast %slice3A_733 : vector<1x1024xf32> to vector<1024xf32>
    %broadcast_in_dim3A_735 = vector.shape_cast %squeeze3A_734 : vector<1024xf32> to vector<1x1024xf32>
    %slice3A_736 = vector.extract_strided_slice %transpose3A {offsets = [48, 0], sizes = [16, 1024], strides = [1, 1]} : vector<512x1024xf32> to vector<16x1024xf32>
    %mul3A_737 = vector.broadcast %broadcast_in_dim3A_735 : vector<1x1024xf32> to vector<16x1024xf32>
    %mul3A_738 = arith.mulf %mul3A_737, %slice3A_736 : vector<16x1024xf32>
    %add3A_739 = arith.addf %add3A_732, %mul3A_738 : vector<16x1024xf32>
    %slice3A_740 = vector.extract_strided_slice %dot_general3A_32 {offsets = [100, 0], sizes = [1, 1024], strides = [1, 1]} : vector<128x1024xf32> to vector<1x1024xf32>
    %squeeze3A_741 = vector.shape_cast %slice3A_740 : vector<1x1024xf32> to vector<1024xf32>
    %broadcast_in_dim3A_742 = vector.shape_cast %squeeze3A_741 : vector<1024xf32> to vector<1x1024xf32>
    %slice3A_743 = vector.extract_strided_slice %transpose3A {offsets = [64, 0], sizes = [16, 1024], strides = [1, 1]} : vector<512x1024xf32> to vector<16x1024xf32>
    %mul3A_744 = vector.broadcast %broadcast_in_dim3A_742 : vector<1x1024xf32> to vector<16x1024xf32>
    %mul3A_745 = arith.mulf %mul3A_744, %slice3A_743 : vector<16x1024xf32>
    %add3A_746 = arith.addf %add3A_739, %mul3A_745 : vector<16x1024xf32>
    %slice3A_747 = vector.extract_strided_slice %dot_general3A_32 {offsets = [101, 0], sizes = [1, 1024], strides = [1, 1]} : vector<128x1024xf32> to vector<1x1024xf32>
    %squeeze3A_748 = vector.shape_cast %slice3A_747 : vector<1x1024xf32> to vector<1024xf32>
    %broadcast_in_dim3A_749 = vector.shape_cast %squeeze3A_748 : vector<1024xf32> to vector<1x1024xf32>
    %slice3A_750 = vector.extract_strided_slice %transpose3A {offsets = [80, 0], sizes = [16, 1024], strides = [1, 1]} : vector<512x1024xf32> to vector<16x1024xf32>
    %mul3A_751 = vector.broadcast %broadcast_in_dim3A_749 : vector<1x1024xf32> to vector<16x1024xf32>
    %mul3A_752 = arith.mulf %mul3A_751, %slice3A_750 : vector<16x1024xf32>
    %add3A_753 = arith.addf %add3A_746, %mul3A_752 : vector<16x1024xf32>
    %slice3A_754 = vector.extract_strided_slice %dot_general3A_32 {offsets = [102, 0], sizes = [1, 1024], strides = [1, 1]} : vector<128x1024xf32> to vector<1x1024xf32>
    %squeeze3A_755 = vector.shape_cast %slice3A_754 : vector<1x1024xf32> to vector<1024xf32>
    %broadcast_in_dim3A_756 = vector.shape_cast %squeeze3A_755 : vector<1024xf32> to vector<1x1024xf32>
    %slice3A_757 = vector.extract_strided_slice %transpose3A {offsets = [96, 0], sizes = [16, 1024], strides = [1, 1]} : vector<512x1024xf32> to vector<16x1024xf32>
    %mul3A_758 = vector.broadcast %broadcast_in_dim3A_756 : vector<1x1024xf32> to vector<16x1024xf32>
    %mul3A_759 = arith.mulf %mul3A_758, %slice3A_757 : vector<16x1024xf32>
    %add3A_760 = arith.addf %add3A_753, %mul3A_759 : vector<16x1024xf32>
    %slice3A_761 = vector.extract_strided_slice %dot_general3A_32 {offsets = [103, 0], sizes = [1, 1024], strides = [1, 1]} : vector<128x1024xf32> to vector<1x1024xf32>
    %squeeze3A_762 = vector.shape_cast %slice3A_761 : vector<1x1024xf32> to vector<1024xf32>
    %broadcast_in_dim3A_763 = vector.shape_cast %squeeze3A_762 : vector<1024xf32> to vector<1x1024xf32>
    %slice3A_764 = vector.extract_strided_slice %transpose3A {offsets = [112, 0], sizes = [16, 1024], strides = [1, 1]} : vector<512x1024xf32> to vector<16x1024xf32>
    %mul3A_765 = vector.broadcast %broadcast_in_dim3A_763 : vector<1x1024xf32> to vector<16x1024xf32>
    %mul3A_766 = arith.mulf %mul3A_765, %slice3A_764 : vector<16x1024xf32>
    %add3A_767 = arith.addf %add3A_760, %mul3A_766 : vector<16x1024xf32>
    %slice3A_768 = vector.extract_strided_slice %dot_general3A_32 {offsets = [104, 0], sizes = [1, 1024], strides = [1, 1]} : vector<128x1024xf32> to vector<1x1024xf32>
    %squeeze3A_769 = vector.shape_cast %slice3A_768 : vector<1x1024xf32> to vector<1024xf32>
    %broadcast_in_dim3A_770 = vector.shape_cast %squeeze3A_769 : vector<1024xf32> to vector<1x1024xf32>
    %slice3A_771 = vector.extract_strided_slice %transpose3A {offsets = [128, 0], sizes = [16, 1024], strides = [1, 1]} : vector<512x1024xf32> to vector<16x1024xf32>
    %mul3A_772 = vector.broadcast %broadcast_in_dim3A_770 : vector<1x1024xf32> to vector<16x1024xf32>
    %mul3A_773 = arith.mulf %mul3A_772, %slice3A_771 : vector<16x1024xf32>
    %add3A_774 = arith.addf %add3A_767, %mul3A_773 : vector<16x1024xf32>
    %slice3A_775 = vector.extract_strided_slice %dot_general3A_32 {offsets = [105, 0], sizes = [1, 1024], strides = [1, 1]} : vector<128x1024xf32> to vector<1x1024xf32>
    %squeeze3A_776 = vector.shape_cast %slice3A_775 : vector<1x1024xf32> to vector<1024xf32>
    %broadcast_in_dim3A_777 = vector.shape_cast %squeeze3A_776 : vector<1024xf32> to vector<1x1024xf32>
    %slice3A_778 = vector.extract_strided_slice %transpose3A {offsets = [144, 0], sizes = [16, 1024], strides = [1, 1]} : vector<512x1024xf32> to vector<16x1024xf32>
    %mul3A_779 = vector.broadcast %broadcast_in_dim3A_777 : vector<1x1024xf32> to vector<16x1024xf32>
    %mul3A_780 = arith.mulf %mul3A_779, %slice3A_778 : vector<16x1024xf32>
    %add3A_781 = arith.addf %add3A_774, %mul3A_780 : vector<16x1024xf32>
    %slice3A_782 = vector.extract_strided_slice %dot_general3A_32 {offsets = [106, 0], sizes = [1, 1024], strides = [1, 1]} : vector<128x1024xf32> to vector<1x1024xf32>
    %squeeze3A_783 = vector.shape_cast %slice3A_782 : vector<1x1024xf32> to vector<1024xf32>
    %broadcast_in_dim3A_784 = vector.shape_cast %squeeze3A_783 : vector<1024xf32> to vector<1x1024xf32>
    %slice3A_785 = vector.extract_strided_slice %transpose3A {offsets = [160, 0], sizes = [16, 1024], strides = [1, 1]} : vector<512x1024xf32> to vector<16x1024xf32>
    %mul3A_786 = vector.broadcast %broadcast_in_dim3A_784 : vector<1x1024xf32> to vector<16x1024xf32>
    %mul3A_787 = arith.mulf %mul3A_786, %slice3A_785 : vector<16x1024xf32>
    %add3A_788 = arith.addf %add3A_781, %mul3A_787 : vector<16x1024xf32>
    %slice3A_789 = vector.extract_strided_slice %dot_general3A_32 {offsets = [107, 0], sizes = [1, 1024], strides = [1, 1]} : vector<128x1024xf32> to vector<1x1024xf32>
    %squeeze3A_790 = vector.shape_cast %slice3A_789 : vector<1x1024xf32> to vector<1024xf32>
    %broadcast_in_dim3A_791 = vector.shape_cast %squeeze3A_790 : vector<1024xf32> to vector<1x1024xf32>
    %slice3A_792 = vector.extract_strided_slice %transpose3A {offsets = [176, 0], sizes = [16, 1024], strides = [1, 1]} : vector<512x1024xf32> to vector<16x1024xf32>
    %mul3A_793 = vector.broadcast %broadcast_in_dim3A_791 : vector<1x1024xf32> to vector<16x1024xf32>
    %mul3A_794 = arith.mulf %mul3A_793, %slice3A_792 : vector<16x1024xf32>
    %add3A_795 = arith.addf %add3A_788, %mul3A_794 : vector<16x1024xf32>
    %slice3A_796 = vector.extract_strided_slice %dot_general3A_32 {offsets = [108, 0], sizes = [1, 1024], strides = [1, 1]} : vector<128x1024xf32> to vector<1x1024xf32>
    %squeeze3A_797 = vector.shape_cast %slice3A_796 : vector<1x1024xf32> to vector<1024xf32>
    %broadcast_in_dim3A_798 = vector.shape_cast %squeeze3A_797 : vector<1024xf32> to vector<1x1024xf32>
    %slice3A_799 = vector.extract_strided_slice %transpose3A {offsets = [192, 0], sizes = [16, 1024], strides = [1, 1]} : vector<512x1024xf32> to vector<16x1024xf32>
    %mul3A_800 = vector.broadcast %broadcast_in_dim3A_798 : vector<1x1024xf32> to vector<16x1024xf32>
    %mul3A_801 = arith.mulf %mul3A_800, %slice3A_799 : vector<16x1024xf32>
    %add3A_802 = arith.addf %add3A_795, %mul3A_801 : vector<16x1024xf32>
    %slice3A_803 = vector.extract_strided_slice %dot_general3A_32 {offsets = [109, 0], sizes = [1, 1024], strides = [1, 1]} : vector<128x1024xf32> to vector<1x1024xf32>
    %squeeze3A_804 = vector.shape_cast %slice3A_803 : vector<1x1024xf32> to vector<1024xf32>
    %broadcast_in_dim3A_805 = vector.shape_cast %squeeze3A_804 : vector<1024xf32> to vector<1x1024xf32>
    %slice3A_806 = vector.extract_strided_slice %transpose3A {offsets = [208, 0], sizes = [16, 1024], strides = [1, 1]} : vector<512x1024xf32> to vector<16x1024xf32>
    %mul3A_807 = vector.broadcast %broadcast_in_dim3A_805 : vector<1x1024xf32> to vector<16x1024xf32>
    %mul3A_808 = arith.mulf %mul3A_807, %slice3A_806 : vector<16x1024xf32>
    %add3A_809 = arith.addf %add3A_802, %mul3A_808 : vector<16x1024xf32>
    %slice3A_810 = vector.extract_strided_slice %dot_general3A_32 {offsets = [110, 0], sizes = [1, 1024], strides = [1, 1]} : vector<128x1024xf32> to vector<1x1024xf32>
    %squeeze3A_811 = vector.shape_cast %slice3A_810 : vector<1x1024xf32> to vector<1024xf32>
    %broadcast_in_dim3A_812 = vector.shape_cast %squeeze3A_811 : vector<1024xf32> to vector<1x1024xf32>
    %slice3A_813 = vector.extract_strided_slice %transpose3A {offsets = [224, 0], sizes = [16, 1024], strides = [1, 1]} : vector<512x1024xf32> to vector<16x1024xf32>
    %mul3A_814 = vector.broadcast %broadcast_in_dim3A_812 : vector<1x1024xf32> to vector<16x1024xf32>
    %mul3A_815 = arith.mulf %mul3A_814, %slice3A_813 : vector<16x1024xf32>
    %add3A_816 = arith.addf %add3A_809, %mul3A_815 : vector<16x1024xf32>
    %slice3A_817 = vector.extract_strided_slice %dot_general3A_32 {offsets = [111, 0], sizes = [1, 1024], strides = [1, 1]} : vector<128x1024xf32> to vector<1x1024xf32>
    %squeeze3A_818 = vector.shape_cast %slice3A_817 : vector<1x1024xf32> to vector<1024xf32>
    %broadcast_in_dim3A_819 = vector.shape_cast %squeeze3A_818 : vector<1024xf32> to vector<1x1024xf32>
    %slice3A_820 = vector.extract_strided_slice %transpose3A {offsets = [240, 0], sizes = [16, 1024], strides = [1, 1]} : vector<512x1024xf32> to vector<16x1024xf32>
    %mul3A_821 = vector.broadcast %broadcast_in_dim3A_819 : vector<1x1024xf32> to vector<16x1024xf32>
    %mul3A_822 = arith.mulf %mul3A_821, %slice3A_820 : vector<16x1024xf32>
    %add3A_823 = arith.addf %add3A_816, %mul3A_822 : vector<16x1024xf32>
    %slice3A_824 = vector.extract_strided_slice %dot_general3A_32 {offsets = [112, 0], sizes = [1, 1024], strides = [1, 1]} : vector<128x1024xf32> to vector<1x1024xf32>
    %squeeze3A_825 = vector.shape_cast %slice3A_824 : vector<1x1024xf32> to vector<1024xf32>
    %broadcast_in_dim3A_826 = vector.shape_cast %squeeze3A_825 : vector<1024xf32> to vector<1x1024xf32>
    %slice3A_827 = vector.extract_strided_slice %transpose3A {offsets = [256, 0], sizes = [16, 1024], strides = [1, 1]} : vector<512x1024xf32> to vector<16x1024xf32>
    %mul3A_828 = vector.broadcast %broadcast_in_dim3A_826 : vector<1x1024xf32> to vector<16x1024xf32>
    %mul3A_829 = arith.mulf %mul3A_828, %slice3A_827 : vector<16x1024xf32>
    %add3A_830 = arith.addf %add3A_823, %mul3A_829 : vector<16x1024xf32>
    %slice3A_831 = vector.extract_strided_slice %dot_general3A_32 {offsets = [113, 0], sizes = [1, 1024], strides = [1, 1]} : vector<128x1024xf32> to vector<1x1024xf32>
    %squeeze3A_832 = vector.shape_cast %slice3A_831 : vector<1x1024xf32> to vector<1024xf32>
    %broadcast_in_dim3A_833 = vector.shape_cast %squeeze3A_832 : vector<1024xf32> to vector<1x1024xf32>
    %slice3A_834 = vector.extract_strided_slice %transpose3A {offsets = [272, 0], sizes = [16, 1024], strides = [1, 1]} : vector<512x1024xf32> to vector<16x1024xf32>
    %mul3A_835 = vector.broadcast %broadcast_in_dim3A_833 : vector<1x1024xf32> to vector<16x1024xf32>
    %mul3A_836 = arith.mulf %mul3A_835, %slice3A_834 : vector<16x1024xf32>
    %add3A_837 = arith.addf %add3A_830, %mul3A_836 : vector<16x1024xf32>
    %slice3A_838 = vector.extract_strided_slice %dot_general3A_32 {offsets = [114, 0], sizes = [1, 1024], strides = [1, 1]} : vector<128x1024xf32> to vector<1x1024xf32>
    %squeeze3A_839 = vector.shape_cast %slice3A_838 : vector<1x1024xf32> to vector<1024xf32>
    %broadcast_in_dim3A_840 = vector.shape_cast %squeeze3A_839 : vector<1024xf32> to vector<1x1024xf32>
    %slice3A_841 = vector.extract_strided_slice %transpose3A {offsets = [288, 0], sizes = [16, 1024], strides = [1, 1]} : vector<512x1024xf32> to vector<16x1024xf32>
    %mul3A_842 = vector.broadcast %broadcast_in_dim3A_840 : vector<1x1024xf32> to vector<16x1024xf32>
    %mul3A_843 = arith.mulf %mul3A_842, %slice3A_841 : vector<16x1024xf32>
    %add3A_844 = arith.addf %add3A_837, %mul3A_843 : vector<16x1024xf32>
    %slice3A_845 = vector.extract_strided_slice %dot_general3A_32 {offsets = [115, 0], sizes = [1, 1024], strides = [1, 1]} : vector<128x1024xf32> to vector<1x1024xf32>
    %squeeze3A_846 = vector.shape_cast %slice3A_845 : vector<1x1024xf32> to vector<1024xf32>
    %broadcast_in_dim3A_847 = vector.shape_cast %squeeze3A_846 : vector<1024xf32> to vector<1x1024xf32>
    %slice3A_848 = vector.extract_strided_slice %transpose3A {offsets = [304, 0], sizes = [16, 1024], strides = [1, 1]} : vector<512x1024xf32> to vector<16x1024xf32>
    %mul3A_849 = vector.broadcast %broadcast_in_dim3A_847 : vector<1x1024xf32> to vector<16x1024xf32>
    %mul3A_850 = arith.mulf %mul3A_849, %slice3A_848 : vector<16x1024xf32>
    %add3A_851 = arith.addf %add3A_844, %mul3A_850 : vector<16x1024xf32>
    %slice3A_852 = vector.extract_strided_slice %dot_general3A_32 {offsets = [116, 0], sizes = [1, 1024], strides = [1, 1]} : vector<128x1024xf32> to vector<1x1024xf32>
    %squeeze3A_853 = vector.shape_cast %slice3A_852 : vector<1x1024xf32> to vector<1024xf32>
    %broadcast_in_dim3A_854 = vector.shape_cast %squeeze3A_853 : vector<1024xf32> to vector<1x1024xf32>
    %slice3A_855 = vector.extract_strided_slice %transpose3A {offsets = [320, 0], sizes = [16, 1024], strides = [1, 1]} : vector<512x1024xf32> to vector<16x1024xf32>
    %mul3A_856 = vector.broadcast %broadcast_in_dim3A_854 : vector<1x1024xf32> to vector<16x1024xf32>
    %mul3A_857 = arith.mulf %mul3A_856, %slice3A_855 : vector<16x1024xf32>
    %add3A_858 = arith.addf %add3A_851, %mul3A_857 : vector<16x1024xf32>
    %slice3A_859 = vector.extract_strided_slice %dot_general3A_32 {offsets = [117, 0], sizes = [1, 1024], strides = [1, 1]} : vector<128x1024xf32> to vector<1x1024xf32>
    %squeeze3A_860 = vector.shape_cast %slice3A_859 : vector<1x1024xf32> to vector<1024xf32>
    %broadcast_in_dim3A_861 = vector.shape_cast %squeeze3A_860 : vector<1024xf32> to vector<1x1024xf32>
    %slice3A_862 = vector.extract_strided_slice %transpose3A {offsets = [336, 0], sizes = [16, 1024], strides = [1, 1]} : vector<512x1024xf32> to vector<16x1024xf32>
    %mul3A_863 = vector.broadcast %broadcast_in_dim3A_861 : vector<1x1024xf32> to vector<16x1024xf32>
    %mul3A_864 = arith.mulf %mul3A_863, %slice3A_862 : vector<16x1024xf32>
    %add3A_865 = arith.addf %add3A_858, %mul3A_864 : vector<16x1024xf32>
    %slice3A_866 = vector.extract_strided_slice %dot_general3A_32 {offsets = [118, 0], sizes = [1, 1024], strides = [1, 1]} : vector<128x1024xf32> to vector<1x1024xf32>
    %squeeze3A_867 = vector.shape_cast %slice3A_866 : vector<1x1024xf32> to vector<1024xf32>
    %broadcast_in_dim3A_868 = vector.shape_cast %squeeze3A_867 : vector<1024xf32> to vector<1x1024xf32>
    %slice3A_869 = vector.extract_strided_slice %transpose3A {offsets = [352, 0], sizes = [16, 1024], strides = [1, 1]} : vector<512x1024xf32> to vector<16x1024xf32>
    %mul3A_870 = vector.broadcast %broadcast_in_dim3A_868 : vector<1x1024xf32> to vector<16x1024xf32>
    %mul3A_871 = arith.mulf %mul3A_870, %slice3A_869 : vector<16x1024xf32>
    %add3A_872 = arith.addf %add3A_865, %mul3A_871 : vector<16x1024xf32>
    %slice3A_873 = vector.extract_strided_slice %dot_general3A_32 {offsets = [119, 0], sizes = [1, 1024], strides = [1, 1]} : vector<128x1024xf32> to vector<1x1024xf32>
    %squeeze3A_874 = vector.shape_cast %slice3A_873 : vector<1x1024xf32> to vector<1024xf32>
    %broadcast_in_dim3A_875 = vector.shape_cast %squeeze3A_874 : vector<1024xf32> to vector<1x1024xf32>
    %slice3A_876 = vector.extract_strided_slice %transpose3A {offsets = [368, 0], sizes = [16, 1024], strides = [1, 1]} : vector<512x1024xf32> to vector<16x1024xf32>
    %mul3A_877 = vector.broadcast %broadcast_in_dim3A_875 : vector<1x1024xf32> to vector<16x1024xf32>
    %mul3A_878 = arith.mulf %mul3A_877, %slice3A_876 : vector<16x1024xf32>
    %add3A_879 = arith.addf %add3A_872, %mul3A_878 : vector<16x1024xf32>
    %slice3A_880 = vector.extract_strided_slice %dot_general3A_32 {offsets = [120, 0], sizes = [1, 1024], strides = [1, 1]} : vector<128x1024xf32> to vector<1x1024xf32>
    %squeeze3A_881 = vector.shape_cast %slice3A_880 : vector<1x1024xf32> to vector<1024xf32>
    %broadcast_in_dim3A_882 = vector.shape_cast %squeeze3A_881 : vector<1024xf32> to vector<1x1024xf32>
    %slice3A_883 = vector.extract_strided_slice %transpose3A {offsets = [384, 0], sizes = [16, 1024], strides = [1, 1]} : vector<512x1024xf32> to vector<16x1024xf32>
    %mul3A_884 = vector.broadcast %broadcast_in_dim3A_882 : vector<1x1024xf32> to vector<16x1024xf32>
    %mul3A_885 = arith.mulf %mul3A_884, %slice3A_883 : vector<16x1024xf32>
    %add3A_886 = arith.addf %add3A_879, %mul3A_885 : vector<16x1024xf32>
    %slice3A_887 = vector.extract_strided_slice %dot_general3A_32 {offsets = [121, 0], sizes = [1, 1024], strides = [1, 1]} : vector<128x1024xf32> to vector<1x1024xf32>
    %squeeze3A_888 = vector.shape_cast %slice3A_887 : vector<1x1024xf32> to vector<1024xf32>
    %broadcast_in_dim3A_889 = vector.shape_cast %squeeze3A_888 : vector<1024xf32> to vector<1x1024xf32>
    %slice3A_890 = vector.extract_strided_slice %transpose3A {offsets = [400, 0], sizes = [16, 1024], strides = [1, 1]} : vector<512x1024xf32> to vector<16x1024xf32>
    %mul3A_891 = vector.broadcast %broadcast_in_dim3A_889 : vector<1x1024xf32> to vector<16x1024xf32>
    %mul3A_892 = arith.mulf %mul3A_891, %slice3A_890 : vector<16x1024xf32>
    %add3A_893 = arith.addf %add3A_886, %mul3A_892 : vector<16x1024xf32>
    %slice3A_894 = vector.extract_strided_slice %dot_general3A_32 {offsets = [122, 0], sizes = [1, 1024], strides = [1, 1]} : vector<128x1024xf32> to vector<1x1024xf32>
    %squeeze3A_895 = vector.shape_cast %slice3A_894 : vector<1x1024xf32> to vector<1024xf32>
    %broadcast_in_dim3A_896 = vector.shape_cast %squeeze3A_895 : vector<1024xf32> to vector<1x1024xf32>
    %slice3A_897 = vector.extract_strided_slice %transpose3A {offsets = [416, 0], sizes = [16, 1024], strides = [1, 1]} : vector<512x1024xf32> to vector<16x1024xf32>
    %mul3A_898 = vector.broadcast %broadcast_in_dim3A_896 : vector<1x1024xf32> to vector<16x1024xf32>
    %mul3A_899 = arith.mulf %mul3A_898, %slice3A_897 : vector<16x1024xf32>
    %add3A_900 = arith.addf %add3A_893, %mul3A_899 : vector<16x1024xf32>
    %slice3A_901 = vector.extract_strided_slice %dot_general3A_32 {offsets = [123, 0], sizes = [1, 1024], strides = [1, 1]} : vector<128x1024xf32> to vector<1x1024xf32>
    %squeeze3A_902 = vector.shape_cast %slice3A_901 : vector<1x1024xf32> to vector<1024xf32>
    %broadcast_in_dim3A_903 = vector.shape_cast %squeeze3A_902 : vector<1024xf32> to vector<1x1024xf32>
    %slice3A_904 = vector.extract_strided_slice %transpose3A {offsets = [432, 0], sizes = [16, 1024], strides = [1, 1]} : vector<512x1024xf32> to vector<16x1024xf32>
    %mul3A_905 = vector.broadcast %broadcast_in_dim3A_903 : vector<1x1024xf32> to vector<16x1024xf32>
    %mul3A_906 = arith.mulf %mul3A_905, %slice3A_904 : vector<16x1024xf32>
    %add3A_907 = arith.addf %add3A_900, %mul3A_906 : vector<16x1024xf32>
    %slice3A_908 = vector.extract_strided_slice %dot_general3A_32 {offsets = [124, 0], sizes = [1, 1024], strides = [1, 1]} : vector<128x1024xf32> to vector<1x1024xf32>
    %squeeze3A_909 = vector.shape_cast %slice3A_908 : vector<1x1024xf32> to vector<1024xf32>
    %broadcast_in_dim3A_910 = vector.shape_cast %squeeze3A_909 : vector<1024xf32> to vector<1x1024xf32>
    %slice3A_911 = vector.extract_strided_slice %transpose3A {offsets = [448, 0], sizes = [16, 1024], strides = [1, 1]} : vector<512x1024xf32> to vector<16x1024xf32>
    %mul3A_912 = vector.broadcast %broadcast_in_dim3A_910 : vector<1x1024xf32> to vector<16x1024xf32>
    %mul3A_913 = arith.mulf %mul3A_912, %slice3A_911 : vector<16x1024xf32>
    %add3A_914 = arith.addf %add3A_907, %mul3A_913 : vector<16x1024xf32>
    %slice3A_915 = vector.extract_strided_slice %dot_general3A_32 {offsets = [125, 0], sizes = [1, 1024], strides = [1, 1]} : vector<128x1024xf32> to vector<1x1024xf32>
    %squeeze3A_916 = vector.shape_cast %slice3A_915 : vector<1x1024xf32> to vector<1024xf32>
    %broadcast_in_dim3A_917 = vector.shape_cast %squeeze3A_916 : vector<1024xf32> to vector<1x1024xf32>
    %slice3A_918 = vector.extract_strided_slice %transpose3A {offsets = [464, 0], sizes = [16, 1024], strides = [1, 1]} : vector<512x1024xf32> to vector<16x1024xf32>
    %mul3A_919 = vector.broadcast %broadcast_in_dim3A_917 : vector<1x1024xf32> to vector<16x1024xf32>
    %mul3A_920 = arith.mulf %mul3A_919, %slice3A_918 : vector<16x1024xf32>
    %add3A_921 = arith.addf %add3A_914, %mul3A_920 : vector<16x1024xf32>
    %slice3A_922 = vector.extract_strided_slice %dot_general3A_32 {offsets = [126, 0], sizes = [1, 1024], strides = [1, 1]} : vector<128x1024xf32> to vector<1x1024xf32>
    %squeeze3A_923 = vector.shape_cast %slice3A_922 : vector<1x1024xf32> to vector<1024xf32>
    %broadcast_in_dim3A_924 = vector.shape_cast %squeeze3A_923 : vector<1024xf32> to vector<1x1024xf32>
    %slice3A_925 = vector.extract_strided_slice %transpose3A {offsets = [480, 0], sizes = [16, 1024], strides = [1, 1]} : vector<512x1024xf32> to vector<16x1024xf32>
    %mul3A_926 = vector.broadcast %broadcast_in_dim3A_924 : vector<1x1024xf32> to vector<16x1024xf32>
    %mul3A_927 = arith.mulf %mul3A_926, %slice3A_925 : vector<16x1024xf32>
    %add3A_928 = arith.addf %add3A_921, %mul3A_927 : vector<16x1024xf32>
    %slice3A_929 = vector.extract_strided_slice %dot_general3A_32 {offsets = [127, 0], sizes = [1, 1024], strides = [1, 1]} : vector<128x1024xf32> to vector<1x1024xf32>
    %squeeze3A_930 = vector.shape_cast %slice3A_929 : vector<1x1024xf32> to vector<1024xf32>
    %broadcast_in_dim3A_931 = vector.shape_cast %squeeze3A_930 : vector<1024xf32> to vector<1x1024xf32>
    %slice3A_932 = vector.extract_strided_slice %transpose3A {offsets = [496, 0], sizes = [16, 1024], strides = [1, 1]} : vector<512x1024xf32> to vector<16x1024xf32>
    %mul3A_933 = vector.broadcast %broadcast_in_dim3A_931 : vector<1x1024xf32> to vector<16x1024xf32>
    %mul3A_934 = arith.mulf %mul3A_933, %slice3A_932 : vector<16x1024xf32>
    %add3A_935 = arith.addf %add3A_928, %mul3A_934 : vector<16x1024xf32>
    %concatenate3A = tpu.concatenate %add3A_257, %add3A_483, %add3A_709, %add3A_935 in 0 : vector<16x1024xf32>, vector<16x1024xf32>, vector<16x1024xf32>, vector<16x1024xf32> -> vector<64x1024xf32>
    %transpose3A_936 = tpu.transpose %concatenate3A, [1, 0] : vector<64x1024xf32> -> vector<1024x64xf32>
    %swap3A = arith.constant 0 : index
    %swap3A_937 = arith.constant 0 : index
    %swap3A_938 = vector.load %arg4[%swap3A, %swap3A_937] : memref<1024x64xf32, #tpu.memory_space<vmem>>, vector<1024x64xf32>
    tpu.vector_store %arg4[%swap3A, %swap3A_937], %transpose3A_936 {strides = array<i32>} : memref<1024x64xf32, #tpu.memory_space<vmem>>, vector<1024x64xf32>,
    return
  }
  func.func @transform_0(%arg0: i32) -> (i32, i32, i32) {
    %c0_i32 = arith.constant 0 : i32
    %c0_i32_0 = arith.constant 0 : i32
    %c0_i32_1 = arith.constant 0 : i32
    return %arg0, %c0_i32, %c0_i32_0 : i32, i32, i32
  }
  func.func @transform_1(%arg0: i32) -> (i32, i32) {
    %c0_i32 = arith.constant 0 : i32
    %c0_i32_0 = arith.constant 0 : i32
    %c0_i32_1 = arith.constant 0 : i32
    return %c0_i32, %c0_i32_0 : i32, i32
  }
  func.func @transform_2(%arg0: i32) -> (i32, i32) {
    %c0_i32 = arith.constant 0 : i32
    %c0_i32_0 = arith.constant 0 : i32
    return %arg0, %c0_i32 : i32, i32
  }
  func.func @transform_3(%arg0: i32) -> (i32, i32) {
    %c0_i32 = arith.constant 0 : i32
    %c0_i32_0 = arith.constant 0 : i32
    return %arg0, %c0_i32 : i32, i32
  }
}

module attributes {stable_mosaic.version = 14 : i64} {
  func.func @_table_kernel(%arg0: i32, %arg1: memref<20x32x128xf32, #tpu.memory_space<vmem>>, %arg2: memref<104x128xf32, #tpu.memory_space<vmem>>, %arg3: memref<128x512xf32, #tpu.memory_space<vmem>>, %arg4: memref<128x512xf32, #tpu.memory_space<vmem>>, %arg5: memref<20x104x512xf32, #tpu.memory_space<vmem>>) attributes {dimension_semantics = [#tpu.dimension_semantics<arbitrary>], iteration_bounds = array<i64: 5>, scalar_prefetch = 0 : i64, scratch_operands = 0 : i64, tpu.core_type = #tpu.core_type<tc>, window_params = [{transform_indices = @transform_0, window_bounds = array<i64: 20, 32, 128>}, {pipeline_mode = #tpu.pipeline_mode<synchronous>, transform_indices = @transform_1, window_bounds = array<i64: 104, 128>}, {pipeline_mode = #tpu.pipeline_mode<synchronous>, transform_indices = @transform_2, window_bounds = array<i64: 128, 512>}, {pipeline_mode = #tpu.pipeline_mode<synchronous>, transform_indices = @transform_3, window_bounds = array<i64: 128, 512>}, {transform_indices = @transform_4, window_bounds = array<i64: 20, 104, 512>}]} {
    %get3A = arith.constant 0 : index
    %get3A_0 = arith.constant 0 : index
    %get3A_1 = arith.constant 0 : index
    %get3A_2 = vector.load %arg1[%get3A, %get3A_0, %get3A_1] : memref<20x32x128xf32, #tpu.memory_space<vmem>>, vector<20x32x128xf32>
    %slice3A = vector.extract_strided_slice %get3A_2 {offsets = [0, 0, 0], sizes = [4, 32, 128], strides = [1, 1, 1]} : vector<20x32x128xf32> to vector<4x32x128xf32>
    %reshape3A = vector.shape_cast %slice3A : vector<4x32x128xf32> to vector<128x128xf32>
    %get3A_3 = arith.constant 0 : index
    %get3A_4 = arith.constant 0 : index
    %get3A_5 = vector.load %arg3[%get3A_3, %get3A_4] : memref<128x512xf32, #tpu.memory_space<vmem>>, vector<128x512xf32>
    %dot_general3A = arith.constant dense<0.000000e+00> : vector<128x512xf32>
    %dot_general3A_6 = tpu.matmul %reshape3A, %get3A_5, %dot_general3A {dimension_numbers = #tpu.dot_dimension_numbers<[1], [0], [0], [1], [0, 0, 1, 1], [], []>, transpose_lhs_hint = false} : vector<128x128xf32>, vector<128x512xf32>, vector<128x512xf32> -> vector<128x512xf32>
    %slice3A_7 = vector.extract_strided_slice %dot_general3A_6 {offsets = [0, 0], sizes = [32, 512], strides = [1, 1]} : vector<128x512xf32> to vector<32x512xf32>
    %concatenate3A = tpu.concatenate %slice3A_7, %slice3A_7, %slice3A_7, %slice3A_7 in 0 : vector<32x512xf32>, vector<32x512xf32>, vector<32x512xf32>, vector<32x512xf32> -> vector<128x512xf32>
    %get3A_8 = arith.constant 0 : index
    %get3A_9 = arith.constant 0 : index
    %get3A_10 = vector.load %arg4[%get3A_8, %get3A_9] : memref<128x512xf32, #tpu.memory_space<vmem>>, vector<128x512xf32>
    %mul3A = arith.mulf %concatenate3A, %get3A_10 : vector<128x512xf32>
    %get3A_11 = arith.constant 0 : index
    %get3A_12 = arith.constant 0 : index
    %get3A_13 = vector.load %arg2[%get3A_11, %get3A_12] : memref<104x128xf32, #tpu.memory_space<vmem>>, vector<104x128xf32>
    %dot_general3A_14 = arith.constant dense<0.000000e+00> : vector<104x512xf32>
    %dot_general3A_15 = tpu.matmul %get3A_13, %mul3A, %dot_general3A_14 {dimension_numbers = #tpu.dot_dimension_numbers<[1], [0], [0], [1], [0, 0, 1, 1], [], []>, transpose_lhs_hint = false} : vector<104x128xf32>, vector<128x512xf32>, vector<104x512xf32> -> vector<104x512xf32>
    %swap3A = arith.constant 0 : index
    %swap3A_16 = arith.constant 0 : index
    %swap3A_17 = arith.constant 0 : index
    %swap3A_18 = vector.load %arg5[%swap3A, %swap3A_16, %swap3A_17] : memref<20x104x512xf32, #tpu.memory_space<vmem>>, vector<1x104x512xf32>
    %swap3A_19 = vector.shape_cast %swap3A_18 : vector<1x104x512xf32> to vector<104x512xf32>
    %swap3A_20 = vector.shape_cast %dot_general3A_15 : vector<104x512xf32> to vector<1x104x512xf32>
    tpu.vector_store %arg5[%swap3A, %swap3A_16, %swap3A_17], %swap3A_20 {strides = array<i32>} : memref<20x104x512xf32, #tpu.memory_space<vmem>>, vector<1x104x512xf32>,
    %slice3A_21 = vector.extract_strided_slice %dot_general3A_6 {offsets = [32, 0], sizes = [32, 512], strides = [1, 1]} : vector<128x512xf32> to vector<32x512xf32>
    %concatenate3A_22 = tpu.concatenate %slice3A_21, %slice3A_21, %slice3A_21, %slice3A_21 in 0 : vector<32x512xf32>, vector<32x512xf32>, vector<32x512xf32>, vector<32x512xf32> -> vector<128x512xf32>
    %get3A_23 = arith.constant 0 : index
    %get3A_24 = arith.constant 0 : index
    %get3A_25 = vector.load %arg4[%get3A_23, %get3A_24] : memref<128x512xf32, #tpu.memory_space<vmem>>, vector<128x512xf32>
    %mul3A_26 = arith.mulf %concatenate3A_22, %get3A_25 : vector<128x512xf32>
    %get3A_27 = arith.constant 0 : index
    %get3A_28 = arith.constant 0 : index
    %get3A_29 = vector.load %arg2[%get3A_27, %get3A_28] : memref<104x128xf32, #tpu.memory_space<vmem>>, vector<104x128xf32>
    %dot_general3A_30 = arith.constant dense<0.000000e+00> : vector<104x512xf32>
    %dot_general3A_31 = tpu.matmul %get3A_29, %mul3A_26, %dot_general3A_30 {dimension_numbers = #tpu.dot_dimension_numbers<[1], [0], [0], [1], [0, 0, 1, 1], [], []>, transpose_lhs_hint = false} : vector<104x128xf32>, vector<128x512xf32>, vector<104x512xf32> -> vector<104x512xf32>
    %swap3A_32 = arith.constant 1 : index
    %swap3A_33 = arith.constant 0 : index
    %swap3A_34 = arith.constant 0 : index
    %swap3A_35 = vector.load %arg5[%swap3A_32, %swap3A_33, %swap3A_34] : memref<20x104x512xf32, #tpu.memory_space<vmem>>, vector<1x104x512xf32>
    %swap3A_36 = vector.shape_cast %swap3A_35 : vector<1x104x512xf32> to vector<104x512xf32>
    %swap3A_37 = vector.shape_cast %dot_general3A_31 : vector<104x512xf32> to vector<1x104x512xf32>
    tpu.vector_store %arg5[%swap3A_32, %swap3A_33, %swap3A_34], %swap3A_37 {strides = array<i32>} : memref<20x104x512xf32, #tpu.memory_space<vmem>>, vector<1x104x512xf32>,
    %slice3A_38 = vector.extract_strided_slice %dot_general3A_6 {offsets = [64, 0], sizes = [32, 512], strides = [1, 1]} : vector<128x512xf32> to vector<32x512xf32>
    %concatenate3A_39 = tpu.concatenate %slice3A_38, %slice3A_38, %slice3A_38, %slice3A_38 in 0 : vector<32x512xf32>, vector<32x512xf32>, vector<32x512xf32>, vector<32x512xf32> -> vector<128x512xf32>
    %get3A_40 = arith.constant 0 : index
    %get3A_41 = arith.constant 0 : index
    %get3A_42 = vector.load %arg4[%get3A_40, %get3A_41] : memref<128x512xf32, #tpu.memory_space<vmem>>, vector<128x512xf32>
    %mul3A_43 = arith.mulf %concatenate3A_39, %get3A_42 : vector<128x512xf32>
    %get3A_44 = arith.constant 0 : index
    %get3A_45 = arith.constant 0 : index
    %get3A_46 = vector.load %arg2[%get3A_44, %get3A_45] : memref<104x128xf32, #tpu.memory_space<vmem>>, vector<104x128xf32>
    %dot_general3A_47 = arith.constant dense<0.000000e+00> : vector<104x512xf32>
    %dot_general3A_48 = tpu.matmul %get3A_46, %mul3A_43, %dot_general3A_47 {dimension_numbers = #tpu.dot_dimension_numbers<[1], [0], [0], [1], [0, 0, 1, 1], [], []>, transpose_lhs_hint = false} : vector<104x128xf32>, vector<128x512xf32>, vector<104x512xf32> -> vector<104x512xf32>
    %swap3A_49 = arith.constant 2 : index
    %swap3A_50 = arith.constant 0 : index
    %swap3A_51 = arith.constant 0 : index
    %swap3A_52 = vector.load %arg5[%swap3A_49, %swap3A_50, %swap3A_51] : memref<20x104x512xf32, #tpu.memory_space<vmem>>, vector<1x104x512xf32>
    %swap3A_53 = vector.shape_cast %swap3A_52 : vector<1x104x512xf32> to vector<104x512xf32>
    %swap3A_54 = vector.shape_cast %dot_general3A_48 : vector<104x512xf32> to vector<1x104x512xf32>
    tpu.vector_store %arg5[%swap3A_49, %swap3A_50, %swap3A_51], %swap3A_54 {strides = array<i32>} : memref<20x104x512xf32, #tpu.memory_space<vmem>>, vector<1x104x512xf32>,
    %slice3A_55 = vector.extract_strided_slice %dot_general3A_6 {offsets = [96, 0], sizes = [32, 512], strides = [1, 1]} : vector<128x512xf32> to vector<32x512xf32>
    %concatenate3A_56 = tpu.concatenate %slice3A_55, %slice3A_55, %slice3A_55, %slice3A_55 in 0 : vector<32x512xf32>, vector<32x512xf32>, vector<32x512xf32>, vector<32x512xf32> -> vector<128x512xf32>
    %get3A_57 = arith.constant 0 : index
    %get3A_58 = arith.constant 0 : index
    %get3A_59 = vector.load %arg4[%get3A_57, %get3A_58] : memref<128x512xf32, #tpu.memory_space<vmem>>, vector<128x512xf32>
    %mul3A_60 = arith.mulf %concatenate3A_56, %get3A_59 : vector<128x512xf32>
    %get3A_61 = arith.constant 0 : index
    %get3A_62 = arith.constant 0 : index
    %get3A_63 = vector.load %arg2[%get3A_61, %get3A_62] : memref<104x128xf32, #tpu.memory_space<vmem>>, vector<104x128xf32>
    %dot_general3A_64 = arith.constant dense<0.000000e+00> : vector<104x512xf32>
    %dot_general3A_65 = tpu.matmul %get3A_63, %mul3A_60, %dot_general3A_64 {dimension_numbers = #tpu.dot_dimension_numbers<[1], [0], [0], [1], [0, 0, 1, 1], [], []>, transpose_lhs_hint = false} : vector<104x128xf32>, vector<128x512xf32>, vector<104x512xf32> -> vector<104x512xf32>
    %swap3A_66 = arith.constant 3 : index
    %swap3A_67 = arith.constant 0 : index
    %swap3A_68 = arith.constant 0 : index
    %swap3A_69 = vector.load %arg5[%swap3A_66, %swap3A_67, %swap3A_68] : memref<20x104x512xf32, #tpu.memory_space<vmem>>, vector<1x104x512xf32>
    %swap3A_70 = vector.shape_cast %swap3A_69 : vector<1x104x512xf32> to vector<104x512xf32>
    %swap3A_71 = vector.shape_cast %dot_general3A_65 : vector<104x512xf32> to vector<1x104x512xf32>
    tpu.vector_store %arg5[%swap3A_66, %swap3A_67, %swap3A_68], %swap3A_71 {strides = array<i32>} : memref<20x104x512xf32, #tpu.memory_space<vmem>>, vector<1x104x512xf32>,
    %get3A_72 = arith.constant 0 : index
    %get3A_73 = arith.constant 0 : index
    %get3A_74 = arith.constant 0 : index
    %get3A_75 = vector.load %arg1[%get3A_72, %get3A_73, %get3A_74] : memref<20x32x128xf32, #tpu.memory_space<vmem>>, vector<20x32x128xf32>
    %slice3A_76 = vector.extract_strided_slice %get3A_75 {offsets = [4, 0, 0], sizes = [4, 32, 128], strides = [1, 1, 1]} : vector<20x32x128xf32> to vector<4x32x128xf32>
    %reshape3A_77 = vector.shape_cast %slice3A_76 : vector<4x32x128xf32> to vector<128x128xf32>
    %get3A_78 = arith.constant 0 : index
    %get3A_79 = arith.constant 0 : index
    %get3A_80 = vector.load %arg3[%get3A_78, %get3A_79] : memref<128x512xf32, #tpu.memory_space<vmem>>, vector<128x512xf32>
    %dot_general3A_81 = arith.constant dense<0.000000e+00> : vector<128x512xf32>
    %dot_general3A_82 = tpu.matmul %reshape3A_77, %get3A_80, %dot_general3A_81 {dimension_numbers = #tpu.dot_dimension_numbers<[1], [0], [0], [1], [0, 0, 1, 1], [], []>, transpose_lhs_hint = false} : vector<128x128xf32>, vector<128x512xf32>, vector<128x512xf32> -> vector<128x512xf32>
    %slice3A_83 = vector.extract_strided_slice %dot_general3A_82 {offsets = [0, 0], sizes = [32, 512], strides = [1, 1]} : vector<128x512xf32> to vector<32x512xf32>
    %concatenate3A_84 = tpu.concatenate %slice3A_83, %slice3A_83, %slice3A_83, %slice3A_83 in 0 : vector<32x512xf32>, vector<32x512xf32>, vector<32x512xf32>, vector<32x512xf32> -> vector<128x512xf32>
    %get3A_85 = arith.constant 0 : index
    %get3A_86 = arith.constant 0 : index
    %get3A_87 = vector.load %arg4[%get3A_85, %get3A_86] : memref<128x512xf32, #tpu.memory_space<vmem>>, vector<128x512xf32>
    %mul3A_88 = arith.mulf %concatenate3A_84, %get3A_87 : vector<128x512xf32>
    %get3A_89 = arith.constant 0 : index
    %get3A_90 = arith.constant 0 : index
    %get3A_91 = vector.load %arg2[%get3A_89, %get3A_90] : memref<104x128xf32, #tpu.memory_space<vmem>>, vector<104x128xf32>
    %dot_general3A_92 = arith.constant dense<0.000000e+00> : vector<104x512xf32>
    %dot_general3A_93 = tpu.matmul %get3A_91, %mul3A_88, %dot_general3A_92 {dimension_numbers = #tpu.dot_dimension_numbers<[1], [0], [0], [1], [0, 0, 1, 1], [], []>, transpose_lhs_hint = false} : vector<104x128xf32>, vector<128x512xf32>, vector<104x512xf32> -> vector<104x512xf32>
    %swap3A_94 = arith.constant 4 : index
    %swap3A_95 = arith.constant 0 : index
    %swap3A_96 = arith.constant 0 : index
    %swap3A_97 = vector.load %arg5[%swap3A_94, %swap3A_95, %swap3A_96] : memref<20x104x512xf32, #tpu.memory_space<vmem>>, vector<1x104x512xf32>
    %swap3A_98 = vector.shape_cast %swap3A_97 : vector<1x104x512xf32> to vector<104x512xf32>
    %swap3A_99 = vector.shape_cast %dot_general3A_93 : vector<104x512xf32> to vector<1x104x512xf32>
    tpu.vector_store %arg5[%swap3A_94, %swap3A_95, %swap3A_96], %swap3A_99 {strides = array<i32>} : memref<20x104x512xf32, #tpu.memory_space<vmem>>, vector<1x104x512xf32>,
    %slice3A_100 = vector.extract_strided_slice %dot_general3A_82 {offsets = [32, 0], sizes = [32, 512], strides = [1, 1]} : vector<128x512xf32> to vector<32x512xf32>
    %concatenate3A_101 = tpu.concatenate %slice3A_100, %slice3A_100, %slice3A_100, %slice3A_100 in 0 : vector<32x512xf32>, vector<32x512xf32>, vector<32x512xf32>, vector<32x512xf32> -> vector<128x512xf32>
    %get3A_102 = arith.constant 0 : index
    %get3A_103 = arith.constant 0 : index
    %get3A_104 = vector.load %arg4[%get3A_102, %get3A_103] : memref<128x512xf32, #tpu.memory_space<vmem>>, vector<128x512xf32>
    %mul3A_105 = arith.mulf %concatenate3A_101, %get3A_104 : vector<128x512xf32>
    %get3A_106 = arith.constant 0 : index
    %get3A_107 = arith.constant 0 : index
    %get3A_108 = vector.load %arg2[%get3A_106, %get3A_107] : memref<104x128xf32, #tpu.memory_space<vmem>>, vector<104x128xf32>
    %dot_general3A_109 = arith.constant dense<0.000000e+00> : vector<104x512xf32>
    %dot_general3A_110 = tpu.matmul %get3A_108, %mul3A_105, %dot_general3A_109 {dimension_numbers = #tpu.dot_dimension_numbers<[1], [0], [0], [1], [0, 0, 1, 1], [], []>, transpose_lhs_hint = false} : vector<104x128xf32>, vector<128x512xf32>, vector<104x512xf32> -> vector<104x512xf32>
    %swap3A_111 = arith.constant 5 : index
    %swap3A_112 = arith.constant 0 : index
    %swap3A_113 = arith.constant 0 : index
    %swap3A_114 = vector.load %arg5[%swap3A_111, %swap3A_112, %swap3A_113] : memref<20x104x512xf32, #tpu.memory_space<vmem>>, vector<1x104x512xf32>
    %swap3A_115 = vector.shape_cast %swap3A_114 : vector<1x104x512xf32> to vector<104x512xf32>
    %swap3A_116 = vector.shape_cast %dot_general3A_110 : vector<104x512xf32> to vector<1x104x512xf32>
    tpu.vector_store %arg5[%swap3A_111, %swap3A_112, %swap3A_113], %swap3A_116 {strides = array<i32>} : memref<20x104x512xf32, #tpu.memory_space<vmem>>, vector<1x104x512xf32>,
    %slice3A_117 = vector.extract_strided_slice %dot_general3A_82 {offsets = [64, 0], sizes = [32, 512], strides = [1, 1]} : vector<128x512xf32> to vector<32x512xf32>
    %concatenate3A_118 = tpu.concatenate %slice3A_117, %slice3A_117, %slice3A_117, %slice3A_117 in 0 : vector<32x512xf32>, vector<32x512xf32>, vector<32x512xf32>, vector<32x512xf32> -> vector<128x512xf32>
    %get3A_119 = arith.constant 0 : index
    %get3A_120 = arith.constant 0 : index
    %get3A_121 = vector.load %arg4[%get3A_119, %get3A_120] : memref<128x512xf32, #tpu.memory_space<vmem>>, vector<128x512xf32>
    %mul3A_122 = arith.mulf %concatenate3A_118, %get3A_121 : vector<128x512xf32>
    %get3A_123 = arith.constant 0 : index
    %get3A_124 = arith.constant 0 : index
    %get3A_125 = vector.load %arg2[%get3A_123, %get3A_124] : memref<104x128xf32, #tpu.memory_space<vmem>>, vector<104x128xf32>
    %dot_general3A_126 = arith.constant dense<0.000000e+00> : vector<104x512xf32>
    %dot_general3A_127 = tpu.matmul %get3A_125, %mul3A_122, %dot_general3A_126 {dimension_numbers = #tpu.dot_dimension_numbers<[1], [0], [0], [1], [0, 0, 1, 1], [], []>, transpose_lhs_hint = false} : vector<104x128xf32>, vector<128x512xf32>, vector<104x512xf32> -> vector<104x512xf32>
    %swap3A_128 = arith.constant 6 : index
    %swap3A_129 = arith.constant 0 : index
    %swap3A_130 = arith.constant 0 : index
    %swap3A_131 = vector.load %arg5[%swap3A_128, %swap3A_129, %swap3A_130] : memref<20x104x512xf32, #tpu.memory_space<vmem>>, vector<1x104x512xf32>
    %swap3A_132 = vector.shape_cast %swap3A_131 : vector<1x104x512xf32> to vector<104x512xf32>
    %swap3A_133 = vector.shape_cast %dot_general3A_127 : vector<104x512xf32> to vector<1x104x512xf32>
    tpu.vector_store %arg5[%swap3A_128, %swap3A_129, %swap3A_130], %swap3A_133 {strides = array<i32>} : memref<20x104x512xf32, #tpu.memory_space<vmem>>, vector<1x104x512xf32>,
    %slice3A_134 = vector.extract_strided_slice %dot_general3A_82 {offsets = [96, 0], sizes = [32, 512], strides = [1, 1]} : vector<128x512xf32> to vector<32x512xf32>
    %concatenate3A_135 = tpu.concatenate %slice3A_134, %slice3A_134, %slice3A_134, %slice3A_134 in 0 : vector<32x512xf32>, vector<32x512xf32>, vector<32x512xf32>, vector<32x512xf32> -> vector<128x512xf32>
    %get3A_136 = arith.constant 0 : index
    %get3A_137 = arith.constant 0 : index
    %get3A_138 = vector.load %arg4[%get3A_136, %get3A_137] : memref<128x512xf32, #tpu.memory_space<vmem>>, vector<128x512xf32>
    %mul3A_139 = arith.mulf %concatenate3A_135, %get3A_138 : vector<128x512xf32>
    %get3A_140 = arith.constant 0 : index
    %get3A_141 = arith.constant 0 : index
    %get3A_142 = vector.load %arg2[%get3A_140, %get3A_141] : memref<104x128xf32, #tpu.memory_space<vmem>>, vector<104x128xf32>
    %dot_general3A_143 = arith.constant dense<0.000000e+00> : vector<104x512xf32>
    %dot_general3A_144 = tpu.matmul %get3A_142, %mul3A_139, %dot_general3A_143 {dimension_numbers = #tpu.dot_dimension_numbers<[1], [0], [0], [1], [0, 0, 1, 1], [], []>, transpose_lhs_hint = false} : vector<104x128xf32>, vector<128x512xf32>, vector<104x512xf32> -> vector<104x512xf32>
    %swap3A_145 = arith.constant 7 : index
    %swap3A_146 = arith.constant 0 : index
    %swap3A_147 = arith.constant 0 : index
    %swap3A_148 = vector.load %arg5[%swap3A_145, %swap3A_146, %swap3A_147] : memref<20x104x512xf32, #tpu.memory_space<vmem>>, vector<1x104x512xf32>
    %swap3A_149 = vector.shape_cast %swap3A_148 : vector<1x104x512xf32> to vector<104x512xf32>
    %swap3A_150 = vector.shape_cast %dot_general3A_144 : vector<104x512xf32> to vector<1x104x512xf32>
    tpu.vector_store %arg5[%swap3A_145, %swap3A_146, %swap3A_147], %swap3A_150 {strides = array<i32>} : memref<20x104x512xf32, #tpu.memory_space<vmem>>, vector<1x104x512xf32>,
    %get3A_151 = arith.constant 0 : index
    %get3A_152 = arith.constant 0 : index
    %get3A_153 = arith.constant 0 : index
    %get3A_154 = vector.load %arg1[%get3A_151, %get3A_152, %get3A_153] : memref<20x32x128xf32, #tpu.memory_space<vmem>>, vector<20x32x128xf32>
    %slice3A_155 = vector.extract_strided_slice %get3A_154 {offsets = [8, 0, 0], sizes = [4, 32, 128], strides = [1, 1, 1]} : vector<20x32x128xf32> to vector<4x32x128xf32>
    %reshape3A_156 = vector.shape_cast %slice3A_155 : vector<4x32x128xf32> to vector<128x128xf32>
    %get3A_157 = arith.constant 0 : index
    %get3A_158 = arith.constant 0 : index
    %get3A_159 = vector.load %arg3[%get3A_157, %get3A_158] : memref<128x512xf32, #tpu.memory_space<vmem>>, vector<128x512xf32>
    %dot_general3A_160 = arith.constant dense<0.000000e+00> : vector<128x512xf32>
    %dot_general3A_161 = tpu.matmul %reshape3A_156, %get3A_159, %dot_general3A_160 {dimension_numbers = #tpu.dot_dimension_numbers<[1], [0], [0], [1], [0, 0, 1, 1], [], []>, transpose_lhs_hint = false} : vector<128x128xf32>, vector<128x512xf32>, vector<128x512xf32> -> vector<128x512xf32>
    %slice3A_162 = vector.extract_strided_slice %dot_general3A_161 {offsets = [0, 0], sizes = [32, 512], strides = [1, 1]} : vector<128x512xf32> to vector<32x512xf32>
    %concatenate3A_163 = tpu.concatenate %slice3A_162, %slice3A_162, %slice3A_162, %slice3A_162 in 0 : vector<32x512xf32>, vector<32x512xf32>, vector<32x512xf32>, vector<32x512xf32> -> vector<128x512xf32>
    %get3A_164 = arith.constant 0 : index
    %get3A_165 = arith.constant 0 : index
    %get3A_166 = vector.load %arg4[%get3A_164, %get3A_165] : memref<128x512xf32, #tpu.memory_space<vmem>>, vector<128x512xf32>
    %mul3A_167 = arith.mulf %concatenate3A_163, %get3A_166 : vector<128x512xf32>
    %get3A_168 = arith.constant 0 : index
    %get3A_169 = arith.constant 0 : index
    %get3A_170 = vector.load %arg2[%get3A_168, %get3A_169] : memref<104x128xf32, #tpu.memory_space<vmem>>, vector<104x128xf32>
    %dot_general3A_171 = arith.constant dense<0.000000e+00> : vector<104x512xf32>
    %dot_general3A_172 = tpu.matmul %get3A_170, %mul3A_167, %dot_general3A_171 {dimension_numbers = #tpu.dot_dimension_numbers<[1], [0], [0], [1], [0, 0, 1, 1], [], []>, transpose_lhs_hint = false} : vector<104x128xf32>, vector<128x512xf32>, vector<104x512xf32> -> vector<104x512xf32>
    %swap3A_173 = arith.constant 8 : index
    %swap3A_174 = arith.constant 0 : index
    %swap3A_175 = arith.constant 0 : index
    %swap3A_176 = vector.load %arg5[%swap3A_173, %swap3A_174, %swap3A_175] : memref<20x104x512xf32, #tpu.memory_space<vmem>>, vector<1x104x512xf32>
    %swap3A_177 = vector.shape_cast %swap3A_176 : vector<1x104x512xf32> to vector<104x512xf32>
    %swap3A_178 = vector.shape_cast %dot_general3A_172 : vector<104x512xf32> to vector<1x104x512xf32>
    tpu.vector_store %arg5[%swap3A_173, %swap3A_174, %swap3A_175], %swap3A_178 {strides = array<i32>} : memref<20x104x512xf32, #tpu.memory_space<vmem>>, vector<1x104x512xf32>,
    %slice3A_179 = vector.extract_strided_slice %dot_general3A_161 {offsets = [32, 0], sizes = [32, 512], strides = [1, 1]} : vector<128x512xf32> to vector<32x512xf32>
    %concatenate3A_180 = tpu.concatenate %slice3A_179, %slice3A_179, %slice3A_179, %slice3A_179 in 0 : vector<32x512xf32>, vector<32x512xf32>, vector<32x512xf32>, vector<32x512xf32> -> vector<128x512xf32>
    %get3A_181 = arith.constant 0 : index
    %get3A_182 = arith.constant 0 : index
    %get3A_183 = vector.load %arg4[%get3A_181, %get3A_182] : memref<128x512xf32, #tpu.memory_space<vmem>>, vector<128x512xf32>
    %mul3A_184 = arith.mulf %concatenate3A_180, %get3A_183 : vector<128x512xf32>
    %get3A_185 = arith.constant 0 : index
    %get3A_186 = arith.constant 0 : index
    %get3A_187 = vector.load %arg2[%get3A_185, %get3A_186] : memref<104x128xf32, #tpu.memory_space<vmem>>, vector<104x128xf32>
    %dot_general3A_188 = arith.constant dense<0.000000e+00> : vector<104x512xf32>
    %dot_general3A_189 = tpu.matmul %get3A_187, %mul3A_184, %dot_general3A_188 {dimension_numbers = #tpu.dot_dimension_numbers<[1], [0], [0], [1], [0, 0, 1, 1], [], []>, transpose_lhs_hint = false} : vector<104x128xf32>, vector<128x512xf32>, vector<104x512xf32> -> vector<104x512xf32>
    %swap3A_190 = arith.constant 9 : index
    %swap3A_191 = arith.constant 0 : index
    %swap3A_192 = arith.constant 0 : index
    %swap3A_193 = vector.load %arg5[%swap3A_190, %swap3A_191, %swap3A_192] : memref<20x104x512xf32, #tpu.memory_space<vmem>>, vector<1x104x512xf32>
    %swap3A_194 = vector.shape_cast %swap3A_193 : vector<1x104x512xf32> to vector<104x512xf32>
    %swap3A_195 = vector.shape_cast %dot_general3A_189 : vector<104x512xf32> to vector<1x104x512xf32>
    tpu.vector_store %arg5[%swap3A_190, %swap3A_191, %swap3A_192], %swap3A_195 {strides = array<i32>} : memref<20x104x512xf32, #tpu.memory_space<vmem>>, vector<1x104x512xf32>,
    %slice3A_196 = vector.extract_strided_slice %dot_general3A_161 {offsets = [64, 0], sizes = [32, 512], strides = [1, 1]} : vector<128x512xf32> to vector<32x512xf32>
    %concatenate3A_197 = tpu.concatenate %slice3A_196, %slice3A_196, %slice3A_196, %slice3A_196 in 0 : vector<32x512xf32>, vector<32x512xf32>, vector<32x512xf32>, vector<32x512xf32> -> vector<128x512xf32>
    %get3A_198 = arith.constant 0 : index
    %get3A_199 = arith.constant 0 : index
    %get3A_200 = vector.load %arg4[%get3A_198, %get3A_199] : memref<128x512xf32, #tpu.memory_space<vmem>>, vector<128x512xf32>
    %mul3A_201 = arith.mulf %concatenate3A_197, %get3A_200 : vector<128x512xf32>
    %get3A_202 = arith.constant 0 : index
    %get3A_203 = arith.constant 0 : index
    %get3A_204 = vector.load %arg2[%get3A_202, %get3A_203] : memref<104x128xf32, #tpu.memory_space<vmem>>, vector<104x128xf32>
    %dot_general3A_205 = arith.constant dense<0.000000e+00> : vector<104x512xf32>
    %dot_general3A_206 = tpu.matmul %get3A_204, %mul3A_201, %dot_general3A_205 {dimension_numbers = #tpu.dot_dimension_numbers<[1], [0], [0], [1], [0, 0, 1, 1], [], []>, transpose_lhs_hint = false} : vector<104x128xf32>, vector<128x512xf32>, vector<104x512xf32> -> vector<104x512xf32>
    %swap3A_207 = arith.constant 10 : index
    %swap3A_208 = arith.constant 0 : index
    %swap3A_209 = arith.constant 0 : index
    %swap3A_210 = vector.load %arg5[%swap3A_207, %swap3A_208, %swap3A_209] : memref<20x104x512xf32, #tpu.memory_space<vmem>>, vector<1x104x512xf32>
    %swap3A_211 = vector.shape_cast %swap3A_210 : vector<1x104x512xf32> to vector<104x512xf32>
    %swap3A_212 = vector.shape_cast %dot_general3A_206 : vector<104x512xf32> to vector<1x104x512xf32>
    tpu.vector_store %arg5[%swap3A_207, %swap3A_208, %swap3A_209], %swap3A_212 {strides = array<i32>} : memref<20x104x512xf32, #tpu.memory_space<vmem>>, vector<1x104x512xf32>,
    %slice3A_213 = vector.extract_strided_slice %dot_general3A_161 {offsets = [96, 0], sizes = [32, 512], strides = [1, 1]} : vector<128x512xf32> to vector<32x512xf32>
    %concatenate3A_214 = tpu.concatenate %slice3A_213, %slice3A_213, %slice3A_213, %slice3A_213 in 0 : vector<32x512xf32>, vector<32x512xf32>, vector<32x512xf32>, vector<32x512xf32> -> vector<128x512xf32>
    %get3A_215 = arith.constant 0 : index
    %get3A_216 = arith.constant 0 : index
    %get3A_217 = vector.load %arg4[%get3A_215, %get3A_216] : memref<128x512xf32, #tpu.memory_space<vmem>>, vector<128x512xf32>
    %mul3A_218 = arith.mulf %concatenate3A_214, %get3A_217 : vector<128x512xf32>
    %get3A_219 = arith.constant 0 : index
    %get3A_220 = arith.constant 0 : index
    %get3A_221 = vector.load %arg2[%get3A_219, %get3A_220] : memref<104x128xf32, #tpu.memory_space<vmem>>, vector<104x128xf32>
    %dot_general3A_222 = arith.constant dense<0.000000e+00> : vector<104x512xf32>
    %dot_general3A_223 = tpu.matmul %get3A_221, %mul3A_218, %dot_general3A_222 {dimension_numbers = #tpu.dot_dimension_numbers<[1], [0], [0], [1], [0, 0, 1, 1], [], []>, transpose_lhs_hint = false} : vector<104x128xf32>, vector<128x512xf32>, vector<104x512xf32> -> vector<104x512xf32>
    %swap3A_224 = arith.constant 11 : index
    %swap3A_225 = arith.constant 0 : index
    %swap3A_226 = arith.constant 0 : index
    %swap3A_227 = vector.load %arg5[%swap3A_224, %swap3A_225, %swap3A_226] : memref<20x104x512xf32, #tpu.memory_space<vmem>>, vector<1x104x512xf32>
    %swap3A_228 = vector.shape_cast %swap3A_227 : vector<1x104x512xf32> to vector<104x512xf32>
    %swap3A_229 = vector.shape_cast %dot_general3A_223 : vector<104x512xf32> to vector<1x104x512xf32>
    tpu.vector_store %arg5[%swap3A_224, %swap3A_225, %swap3A_226], %swap3A_229 {strides = array<i32>} : memref<20x104x512xf32, #tpu.memory_space<vmem>>, vector<1x104x512xf32>,
    %get3A_230 = arith.constant 0 : index
    %get3A_231 = arith.constant 0 : index
    %get3A_232 = arith.constant 0 : index
    %get3A_233 = vector.load %arg1[%get3A_230, %get3A_231, %get3A_232] : memref<20x32x128xf32, #tpu.memory_space<vmem>>, vector<20x32x128xf32>
    %slice3A_234 = vector.extract_strided_slice %get3A_233 {offsets = [12, 0, 0], sizes = [4, 32, 128], strides = [1, 1, 1]} : vector<20x32x128xf32> to vector<4x32x128xf32>
    %reshape3A_235 = vector.shape_cast %slice3A_234 : vector<4x32x128xf32> to vector<128x128xf32>
    %get3A_236 = arith.constant 0 : index
    %get3A_237 = arith.constant 0 : index
    %get3A_238 = vector.load %arg3[%get3A_236, %get3A_237] : memref<128x512xf32, #tpu.memory_space<vmem>>, vector<128x512xf32>
    %dot_general3A_239 = arith.constant dense<0.000000e+00> : vector<128x512xf32>
    %dot_general3A_240 = tpu.matmul %reshape3A_235, %get3A_238, %dot_general3A_239 {dimension_numbers = #tpu.dot_dimension_numbers<[1], [0], [0], [1], [0, 0, 1, 1], [], []>, transpose_lhs_hint = false} : vector<128x128xf32>, vector<128x512xf32>, vector<128x512xf32> -> vector<128x512xf32>
    %slice3A_241 = vector.extract_strided_slice %dot_general3A_240 {offsets = [0, 0], sizes = [32, 512], strides = [1, 1]} : vector<128x512xf32> to vector<32x512xf32>
    %concatenate3A_242 = tpu.concatenate %slice3A_241, %slice3A_241, %slice3A_241, %slice3A_241 in 0 : vector<32x512xf32>, vector<32x512xf32>, vector<32x512xf32>, vector<32x512xf32> -> vector<128x512xf32>
    %get3A_243 = arith.constant 0 : index
    %get3A_244 = arith.constant 0 : index
    %get3A_245 = vector.load %arg4[%get3A_243, %get3A_244] : memref<128x512xf32, #tpu.memory_space<vmem>>, vector<128x512xf32>
    %mul3A_246 = arith.mulf %concatenate3A_242, %get3A_245 : vector<128x512xf32>
    %get3A_247 = arith.constant 0 : index
    %get3A_248 = arith.constant 0 : index
    %get3A_249 = vector.load %arg2[%get3A_247, %get3A_248] : memref<104x128xf32, #tpu.memory_space<vmem>>, vector<104x128xf32>
    %dot_general3A_250 = arith.constant dense<0.000000e+00> : vector<104x512xf32>
    %dot_general3A_251 = tpu.matmul %get3A_249, %mul3A_246, %dot_general3A_250 {dimension_numbers = #tpu.dot_dimension_numbers<[1], [0], [0], [1], [0, 0, 1, 1], [], []>, transpose_lhs_hint = false} : vector<104x128xf32>, vector<128x512xf32>, vector<104x512xf32> -> vector<104x512xf32>
    %swap3A_252 = arith.constant 12 : index
    %swap3A_253 = arith.constant 0 : index
    %swap3A_254 = arith.constant 0 : index
    %swap3A_255 = vector.load %arg5[%swap3A_252, %swap3A_253, %swap3A_254] : memref<20x104x512xf32, #tpu.memory_space<vmem>>, vector<1x104x512xf32>
    %swap3A_256 = vector.shape_cast %swap3A_255 : vector<1x104x512xf32> to vector<104x512xf32>
    %swap3A_257 = vector.shape_cast %dot_general3A_251 : vector<104x512xf32> to vector<1x104x512xf32>
    tpu.vector_store %arg5[%swap3A_252, %swap3A_253, %swap3A_254], %swap3A_257 {strides = array<i32>} : memref<20x104x512xf32, #tpu.memory_space<vmem>>, vector<1x104x512xf32>,
    %slice3A_258 = vector.extract_strided_slice %dot_general3A_240 {offsets = [32, 0], sizes = [32, 512], strides = [1, 1]} : vector<128x512xf32> to vector<32x512xf32>
    %concatenate3A_259 = tpu.concatenate %slice3A_258, %slice3A_258, %slice3A_258, %slice3A_258 in 0 : vector<32x512xf32>, vector<32x512xf32>, vector<32x512xf32>, vector<32x512xf32> -> vector<128x512xf32>
    %get3A_260 = arith.constant 0 : index
    %get3A_261 = arith.constant 0 : index
    %get3A_262 = vector.load %arg4[%get3A_260, %get3A_261] : memref<128x512xf32, #tpu.memory_space<vmem>>, vector<128x512xf32>
    %mul3A_263 = arith.mulf %concatenate3A_259, %get3A_262 : vector<128x512xf32>
    %get3A_264 = arith.constant 0 : index
    %get3A_265 = arith.constant 0 : index
    %get3A_266 = vector.load %arg2[%get3A_264, %get3A_265] : memref<104x128xf32, #tpu.memory_space<vmem>>, vector<104x128xf32>
    %dot_general3A_267 = arith.constant dense<0.000000e+00> : vector<104x512xf32>
    %dot_general3A_268 = tpu.matmul %get3A_266, %mul3A_263, %dot_general3A_267 {dimension_numbers = #tpu.dot_dimension_numbers<[1], [0], [0], [1], [0, 0, 1, 1], [], []>, transpose_lhs_hint = false} : vector<104x128xf32>, vector<128x512xf32>, vector<104x512xf32> -> vector<104x512xf32>
    %swap3A_269 = arith.constant 13 : index
    %swap3A_270 = arith.constant 0 : index
    %swap3A_271 = arith.constant 0 : index
    %swap3A_272 = vector.load %arg5[%swap3A_269, %swap3A_270, %swap3A_271] : memref<20x104x512xf32, #tpu.memory_space<vmem>>, vector<1x104x512xf32>
    %swap3A_273 = vector.shape_cast %swap3A_272 : vector<1x104x512xf32> to vector<104x512xf32>
    %swap3A_274 = vector.shape_cast %dot_general3A_268 : vector<104x512xf32> to vector<1x104x512xf32>
    tpu.vector_store %arg5[%swap3A_269, %swap3A_270, %swap3A_271], %swap3A_274 {strides = array<i32>} : memref<20x104x512xf32, #tpu.memory_space<vmem>>, vector<1x104x512xf32>,
    %slice3A_275 = vector.extract_strided_slice %dot_general3A_240 {offsets = [64, 0], sizes = [32, 512], strides = [1, 1]} : vector<128x512xf32> to vector<32x512xf32>
    %concatenate3A_276 = tpu.concatenate %slice3A_275, %slice3A_275, %slice3A_275, %slice3A_275 in 0 : vector<32x512xf32>, vector<32x512xf32>, vector<32x512xf32>, vector<32x512xf32> -> vector<128x512xf32>
    %get3A_277 = arith.constant 0 : index
    %get3A_278 = arith.constant 0 : index
    %get3A_279 = vector.load %arg4[%get3A_277, %get3A_278] : memref<128x512xf32, #tpu.memory_space<vmem>>, vector<128x512xf32>
    %mul3A_280 = arith.mulf %concatenate3A_276, %get3A_279 : vector<128x512xf32>
    %get3A_281 = arith.constant 0 : index
    %get3A_282 = arith.constant 0 : index
    %get3A_283 = vector.load %arg2[%get3A_281, %get3A_282] : memref<104x128xf32, #tpu.memory_space<vmem>>, vector<104x128xf32>
    %dot_general3A_284 = arith.constant dense<0.000000e+00> : vector<104x512xf32>
    %dot_general3A_285 = tpu.matmul %get3A_283, %mul3A_280, %dot_general3A_284 {dimension_numbers = #tpu.dot_dimension_numbers<[1], [0], [0], [1], [0, 0, 1, 1], [], []>, transpose_lhs_hint = false} : vector<104x128xf32>, vector<128x512xf32>, vector<104x512xf32> -> vector<104x512xf32>
    %swap3A_286 = arith.constant 14 : index
    %swap3A_287 = arith.constant 0 : index
    %swap3A_288 = arith.constant 0 : index
    %swap3A_289 = vector.load %arg5[%swap3A_286, %swap3A_287, %swap3A_288] : memref<20x104x512xf32, #tpu.memory_space<vmem>>, vector<1x104x512xf32>
    %swap3A_290 = vector.shape_cast %swap3A_289 : vector<1x104x512xf32> to vector<104x512xf32>
    %swap3A_291 = vector.shape_cast %dot_general3A_285 : vector<104x512xf32> to vector<1x104x512xf32>
    tpu.vector_store %arg5[%swap3A_286, %swap3A_287, %swap3A_288], %swap3A_291 {strides = array<i32>} : memref<20x104x512xf32, #tpu.memory_space<vmem>>, vector<1x104x512xf32>,
    %slice3A_292 = vector.extract_strided_slice %dot_general3A_240 {offsets = [96, 0], sizes = [32, 512], strides = [1, 1]} : vector<128x512xf32> to vector<32x512xf32>
    %concatenate3A_293 = tpu.concatenate %slice3A_292, %slice3A_292, %slice3A_292, %slice3A_292 in 0 : vector<32x512xf32>, vector<32x512xf32>, vector<32x512xf32>, vector<32x512xf32> -> vector<128x512xf32>
    %get3A_294 = arith.constant 0 : index
    %get3A_295 = arith.constant 0 : index
    %get3A_296 = vector.load %arg4[%get3A_294, %get3A_295] : memref<128x512xf32, #tpu.memory_space<vmem>>, vector<128x512xf32>
    %mul3A_297 = arith.mulf %concatenate3A_293, %get3A_296 : vector<128x512xf32>
    %get3A_298 = arith.constant 0 : index
    %get3A_299 = arith.constant 0 : index
    %get3A_300 = vector.load %arg2[%get3A_298, %get3A_299] : memref<104x128xf32, #tpu.memory_space<vmem>>, vector<104x128xf32>
    %dot_general3A_301 = arith.constant dense<0.000000e+00> : vector<104x512xf32>
    %dot_general3A_302 = tpu.matmul %get3A_300, %mul3A_297, %dot_general3A_301 {dimension_numbers = #tpu.dot_dimension_numbers<[1], [0], [0], [1], [0, 0, 1, 1], [], []>, transpose_lhs_hint = false} : vector<104x128xf32>, vector<128x512xf32>, vector<104x512xf32> -> vector<104x512xf32>
    %swap3A_303 = arith.constant 15 : index
    %swap3A_304 = arith.constant 0 : index
    %swap3A_305 = arith.constant 0 : index
    %swap3A_306 = vector.load %arg5[%swap3A_303, %swap3A_304, %swap3A_305] : memref<20x104x512xf32, #tpu.memory_space<vmem>>, vector<1x104x512xf32>
    %swap3A_307 = vector.shape_cast %swap3A_306 : vector<1x104x512xf32> to vector<104x512xf32>
    %swap3A_308 = vector.shape_cast %dot_general3A_302 : vector<104x512xf32> to vector<1x104x512xf32>
    tpu.vector_store %arg5[%swap3A_303, %swap3A_304, %swap3A_305], %swap3A_308 {strides = array<i32>} : memref<20x104x512xf32, #tpu.memory_space<vmem>>, vector<1x104x512xf32>,
    %get3A_309 = arith.constant 0 : index
    %get3A_310 = arith.constant 0 : index
    %get3A_311 = arith.constant 0 : index
    %get3A_312 = vector.load %arg1[%get3A_309, %get3A_310, %get3A_311] : memref<20x32x128xf32, #tpu.memory_space<vmem>>, vector<20x32x128xf32>
    %slice3A_313 = vector.extract_strided_slice %get3A_312 {offsets = [16, 0, 0], sizes = [4, 32, 128], strides = [1, 1, 1]} : vector<20x32x128xf32> to vector<4x32x128xf32>
    %reshape3A_314 = vector.shape_cast %slice3A_313 : vector<4x32x128xf32> to vector<128x128xf32>
    %get3A_315 = arith.constant 0 : index
    %get3A_316 = arith.constant 0 : index
    %get3A_317 = vector.load %arg3[%get3A_315, %get3A_316] : memref<128x512xf32, #tpu.memory_space<vmem>>, vector<128x512xf32>
    %dot_general3A_318 = arith.constant dense<0.000000e+00> : vector<128x512xf32>
    %dot_general3A_319 = tpu.matmul %reshape3A_314, %get3A_317, %dot_general3A_318 {dimension_numbers = #tpu.dot_dimension_numbers<[1], [0], [0], [1], [0, 0, 1, 1], [], []>, transpose_lhs_hint = false} : vector<128x128xf32>, vector<128x512xf32>, vector<128x512xf32> -> vector<128x512xf32>
    %slice3A_320 = vector.extract_strided_slice %dot_general3A_319 {offsets = [0, 0], sizes = [32, 512], strides = [1, 1]} : vector<128x512xf32> to vector<32x512xf32>
    %concatenate3A_321 = tpu.concatenate %slice3A_320, %slice3A_320, %slice3A_320, %slice3A_320 in 0 : vector<32x512xf32>, vector<32x512xf32>, vector<32x512xf32>, vector<32x512xf32> -> vector<128x512xf32>
    %get3A_322 = arith.constant 0 : index
    %get3A_323 = arith.constant 0 : index
    %get3A_324 = vector.load %arg4[%get3A_322, %get3A_323] : memref<128x512xf32, #tpu.memory_space<vmem>>, vector<128x512xf32>
    %mul3A_325 = arith.mulf %concatenate3A_321, %get3A_324 : vector<128x512xf32>
    %get3A_326 = arith.constant 0 : index
    %get3A_327 = arith.constant 0 : index
    %get3A_328 = vector.load %arg2[%get3A_326, %get3A_327] : memref<104x128xf32, #tpu.memory_space<vmem>>, vector<104x128xf32>
    %dot_general3A_329 = arith.constant dense<0.000000e+00> : vector<104x512xf32>
    %dot_general3A_330 = tpu.matmul %get3A_328, %mul3A_325, %dot_general3A_329 {dimension_numbers = #tpu.dot_dimension_numbers<[1], [0], [0], [1], [0, 0, 1, 1], [], []>, transpose_lhs_hint = false} : vector<104x128xf32>, vector<128x512xf32>, vector<104x512xf32> -> vector<104x512xf32>
    %swap3A_331 = arith.constant 16 : index
    %swap3A_332 = arith.constant 0 : index
    %swap3A_333 = arith.constant 0 : index
    %swap3A_334 = vector.load %arg5[%swap3A_331, %swap3A_332, %swap3A_333] : memref<20x104x512xf32, #tpu.memory_space<vmem>>, vector<1x104x512xf32>
    %swap3A_335 = vector.shape_cast %swap3A_334 : vector<1x104x512xf32> to vector<104x512xf32>
    %swap3A_336 = vector.shape_cast %dot_general3A_330 : vector<104x512xf32> to vector<1x104x512xf32>
    tpu.vector_store %arg5[%swap3A_331, %swap3A_332, %swap3A_333], %swap3A_336 {strides = array<i32>} : memref<20x104x512xf32, #tpu.memory_space<vmem>>, vector<1x104x512xf32>,
    %slice3A_337 = vector.extract_strided_slice %dot_general3A_319 {offsets = [32, 0], sizes = [32, 512], strides = [1, 1]} : vector<128x512xf32> to vector<32x512xf32>
    %concatenate3A_338 = tpu.concatenate %slice3A_337, %slice3A_337, %slice3A_337, %slice3A_337 in 0 : vector<32x512xf32>, vector<32x512xf32>, vector<32x512xf32>, vector<32x512xf32> -> vector<128x512xf32>
    %get3A_339 = arith.constant 0 : index
    %get3A_340 = arith.constant 0 : index
    %get3A_341 = vector.load %arg4[%get3A_339, %get3A_340] : memref<128x512xf32, #tpu.memory_space<vmem>>, vector<128x512xf32>
    %mul3A_342 = arith.mulf %concatenate3A_338, %get3A_341 : vector<128x512xf32>
    %get3A_343 = arith.constant 0 : index
    %get3A_344 = arith.constant 0 : index
    %get3A_345 = vector.load %arg2[%get3A_343, %get3A_344] : memref<104x128xf32, #tpu.memory_space<vmem>>, vector<104x128xf32>
    %dot_general3A_346 = arith.constant dense<0.000000e+00> : vector<104x512xf32>
    %dot_general3A_347 = tpu.matmul %get3A_345, %mul3A_342, %dot_general3A_346 {dimension_numbers = #tpu.dot_dimension_numbers<[1], [0], [0], [1], [0, 0, 1, 1], [], []>, transpose_lhs_hint = false} : vector<104x128xf32>, vector<128x512xf32>, vector<104x512xf32> -> vector<104x512xf32>
    %swap3A_348 = arith.constant 17 : index
    %swap3A_349 = arith.constant 0 : index
    %swap3A_350 = arith.constant 0 : index
    %swap3A_351 = vector.load %arg5[%swap3A_348, %swap3A_349, %swap3A_350] : memref<20x104x512xf32, #tpu.memory_space<vmem>>, vector<1x104x512xf32>
    %swap3A_352 = vector.shape_cast %swap3A_351 : vector<1x104x512xf32> to vector<104x512xf32>
    %swap3A_353 = vector.shape_cast %dot_general3A_347 : vector<104x512xf32> to vector<1x104x512xf32>
    tpu.vector_store %arg5[%swap3A_348, %swap3A_349, %swap3A_350], %swap3A_353 {strides = array<i32>} : memref<20x104x512xf32, #tpu.memory_space<vmem>>, vector<1x104x512xf32>,
    %slice3A_354 = vector.extract_strided_slice %dot_general3A_319 {offsets = [64, 0], sizes = [32, 512], strides = [1, 1]} : vector<128x512xf32> to vector<32x512xf32>
    %concatenate3A_355 = tpu.concatenate %slice3A_354, %slice3A_354, %slice3A_354, %slice3A_354 in 0 : vector<32x512xf32>, vector<32x512xf32>, vector<32x512xf32>, vector<32x512xf32> -> vector<128x512xf32>
    %get3A_356 = arith.constant 0 : index
    %get3A_357 = arith.constant 0 : index
    %get3A_358 = vector.load %arg4[%get3A_356, %get3A_357] : memref<128x512xf32, #tpu.memory_space<vmem>>, vector<128x512xf32>
    %mul3A_359 = arith.mulf %concatenate3A_355, %get3A_358 : vector<128x512xf32>
    %get3A_360 = arith.constant 0 : index
    %get3A_361 = arith.constant 0 : index
    %get3A_362 = vector.load %arg2[%get3A_360, %get3A_361] : memref<104x128xf32, #tpu.memory_space<vmem>>, vector<104x128xf32>
    %dot_general3A_363 = arith.constant dense<0.000000e+00> : vector<104x512xf32>
    %dot_general3A_364 = tpu.matmul %get3A_362, %mul3A_359, %dot_general3A_363 {dimension_numbers = #tpu.dot_dimension_numbers<[1], [0], [0], [1], [0, 0, 1, 1], [], []>, transpose_lhs_hint = false} : vector<104x128xf32>, vector<128x512xf32>, vector<104x512xf32> -> vector<104x512xf32>
    %swap3A_365 = arith.constant 18 : index
    %swap3A_366 = arith.constant 0 : index
    %swap3A_367 = arith.constant 0 : index
    %swap3A_368 = vector.load %arg5[%swap3A_365, %swap3A_366, %swap3A_367] : memref<20x104x512xf32, #tpu.memory_space<vmem>>, vector<1x104x512xf32>
    %swap3A_369 = vector.shape_cast %swap3A_368 : vector<1x104x512xf32> to vector<104x512xf32>
    %swap3A_370 = vector.shape_cast %dot_general3A_364 : vector<104x512xf32> to vector<1x104x512xf32>
    tpu.vector_store %arg5[%swap3A_365, %swap3A_366, %swap3A_367], %swap3A_370 {strides = array<i32>} : memref<20x104x512xf32, #tpu.memory_space<vmem>>, vector<1x104x512xf32>,
    %slice3A_371 = vector.extract_strided_slice %dot_general3A_319 {offsets = [96, 0], sizes = [32, 512], strides = [1, 1]} : vector<128x512xf32> to vector<32x512xf32>
    %concatenate3A_372 = tpu.concatenate %slice3A_371, %slice3A_371, %slice3A_371, %slice3A_371 in 0 : vector<32x512xf32>, vector<32x512xf32>, vector<32x512xf32>, vector<32x512xf32> -> vector<128x512xf32>
    %get3A_373 = arith.constant 0 : index
    %get3A_374 = arith.constant 0 : index
    %get3A_375 = vector.load %arg4[%get3A_373, %get3A_374] : memref<128x512xf32, #tpu.memory_space<vmem>>, vector<128x512xf32>
    %mul3A_376 = arith.mulf %concatenate3A_372, %get3A_375 : vector<128x512xf32>
    %get3A_377 = arith.constant 0 : index
    %get3A_378 = arith.constant 0 : index
    %get3A_379 = vector.load %arg2[%get3A_377, %get3A_378] : memref<104x128xf32, #tpu.memory_space<vmem>>, vector<104x128xf32>
    %dot_general3A_380 = arith.constant dense<0.000000e+00> : vector<104x512xf32>
    %dot_general3A_381 = tpu.matmul %get3A_379, %mul3A_376, %dot_general3A_380 {dimension_numbers = #tpu.dot_dimension_numbers<[1], [0], [0], [1], [0, 0, 1, 1], [], []>, transpose_lhs_hint = false} : vector<104x128xf32>, vector<128x512xf32>, vector<104x512xf32> -> vector<104x512xf32>
    %swap3A_382 = arith.constant 19 : index
    %swap3A_383 = arith.constant 0 : index
    %swap3A_384 = arith.constant 0 : index
    %swap3A_385 = vector.load %arg5[%swap3A_382, %swap3A_383, %swap3A_384] : memref<20x104x512xf32, #tpu.memory_space<vmem>>, vector<1x104x512xf32>
    %swap3A_386 = vector.shape_cast %swap3A_385 : vector<1x104x512xf32> to vector<104x512xf32>
    %swap3A_387 = vector.shape_cast %dot_general3A_381 : vector<104x512xf32> to vector<1x104x512xf32>
    tpu.vector_store %arg5[%swap3A_382, %swap3A_383, %swap3A_384], %swap3A_387 {strides = array<i32>} : memref<20x104x512xf32, #tpu.memory_space<vmem>>, vector<1x104x512xf32>,
    return
  }
  func.func @transform_0(%arg0: i32) -> (i32, i32, i32) {
    %c0_i32 = arith.constant 0 : i32
    %c0_i32_0 = arith.constant 0 : i32
    %c0_i32_1 = arith.constant 0 : i32
    return %arg0, %c0_i32, %c0_i32_0 : i32, i32, i32
  }
  func.func @transform_1(%arg0: i32) -> (i32, i32) {
    %c0_i32 = arith.constant 0 : i32
    %c0_i32_0 = arith.constant 0 : i32
    %c0_i32_1 = arith.constant 0 : i32
    return %c0_i32, %c0_i32_0 : i32, i32
  }
  func.func @transform_2(%arg0: i32) -> (i32, i32) {
    %c0_i32 = arith.constant 0 : i32
    %c0_i32_0 = arith.constant 0 : i32
    %c0_i32_1 = arith.constant 0 : i32
    return %c0_i32, %c0_i32_0 : i32, i32
  }
  func.func @transform_3(%arg0: i32) -> (i32, i32) {
    %c0_i32 = arith.constant 0 : i32
    %c0_i32_0 = arith.constant 0 : i32
    %c0_i32_1 = arith.constant 0 : i32
    return %c0_i32, %c0_i32_0 : i32, i32
  }
  func.func @transform_4(%arg0: i32) -> (i32, i32, i32) {
    %c0_i32 = arith.constant 0 : i32
    %c0_i32_0 = arith.constant 0 : i32
    %c0_i32_1 = arith.constant 0 : i32
    return %arg0, %c0_i32, %c0_i32_0 : i32, i32, i32
  }
}

</mosaic_0001>

<sc_bundles>
// kernel: kernel.10.cloned.1.call-start
scs
__scs_entry_jumppad:
0x0: {  	(pc) =	sbr.rel $0x88, $3  }
0x1: {  	(tag) =	ssettag $0x0;
	lr =	simm.s32 $0x1  }
0x2: {  	[smem:$0x3F9D] =	sst lr;
	_ =	strace $0xD0000000  }
0x3: {  	_ = 	snop  }
0x4: {  	_ = 	snop  }
0x5: {  	_ = 	snop  }
0x6: {  	_ = 	snop  }
0x7: {  	_ = 	snop  }
__scs_overlays_trampoline_lowered:
0x8: {  	[smem:$0x3FAC] =	sst s0  }
0x9: {  	[smem:$0x3FAD] =	sst s1  }
0xa: {  	[smem:$0x3FAE] =	sst s2  }
0xb: {  	[smem:$0x3FAF] =	sst s3  }
0xc: {  	[smem:$0x3FB0] =	sst s4  }
0xd: {  	[smem:$0x3FB1] =	sst s5  }
0xe: {  	[smem:$0x3FB2] =	sst s6  }
0xf: {  	[smem:$0x3FB3] =	sst s7  }
0x10: {  	[smem:$0x3FB4] =	sst s8  }
0x11: {  	[smem:$0x3FB5] =	sst s9;
	s0 =	simm.s32 @!p0 $0x0  }
0x12: {  	s1 =	sld [smem:$0x3F9B];
	s0 =	simm.s32 @p0 $0x1  }
0x13: {  	[smem:$0x3FB6] =	sst s0;
	s0 =	simm.s32 @!p1 $0x0  }
0x14: {  	s2 =	sld [smem:$0x3F9A];
	s0 =	simm.s32 @p1 $0x1  }
0x15: {  	[smem:$0x3FB7] =	sst s0;
	s0 =	simm.s32 @!p2 $0x0  }
0x16: {  	s3 =	sld [smem:$0x3FDB];
	s0 =	simm.s32 @p2 $0x1  }
0x17: {  	s4 =	simm.s32 $0x1BF5;
	[smem:$0x3FB9] =	sst s0  }
0x18: {  	s0 =	sld [smem:$0x3F9C];
	_ =	swait.ge [sflag:s4], $0x0  }
0x19: {  	s7 =	sld [smem:$0x3F9D]  }
0x1a: {  	s8 =	sadd.s32 $0xFFFFE003, lr  }
0x1b: {  	s9 =	sadd.s32 $0xFFFFFEF7, lr;
	s5 =	simm.s32 $0xFFFFFFFF;
	p2 =	slt.u32 s8, $0xFFFFF086  }
0x1c: {  	p1 =	slt.u32 s9, $0xF7A;
	s5 =	simm.s32 @!p2 $0x0  }
0x1d: {  	s5 =	simm.s32 @p1 $0x1;
	p0 =	seq.s32 s7, s2  }
0x1e: {  	s7 =	smul.u32 @!p0 $0xF7A, s2;
	p2 =	seq.s32 @!p0 s5, $0x0  }
0x1f: {  	s9 =	smul.u32 $0xF7A, s1;
	s8 =	simm.s32 @!p0 $0x1BF5;
	p2 =	por !p2, p0  }
0x20: {  	[sflag:s8] =	ssyncset.s32 @!p0 $0xFFFFF086;
	s6 =	sadd.s32 @!p0 s3, s7;
	s7 =	simm.s32 @!p0 $0x108  }
0x21: {  	s3 =	sadd.s32 s3, s9;
	s6 =	sadd.s32 @!p0 $0x88, s6;
	s7 =	simm.s32 @p2 $0x1082  }
0x22: {  	[simem:s7], [sflag:s8] =	dma.local @!p0 [hbm:s6], $0xF7A  }
0x23: {  	s9 =	sor.u32 $0xD0000000, s2;
	s6 =	simm.s32 $0x108;
	_ =	swait.ge @!p0 [sflag:s8], $0x0  }
0x24: {  	s3 =	sadd.s32 $0x88, s3;
	s6 =	simm.s32 @!p1 $0x1082;
	[sflag:s4] =	ssyncset.s32 $0xFFFFF086  }
0x25: {  	[simem:s6], [sflag:s4] =	dma.local [hbm:s3], $0xF7A  }
0x26: {  	[smem:$0x3F9D] =	sst s1;
	(tag) =	ssettag s2;
	_ =	strace s9  }
0x27: {  	s1 =	sld [smem:$0x3FAD]  }
0x28: {  	s2 =	sld [smem:$0x3FAE]  }
0x29: {  	s4 =	sld [smem:$0x3FB0]  }
0x2a: {  	p0 =	seq.s32 s5, $0x0;
	s5 =	sld [smem:$0x3FB1]  }
0x2b: {  	s6 =	sld [smem:$0x3FB2]  }
0x2c: {  	s7 =	sld [smem:$0x3FB3]  }
0x2d: {  	s3 =	simm.s32 $0x108;
	s8 =	sld [smem:$0x3FB4]  }
0x2e: {  	s3 =	simm.s32 @!p0 $0x1082;
	s9 =	sld [smem:$0x3FB5]  }
0x2f: {  	lr =	sadd.s32 s0, s3;
	s0 =	sld [smem:$0x3FAC]  }
0x30: {  	s3 =	sld [smem:$0x3FAF]  }
0x31: {  	[smem:$0x3FB8] =	sst s10  }
0x32: {  	s10 =	sld [smem:$0x3FB6];
	_ =	sdelay $0x3  }
0x33: {  	p0 =	seq.s32 s10, $0x1;
	s10 =	sld [smem:$0x3FB8];
	_ =	sdelay $0x3  }
0x34: {  	[smem:$0x3FB8] =	sst s10  }
0x35: {  	s10 =	sld [smem:$0x3FB7];
	_ =	sdelay $0x3  }
0x36: {  	p1 =	seq.s32 s10, $0x1;
	s10 =	sld [smem:$0x3FB8];
	_ =	sdelay $0x3  }
0x37: {  	[smem:$0x3FB8] =	sst s10  }
0x38: {  	s10 =	sld [smem:$0x3FB9]  }
0x39: {  	_ = 	snop;
	(pc) =	sbr.ind lr, $3  }
0x3a: {  	_ = 	snop  }
0x3b: {  	_ = 	snop  }
0x3c: {  	p2 =	seq.s32 s10, $0x1;
	s10 =	sld [smem:$0x3FB8]  }
0x3d: {  	_ =	shalt  }
0x3e: {  	_ =	shalt  }
0x3f: {  	_ =	shalt  }
0x40: {  	_ =	shalt  }
0x41: {  	_ =	shalt  }
0x42: {  	_ =	shalt  }
0x43: {  	_ =	shalt  }
0x44: {  	_ =	shalt  }
0x45: {  	_ =	shalt  }
0x46: {  	_ =	shalt  }
0x47: {  	_ =	shalt  }
0x48: {  	_ =	shalt  }
0x49: {  	_ =	shalt  }
0x4a: {  	_ =	shalt  }
0x4b: {  	_ =	shalt  }
0x4c: {  	_ =	shalt  }
0x4d: {  	_ =	shalt  }
0x4e: {  	_ =	shalt  }
0x4f: {  	_ =	shalt  }
0x50: {  	_ =	shalt  }
0x51: {  	_ =	shalt  }
0x52: {  	_ =	shalt  }
0x53: {  	_ =	shalt  }
0x54: {  	_ =	shalt  }
0x55: {  	_ =	shalt  }
0x56: {  	_ =	shalt  }
0x57: {  	_ =	shalt  }
0x58: {  	_ =	shalt  }
0x59: {  	_ =	shalt  }
0x5a: {  	_ =	shalt  }
0x5b: {  	_ =	shalt  }
0x5c: {  	_ =	shalt  }
0x5d: {  	_ =	shalt  }
0x5e: {  	_ =	shalt  }
0x5f: {  	_ =	shalt  }
0x60: {  	_ =	shalt  }
0x61: {  	_ =	shalt  }
0x62: {  	_ =	shalt  }
0x63: {  	_ =	shalt  }
0x64: {  	_ =	shalt  }
0x65: {  	_ =	shalt  }
0x66: {  	_ =	shalt  }
0x67: {  	_ =	shalt  }
0x68: {  	_ =	shalt  }
0x69: {  	_ =	shalt  }
0x6a: {  	_ =	shalt  }
0x6b: {  	_ =	shalt  }
0x6c: {  	_ =	shalt  }
0x6d: {  	_ =	shalt  }
0x6e: {  	_ =	shalt  }
0x6f: {  	_ =	shalt  }
0x70: {  	_ =	shalt  }
0x71: {  	_ =	shalt  }
0x72: {  	_ =	shalt  }
0x73: {  	_ =	shalt  }
0x74: {  	_ =	shalt  }
0x75: {  	_ =	shalt  }
0x76: {  	_ =	shalt  }
0x77: {  	_ =	shalt  }
0x78: {  	_ =	shalt  }
0x79: {  	_ =	shalt  }
0x7a: {  	_ =	shalt  }
0x7b: {  	_ =	shalt  }
0x7c: {  	_ =	shalt  }
0x7d: {  	_ =	shalt  }
0x7e: {  	_ =	shalt  }
0x7f: {  	_ =	shalt  }
0x80: {  	_ =	shalt  }
0x81: {  	_ =	shalt  }
0x82: {  	_ =	shalt  }
0x83: {  	_ =	shalt  }
0x84: {  	_ =	shalt  }
0x85: {  	_ =	shalt  }
0x86: {  	_ =	shalt  }
0x87: {  	_ =	shalt  }
.Lfunc_end0:
.L_simem_size_0:
called_computation.1_lowered:
.L_overlay_start_0:
0x88: {  	s2 =	sld [smem:$0x3FD9]  }
0x89: {  	s3 =	sld [smem:$0x3FFE];
	_ =	sdelay $0x1  }
0x8a: {  	s1 =	srdreg.scid  }
0x8b: {  	s0 =	sand.u32 $0x1, s1  }
0x8c: {  	s17 =	sshll.u32 s0, $0xA;
	s2 =	sadd.s32 s3, s2  }
0x8d: {  	s2 =	sadd.s32 s2, s17  }
0x8e: {  	[smem:$0x3FC4] =	sst s2  }
0x8f: {  	_ = 	snop  }
0x90: {  	(tm) =	ssettm $0x1  }
0x91: {  	s18 =	sld [smem:$0x3FFB];
	_ =	sdelay $0x3  }
0x92: {  	_ =	strace s18  }
0x93: {  	s2 =	sld [smem:$0x3FFC];
	_ =	sdelay $0x3  }
0x94: {  	_ =	strace s2  }
0x95: {  	s2 =	sld [smem:$0x3FFD];
	_ =	sdelay $0x3  }
0x96: {  	_ =	strace s2  }
0x97: {  	_ =	strace $0x8FFFFFFF  }
0x98: {  	s19 =	sld [smem:$0x3FDB];
	_ =	sdelay $0x1  }
0x99: {  	s20 =	simm.s32 $_scs_section_size  }
0x9a: {  	s4 =	simm.s32 $_size__tile_overlayer_lowered;
	s5 =	simm.s32 $_tile_overlayer_lowered  }
0x9b: {  	s6 =	simm.s32 $0x1BFF;
	s21 =	sshll.u32 s5, $0x1;
	s3 =	sadd.s32 s20, s19  }
0x9c: {  	s22 =	simm.s32 $0x0;
	s4 =	sshll.u32 s4, $0x1;
	s5 =	sadd.s32 s21, s3  }
0x9d: {  	[timem:s22], [sflag:s6] =	dma.local [hbm:s5], s4  }
0x9e: {  	_ =	swait.ge [sflag:s6], s4  }
0x9f: {  	s4 =	ssub.s32 $0x0, s4;
	[sflag:s6] =	ssyncset.done $0x0  }
0xa0: {  	[sflag:s6] =	ssyncadd.s32 s4;
	_ =	sdelay $0x1  }
0xa1: {  	s23 =	simm.s32 $0x1B8B  }
0xa2: {  	_ =	swait.ge [sflag:s23], $0x1  }
0xa3: {  	[sflag:s23] =	ssyncset.done $0x0  }
0xa4: {  	[sflag:s23] =	ssyncadd.s32 $0xFFFFFFFF  }
0xa5: {  	s4 =	sld [smem:$0x0]  }
0xa6: {  	s5 =	sand.u32 $0xFFFFFFFE, s1  }
0xa7: {  	p0 =	sne.s32 s1, s5  }
0xa8: {  	s5 =	sshll.u32 @p0 s5, $0xE  }
0xa9: {  	s5 =	sadd.s32 @p0 $0x11B8D, s5;
	s6 =	sshll.u32 @p0 s4, $0x11  }
0xaa: {  	s5 =	sor.u32 @p0 s6, s5  }
0xab: {  	[sflag:s5] =	ssyncadd.remote.s32 @p0 $0x1;
	_ =	sdelay $0x1  }
0xac: {  	s5 =	simm.s32 @p0 $0x1B8D  }
0xad: {  	_ =	swait.eq @p0 [sflag:s5], $0x1  }
0xae: {  	[sflag:s5] =	ssyncadd.s32 @p0 $0xFFFFFFFF  }
0xaf: {  	s6 =	sshll.u32 @!p0 s1, $0xE  }
0xb0: {  	s6 =	sor.u32 @!p0 $0x4000, s6;
	s5 =	simm.s32 @!p0 $0x1B8D  }
0xb1: {  	s4 =	sshll.u32 @!p0 s4, $0x11;
	s6 =	sadd.s32 @!p0 $0x11B8D, s6;
	_ =	swait.eq @!p0 [sflag:s5], $0x1  }
0xb2: {  	s4 =	sor.u32 @!p0 s4, s6;
	[sflag:s5] =	ssyncadd.s32 @!p0 $0xFFFFFFFF  }
0xb3: {  	s25 =	simm.s32 $0x1B8E;
	s24 =	sld [smem:$0x3FFE];
	[sflag:s4] =	ssyncadd.remote.s32 @!p0 $0x1  }
0xb4: {  	s26 =	simm.s32 $execute0_lowered;
	[smem:$0x3FD2] =	sst s25  }
0xb5: {  	s5 =	sshll.u32 s26, $0x1;
	_ =	strace $0x80000049;
	[dreg:$0x1] =	wrdreg $0xFFFFFFFF  }
0xb6: {  	s28 =	simm.s32 $_size_execute0_lowered;
	s3 =	sadd.s32 s3, s5;
	[dreg:$0x0] =	wrdreg $0x0  }
0xb7: {  	s5 =	sshll.u32 s28, $0x1;
	[dreg:$0x2] =	wrdreg s3  }
0xb8: {  	[dreg:$0x3] =	wrdreg s5  }
0xb9: {  	[dreg:$0x4] =	wrdreg $0xC0  }
0xba: {  	_ =	task [dreg:s22], $0x5FFFF  }
0xbb: {  	[dreg:$0x1] =	wrdreg $0xFFFFFFFF  }
0xbc: {  	[dreg:$0x0] =	wrdreg $0x60  }
0xbd: {  	[dreg:$0x2] =	wrdreg s24  }
0xbe: {  	[dreg:$0x3] =	wrdreg $0xA  }
0xbf: {  	_ =	task.clear_ibuf [dreg:s22], $0x4FFFF;
	_ =	strace $0x90000049  }
0xc0: {  	s29 =	simm.s32 $0xA;
	_ =	strace $0x8000004B  }
0xc1: {  	_ =	swait.ge [sflag:s29], $0x1  }
0xc2: {  	[sflag:s29] =	ssyncadd.s32 $0xFFFFFFFF  }
0xc3: {  	_ =	strace $0x9000004B  }
0xc4: {  	_ =	sfence  }
0xc5: {  	s30 =	sld [smem:$0x0];
	_ =	sdelay $0x2  }
0xc6: {  	s31 =	sshll.u32 s1, $0xD;
	s1 =	sshrl.u32 s1, $0x2  }
0xc7: {  	s4 =	sand.u32 $0x4000, s31;
	s1 =	sadd.s32 s1, s30  }
0xc8: {  	s0 =	sor.u32 s4, s0;
	s1 =	sshll.u32 s1, $0x11  }
0xc9: {  	s0 =	sor.u32 s1, s0  }
0xca: {  	s0 =	sadd.s32 $0x8F2B, s0  }
0xcb: {  	[sflag:s0] =	ssyncadd.remote.s32 $0x1  }
0xcc: {  	_ =	sfence.sel $0xFFFF  }
0xcd: {  	[dreg:$0x0] =	wrdreg $0xFFFFFFFF;
	(pc) =	sbr.abs _section_cstart, $3  }
0xce: {  	[dreg:$0x1] =	wrdreg $0xFFFFFFFF  }
0xcf: {  	_ =	task.clear_ibuf [dreg:s22], $0x2FFFF;
	_ =	strace $0x9FFFFFFF  }
0xd0: {  	(tm) =	ssettm $0x7FFFFFFF  }
0xd1: {  	_ =	shalt  }
tec
execute0_lowered:
.L_overlay_start_1:
0x0: {  	(tag) =	ssettag $0x1  }
0x1: {  	s0 =	rddreg [dreg:$0x0];
	s2 =	simm.s32 $0x0;
	s1 =	srdreg.scid  }
0x2: {  	s4 =	stileid.u32;
	s26 =	simm.s32 $0x80;
	s14 =	simm.s32 $0x1  }
0x3: {  	s17 =	simm.s32 $0x1100;
	s18 =	simm.s32 $0x1900;
	s19 =	simm.s32 $0x2100  }
0x4: {  	s20 =	simm.s32 $0x2900;
	s21 =	simm.s32 $0x3100;
	s22 =	simm.s32 $0x3900  }
0x5: {  	s23 =	simm.s32 $0x4100;
	s28 =	simm.s32 $0x6100;
	s29 =	simm.s32 $0x6900  }
0x6: {  	s30 =	simm.s32 $0x7100;
	s31 =	simm.s32 $0x7900;
	s11 =	simm.s32 $0xA900  }
0x7: {  	s12 =	simm.s32 $0xB100;
	s13 =	simm.s32 $0xB900;
	[smem:$0x7FF] =	sst s2  }
0x8: {  	s3 =	sadd.s32 $0x1A00, s0;
	s4 =	sshll.u32 s4, $0x9;
	s6 =	sadd.s32 $0x1600, s0  }
0x9: {  	s1 =	sand.u32 $0x1, s1;
	s7 =	sadd.s32 $0x124200, s0;
	_ =	strace $0x8000004A  }
0xa: {  	s5 =	sshll.u32 s1, $0x8;
	s1 =	ssub.s32 $0x2, s1;
	[dreg:$0x6] =	wrdreg s26  }
0xb: {  	s26 =	simm.s32 $0x5900;
	s4 =	sor.u32 s5, s4;
	s9 =	sshrl.u32 s1, $0x1  }
0xc: {  	s5 =	sshrl.u32 s4, $0x3;
	s8 =	sor.u32 $0x80, s4;
	s4 =	sshll.u32 s4, $0x6  }
0xd: {  	s1 =	ssub.s32 s1, s9;
	s9 =	simm.s32 $0x9900;
	s5 =	sadd.s32 s6, s5  }
0xe: {  	s10 =	sshrl.u32 s8, $0x3;
	s4 =	sadd.s32 s7, s4;
	s25 =	sshll.u32 s8, $0x6  }
0xf: {  	s8 =	simm.s32 $0x9100;
	[dreg:$0x2] =	wrdreg s5;
	s24 =	sadd.s32 s6, s10  }
0x10: {  	[dreg:$0x4] =	wrdreg s4;
	s5 =	sadd.s32 s7, s25;
	s4 =	sadd.s32 $0x1B00, s0  }
0x11: {  	v2 =	vlaneseq.u32;
	s6 =	simm.s32 $0x2;
	s25 =	simm.s32 $0x5100;
	[dreg:$0x3] =	wrdreg s24  }
0x12: {  	vm0 =	vmmov $0xffff;
	v1 =	vshrl.u32 v2, $0x3;
	s10 =	simm.s32 $0xA100;
	s7 =	simm.s32 $0xC100;
	[dreg:$0x5] =	wrdreg s5  }
0x13: {  	v0 =	vand.u32 $0x7, v2;
	v2 =	vor.u32 $0x8, v2;
	v1 =	vmul.u32 $0x8, v1;
	s5 =	smax.u32 s1, $0x1;
	s24 =	simm.s32 $0x4900;
	s1 =	simm.s32 $0x8900  }
.LBB2_1:
0x14: {  	s15 =	rddreg [dreg:$0x2]  }
0x15: {  	[tilespmem:s2], [sflag:$0x2] =	stream.linear.gather [hbm4b:s15+s2], $0x80, $0x38;
	[tilespmem:$0x10100] =	vst v63  }
0x16: {  	_ =	swait.ge [sflag:s6], $0x80  }
0x17: {  	s0 =	rddreg [dreg:$0x3];
	[sflag:s6] =	ssyncset.done $0x0  }
0x18: {  	s16 =	rddreg [dreg:$0x6];
	[sflag:s6] =	ssyncadd.s32 $0xFFFFFF80  }
0x19: {  	[tilespmem:s16], [sflag:$0x2] =	stream.linear.gather [hbm4b:s0+s2], $0x80, $0x38;
	[tilespmem:$0x10100] =	vst v63  }
0x1a: {  	_ =	swait.ge [sflag:s6], $0x80  }
0x1b: {  	[sflag:s6] =	ssyncset.done $0x0  }
0x1c: {  	[sflag:s6] =	ssyncadd.s32 $0xFFFFFF80  }
0x1d: {  	v3 =	vld [tilespmem:$0x0];
	_ =	sdelay $0x4  }
0x1e: {  	v4 =	vshll.u32 v3, $0x2  }
0x1f: {  	v3 =	vand.u32 $0x7, v3;
	v4 =	vand.u32 $0xFFFFFFE0, v4  }
0x20: {  	v3 =	vor.u32 v3, v4  }
0x21: {  	v4 =	vperm.xlane v3, v0;
	_ =	sdelay $0x1  }
0x22: {  	v4 =	vadd.s32 v1, v4;
	_ =	sdelay $0x1  }
0x23: {  	v3 =	vperm.xlane v3, v2;
	_ =	sdelay $0x1  }
0x24: {  	s0 =	simm.s32 $0x100;
	v3 =	vadd.s32 v1, v3  }
0x25: {  	[tilespmem:s0], [sflag:$0x1] =	stream.indirect_vreg.gather [hbm4b:s3+s2], $0x80, v4, vm0, $0xb8;
	[tilespmem:$0x10100] =	vst v63  }
0x26: {  	s16 =	simm.s32 $0x900  }
0x27: {  	[tilespmem:s16], [sflag:$0x1] =	stream.indirect_vreg.gather [hbm4b:s4+s2], $0x80, v4, vm0, $0xb8;
	[tilespmem:$0x10100] =	vst v63  }
0x28: {  	_ = 	snop  }
0x29: {  	[tilespmem:s17], [sflag:$0x1] =	stream.indirect_vreg.gather [hbm4b:s3+s2], $0x80, v3, vm0, $0xb8;
	[tilespmem:$0x10100] =	vst v63  }
0x2a: {  	_ = 	snop  }
0x2b: {  	[tilespmem:s18], [sflag:$0x1] =	stream.indirect_vreg.gather [hbm4b:s4+s2], $0x80, v3, vm0, $0xb8;
	[tilespmem:$0x10100] =	vst v63  }
0x2c: {  	v3 =	vld [tilespmem:$0x10];
	_ =	sdelay $0x4  }
0x2d: {  	v49 =	vshll.u32 v3, $0x2  }
0x2e: {  	v3 =	vand.u32 $0x7, v3;
	v4 =	vand.u32 $0xFFFFFFE0, v49  }
0x2f: {  	v3 =	vor.u32 v3, v4  }
0x30: {  	v4 =	vperm.xlane v3, v0;
	_ =	sdelay $0x1  }
0x31: {  	v4 =	vadd.s32 v1, v4;
	_ =	sdelay $0x1  }
0x32: {  	v3 =	vperm.xlane v3, v2;
	_ =	sdelay $0x1  }
0x33: {  	v3 =	vadd.s32 v1, v3  }
0x34: {  	[tilespmem:s19], [sflag:$0x1] =	stream.indirect_vreg.gather [hbm4b:s3+s2], $0x80, v4, vm0, $0xb8;
	[tilespmem:$0x10100] =	vst v63  }
0x35: {  	_ = 	snop  }
0x36: {  	[tilespmem:s20], [sflag:$0x1] =	stream.indirect_vreg.gather [hbm4b:s4+s2], $0x80, v4, vm0, $0xb8;
	[tilespmem:$0x10100] =	vst v63  }
0x37: {  	_ = 	snop  }
0x38: {  	[tilespmem:s21], [sflag:$0x1] =	stream.indirect_vreg.gather [hbm4b:s3+s2], $0x80, v3, vm0, $0xb8;
	[tilespmem:$0x10100] =	vst v63  }
0x39: {  	_ = 	snop  }
0x3a: {  	[tilespmem:s22], [sflag:$0x1] =	stream.indirect_vreg.gather [hbm4b:s4+s2], $0x80, v3, vm0, $0xb8;
	[tilespmem:$0x10100] =	vst v63  }
0x3b: {  	v3 =	vld [tilespmem:$0x20];
	_ =	sdelay $0x4  }
0x3c: {  	v50 =	vshll.u32 v3, $0x2  }
0x3d: {  	v3 =	vand.u32 $0x7, v3;
	v4 =	vand.u32 $0xFFFFFFE0, v50  }
0x3e: {  	v3 =	vor.u32 v3, v4  }
0x3f: {  	v4 =	vperm.xlane v3, v0;
	_ =	sdelay $0x1  }
0x40: {  	v4 =	vadd.s32 v1, v4;
	_ =	sdelay $0x1  }
0x41: {  	v3 =	vperm.xlane v3, v2;
	_ =	sdelay $0x1  }
0x42: {  	v3 =	vadd.s32 v1, v3  }
0x43: {  	[tilespmem:s23], [sflag:$0x1] =	stream.indirect_vreg.gather [hbm4b:s3+s2], $0x80, v4, vm0, $0xb8;
	[tilespmem:$0x10100] =	vst v63  }
0x44: {  	_ = 	snop  }
0x45: {  	[tilespmem:s24], [sflag:$0x1] =	stream.indirect_vreg.gather [hbm4b:s4+s2], $0x80, v4, vm0, $0xb8;
	[tilespmem:$0x10100] =	vst v63  }
0x46: {  	_ = 	snop  }
0x47: {  	[tilespmem:s25], [sflag:$0x1] =	stream.indirect_vreg.gather [hbm4b:s3+s2], $0x80, v3, vm0, $0xb8;
	[tilespmem:$0x10100] =	vst v63  }
0x48: {  	_ = 	snop  }
0x49: {  	[tilespmem:s26], [sflag:$0x1] =	stream.indirect_vreg.gather [hbm4b:s4+s2], $0x80, v3, vm0, $0xb8;
	[tilespmem:$0x10100] =	vst v63  }
0x4a: {  	v3 =	vld [tilespmem:$0x30];
	_ =	sdelay $0x4  }
0x4b: {  	v51 =	vshll.u32 v3, $0x2  }
0x4c: {  	v3 =	vand.u32 $0x7, v3;
	v4 =	vand.u32 $0xFFFFFFE0, v51  }
0x4d: {  	v3 =	vor.u32 v3, v4  }
0x4e: {  	v4 =	vperm.xlane v3, v0;
	_ =	sdelay $0x1  }
0x4f: {  	v4 =	vadd.s32 v1, v4;
	_ =	sdelay $0x1  }
0x50: {  	v3 =	vperm.xlane v3, v2;
	_ =	sdelay $0x1  }
0x51: {  	v3 =	vadd.s32 v1, v3  }
0x52: {  	[tilespmem:s28], [sflag:$0x1] =	stream.indirect_vreg.gather [hbm4b:s3+s2], $0x80, v4, vm0, $0xb8;
	[tilespmem:$0x10100] =	vst v63  }
0x53: {  	_ = 	snop  }
0x54: {  	[tilespmem:s29], [sflag:$0x1] =	stream.indirect_vreg.gather [hbm4b:s4+s2], $0x80, v4, vm0, $0xb8;
	[tilespmem:$0x10100] =	vst v63  }
0x55: {  	_ = 	snop  }
0x56: {  	[tilespmem:s30], [sflag:$0x1] =	stream.indirect_vreg.gather [hbm4b:s3+s2], $0x80, v3, vm0, $0xb8;
	[tilespmem:$0x10100] =	vst v63  }
0x57: {  	_ = 	snop  }
0x58: {  	[tilespmem:s31], [sflag:$0x1] =	stream.indirect_vreg.gather [hbm4b:s4+s2], $0x80, v3, vm0, $0xb8;
	[tilespmem:$0x10100] =	vst v63  }
0x59: {  	v3 =	vld [tilespmem:$0x40];
	_ =	sdelay $0x4  }
0x5a: {  	v52 =	vshll.u32 v3, $0x2  }
0x5b: {  	v3 =	vand.u32 $0x7, v3;
	v4 =	vand.u32 $0xFFFFFFE0, v52  }
0x5c: {  	v3 =	vor.u32 v3, v4  }
0x5d: {  	v4 =	vperm.xlane v3, v0;
	_ =	sdelay $0x1  }
0x5e: {  	v4 =	vadd.s32 v1, v4;
	_ =	sdelay $0x1  }
0x5f: {  	v3 =	vperm.xlane v3, v2;
	_ =	sdelay $0x1  }
0x60: {  	s15 =	simm.s32 $0x8100;
	v3 =	vadd.s32 v1, v3  }
0x61: {  	[tilespmem:s15], [sflag:$0x1] =	stream.indirect_vreg.gather [hbm4b:s3+s2], $0x80, v4, vm0, $0xb8;
	[tilespmem:$0x10100] =	vst v63  }
0x62: {  	_ = 	snop  }
0x63: {  	[tilespmem:s1], [sflag:$0x1] =	stream.indirect_vreg.gather [hbm4b:s4+s2], $0x80, v4, vm0, $0xb8;
	[tilespmem:$0x10100] =	vst v63  }
0x64: {  	_ = 	snop  }
0x65: {  	[tilespmem:s8], [sflag:$0x1] =	stream.indirect_vreg.gather [hbm4b:s3+s2], $0x80, v3, vm0, $0xb8;
	[tilespmem:$0x10100] =	vst v63  }
0x66: {  	_ = 	snop  }
0x67: {  	[tilespmem:s9], [sflag:$0x1] =	stream.indirect_vreg.gather [hbm4b:s4+s2], $0x80, v3, vm0, $0xb8;
	[tilespmem:$0x10100] =	vst v63  }
0x68: {  	v3 =	vld [tilespmem:$0x50];
	_ =	sdelay $0x4  }
0x69: {  	v53 =	vshll.u32 v3, $0x2  }
0x6a: {  	v3 =	vand.u32 $0x7, v3;
	v4 =	vand.u32 $0xFFFFFFE0, v53  }
0x6b: {  	v3 =	vor.u32 v3, v4  }
0x6c: {  	v4 =	vperm.xlane v3, v0;
	_ =	sdelay $0x1  }
0x6d: {  	v4 =	vadd.s32 v1, v4;
	_ =	sdelay $0x1  }
0x6e: {  	v3 =	vperm.xlane v3, v2;
	_ =	sdelay $0x1  }
0x6f: {  	v3 =	vadd.s32 v1, v3  }
0x70: {  	[tilespmem:s10], [sflag:$0x1] =	stream.indirect_vreg.gather [hbm4b:s3+s2], $0x80, v4, vm0, $0xb8;
	[tilespmem:$0x10100] =	vst v63  }
0x71: {  	_ = 	snop  }
0x72: {  	[tilespmem:s11], [sflag:$0x1] =	stream.indirect_vreg.gather [hbm4b:s4+s2], $0x80, v4, vm0, $0xb8;
	[tilespmem:$0x10100] =	vst v63  }
0x73: {  	_ = 	snop  }
0x74: {  	[tilespmem:s12], [sflag:$0x1] =	stream.indirect_vreg.gather [hbm4b:s3+s2], $0x80, v3, vm0, $0xb8;
	[tilespmem:$0x10100] =	vst v63  }
0x75: {  	_ = 	snop  }
0x76: {  	[tilespmem:s13], [sflag:$0x1] =	stream.indirect_vreg.gather [hbm4b:s4+s2], $0x80, v3, vm0, $0xb8;
	[tilespmem:$0x10100] =	vst v63  }
0x77: {  	v3 =	vld [tilespmem:$0x60];
	_ =	sdelay $0x4  }
0x78: {  	v54 =	vshll.u32 v3, $0x2  }
0x79: {  	v3 =	vand.u32 $0x7, v3;
	v4 =	vand.u32 $0xFFFFFFE0, v54  }
0x7a: {  	v3 =	vor.u32 v3, v4  }
0x7b: {  	v4 =	vperm.xlane v3, v0;
	_ =	sdelay $0x1  }
0x7c: {  	v4 =	vadd.s32 v1, v4;
	_ =	sdelay $0x1  }
0x7d: {  	v3 =	vperm.xlane v3, v2;
	_ =	sdelay $0x1  }
0x7e: {  	v3 =	vadd.s32 v1, v3  }
0x7f: {  	[tilespmem:s7], [sflag:$0x1] =	stream.indirect_vreg.gather [hbm4b:s3+s2], $0x80, v4, vm0, $0xb8;
	[tilespmem:$0x10100] =	vst v63  }
0x80: {  	s15 =	simm.s32 $0xC900  }
0x81: {  	[tilespmem:s15], [sflag:$0x1] =	stream.indirect_vreg.gather [hbm4b:s4+s2], $0x80, v4, vm0, $0xb8;
	[tilespmem:$0x10100] =	vst v63  }
0x82: {  	s15 =	simm.s32 $0xD100  }
0x83: {  	[tilespmem:s15], [sflag:$0x1] =	stream.indirect_vreg.gather [hbm4b:s3+s2], $0x80, v3, vm0, $0xb8;
	[tilespmem:$0x10100] =	vst v63  }
0x84: {  	s15 =	simm.s32 $0xD900  }
0x85: {  	[tilespmem:s15], [sflag:$0x1] =	stream.indirect_vreg.gather [hbm4b:s4+s2], $0x80, v3, vm0, $0xb8;
	[tilespmem:$0x10100] =	vst v63  }
0x86: {  	v3 =	vld [tilespmem:$0x70];
	_ =	sdelay $0x4  }
0x87: {  	v55 =	vshll.u32 v3, $0x2  }
0x88: {  	v3 =	vand.u32 $0x7, v3;
	v4 =	vand.u32 $0xFFFFFFE0, v55  }
0x89: {  	v3 =	vor.u32 v3, v4  }
0x8a: {  	v4 =	vperm.xlane v3, v0;
	_ =	sdelay $0x1  }
0x8b: {  	v4 =	vadd.s32 v1, v4;
	_ =	sdelay $0x1  }
0x8c: {  	v3 =	vperm.xlane v3, v2;
	_ =	sdelay $0x1  }
0x8d: {  	s15 =	simm.s32 $0xE100;
	v3 =	vadd.s32 v1, v3  }
0x8e: {  	[tilespmem:s15], [sflag:$0x1] =	stream.indirect_vreg.gather [hbm4b:s3+s2], $0x80, v4, vm0, $0xb8;
	[tilespmem:$0x10100] =	vst v63  }
0x8f: {  	s15 =	simm.s32 $0xE900  }
0x90: {  	[tilespmem:s15], [sflag:$0x1] =	stream.indirect_vreg.gather [hbm4b:s4+s2], $0x80, v4, vm0, $0xb8;
	[tilespmem:$0x10100] =	vst v63  }
0x91: {  	s15 =	simm.s32 $0xF100  }
0x92: {  	[tilespmem:s15], [sflag:$0x1] =	stream.indirect_vreg.gather [hbm4b:s3+s2], $0x80, v3, vm0, $0xb8;
	[tilespmem:$0x10100] =	vst v63  }
0x93: {  	s15 =	simm.s32 $0xF900  }
0x94: {  	[tilespmem:s15], [sflag:$0x1] =	stream.indirect_vreg.gather [hbm4b:s4+s2], $0x80, v3, vm0, $0xb8;
	[tilespmem:$0x10100] =	vst v63  }
0x95: {  	_ =	swait.ge [sflag:s14], $0x10000  }
0x96: {  	[sflag:s14] =	ssyncset.done $0x0  }
0x97: {  	s0 =	simm.s32 $0x100;
	s15 =	rddreg [dreg:$0x4];
	[sflag:s14] =	ssyncadd.s32 $0xFFFF0000  }
0x98: {  	[hbm4b:s15+s2] =	stream.linear.scatter [tilespmem:s0], [sflag:$0x2], $0x10000, $0x38;
	[tilespmem:$0x10100] =	vst v63  }
0x99: {  	_ =	swait.ge [sflag:s6], $0x10000  }
0x9a: {  	[sflag:s6] =	ssyncset.done $0x0  }
0x9b: {  	[sflag:s6] =	ssyncadd.s32 $0xFFFF0000  }
0x9c: {  	v3 =	vld [tilespmem:$0x80];
	_ =	sdelay $0x4  }
0x9d: {  	v56 =	vshll.u32 v3, $0x2  }
0x9e: {  	v3 =	vand.u32 $0x7, v3;
	v4 =	vand.u32 $0xFFFFFFE0, v56  }
0x9f: {  	v3 =	vor.u32 v3, v4  }
0xa0: {  	v4 =	vperm.xlane v3, v0;
	_ =	sdelay $0x1  }
0xa1: {  	v4 =	vadd.s32 v1, v4;
	_ =	sdelay $0x1  }
0xa2: {  	v3 =	vperm.xlane v3, v2;
	_ =	sdelay $0x1  }
0xa3: {  	v3 =	vadd.s32 v1, v3  }
0xa4: {  	[tilespmem:s0], [sflag:$0x1] =	stream.indirect_vreg.gather [hbm4b:s3+s2], $0x80, v4, vm0, $0xb8;
	[tilespmem:$0x10100] =	vst v63  }
0xa5: {  	_ = 	snop  }
0xa6: {  	[tilespmem:s16], [sflag:$0x1] =	stream.indirect_vreg.gather [hbm4b:s4+s2], $0x80, v4, vm0, $0xb8;
	[tilespmem:$0x10100] =	vst v63  }
0xa7: {  	_ = 	snop  }
0xa8: {  	[tilespmem:s17], [sflag:$0x1] =	stream.indirect_vreg.gather [hbm4b:s3+s2], $0x80, v3, vm0, $0xb8;
	[tilespmem:$0x10100] =	vst v63  }
0xa9: {  	_ = 	snop  }
0xaa: {  	[tilespmem:s18], [sflag:$0x1] =	stream.indirect_vreg.gather [hbm4b:s4+s2], $0x80, v3, vm0, $0xb8;
	[tilespmem:$0x10100] =	vst v63  }
0xab: {  	v3 =	vld [tilespmem:$0x90];
	_ =	sdelay $0x4  }
0xac: {  	v57 =	vshll.u32 v3, $0x2  }
0xad: {  	v3 =	vand.u32 $0x7, v3;
	v4 =	vand.u32 $0xFFFFFFE0, v57  }
0xae: {  	v3 =	vor.u32 v3, v4  }
0xaf: {  	v4 =	vperm.xlane v3, v0;
	_ =	sdelay $0x1  }
0xb0: {  	v4 =	vadd.s32 v1, v4;
	_ =	sdelay $0x1  }
0xb1: {  	v3 =	vperm.xlane v3, v2;
	_ =	sdelay $0x1  }
0xb2: {  	v3 =	vadd.s32 v1, v3  }
0xb3: {  	[tilespmem:s19], [sflag:$0x1] =	stream.indirect_vreg.gather [hbm4b:s3+s2], $0x80, v4, vm0, $0xb8;
	[tilespmem:$0x10100] =	vst v63  }
0xb4: {  	_ = 	snop  }
0xb5: {  	[tilespmem:s20], [sflag:$0x1] =	stream.indirect_vreg.gather [hbm4b:s4+s2], $0x80, v4, vm0, $0xb8;
	[tilespmem:$0x10100] =	vst v63  }
0xb6: {  	_ = 	snop  }
0xb7: {  	[tilespmem:s21], [sflag:$0x1] =	stream.indirect_vreg.gather [hbm4b:s3+s2], $0x80, v3, vm0, $0xb8;
	[tilespmem:$0x10100] =	vst v63  }
0xb8: {  	_ = 	snop  }
0xb9: {  	[tilespmem:s22], [sflag:$0x1] =	stream.indirect_vreg.gather [hbm4b:s4+s2], $0x80, v3, vm0, $0xb8;
	[tilespmem:$0x10100] =	vst v63  }
0xba: {  	v3 =	vld [tilespmem:$0xA0];
	_ =	sdelay $0x4  }
0xbb: {  	v58 =	vshll.u32 v3, $0x2  }
0xbc: {  	v3 =	vand.u32 $0x7, v3;
	v4 =	vand.u32 $0xFFFFFFE0, v58  }
0xbd: {  	v3 =	vor.u32 v3, v4  }
0xbe: {  	v4 =	vperm.xlane v3, v0;
	_ =	sdelay $0x1  }
0xbf: {  	v4 =	vadd.s32 v1, v4;
	_ =	sdelay $0x1  }
0xc0: {  	v3 =	vperm.xlane v3, v2;
	_ =	sdelay $0x1  }
0xc1: {  	v3 =	vadd.s32 v1, v3  }
0xc2: {  	[tilespmem:s23], [sflag:$0x1] =	stream.indirect_vreg.gather [hbm4b:s3+s2], $0x80, v4, vm0, $0xb8;
	[tilespmem:$0x10100] =	vst v63  }
0xc3: {  	_ = 	snop  }
0xc4: {  	[tilespmem:s24], [sflag:$0x1] =	stream.indirect_vreg.gather [hbm4b:s4+s2], $0x80, v4, vm0, $0xb8;
	[tilespmem:$0x10100] =	vst v63  }
0xc5: {  	_ = 	snop  }
0xc6: {  	[tilespmem:s25], [sflag:$0x1] =	stream.indirect_vreg.gather [hbm4b:s3+s2], $0x80, v3, vm0, $0xb8;
	[tilespmem:$0x10100] =	vst v63  }
0xc7: {  	_ = 	snop  }
0xc8: {  	[tilespmem:s26], [sflag:$0x1] =	stream.indirect_vreg.gather [hbm4b:s4+s2], $0x80, v3, vm0, $0xb8;
	[tilespmem:$0x10100] =	vst v63  }
0xc9: {  	v3 =	vld [tilespmem:$0xB0];
	_ =	sdelay $0x4  }
0xca: {  	v59 =	vshll.u32 v3, $0x2  }
0xcb: {  	v3 =	vand.u32 $0x7, v3;
	v4 =	vand.u32 $0xFFFFFFE0, v59  }
0xcc: {  	v3 =	vor.u32 v3, v4  }
0xcd: {  	v4 =	vperm.xlane v3, v0;
	_ =	sdelay $0x1  }
0xce: {  	v4 =	vadd.s32 v1, v4;
	_ =	sdelay $0x1  }
0xcf: {  	v3 =	vperm.xlane v3, v2;
	_ =	sdelay $0x1  }
0xd0: {  	v3 =	vadd.s32 v1, v3  }
0xd1: {  	[tilespmem:s28], [sflag:$0x1] =	stream.indirect_vreg.gather [hbm4b:s3+s2], $0x80, v4, vm0, $0xb8;
	[tilespmem:$0x10100] =	vst v63  }
0xd2: {  	_ = 	snop  }
0xd3: {  	[tilespmem:s29], [sflag:$0x1] =	stream.indirect_vreg.gather [hbm4b:s4+s2], $0x80, v4, vm0, $0xb8;
	[tilespmem:$0x10100] =	vst v63  }
0xd4: {  	_ = 	snop  }
0xd5: {  	[tilespmem:s30], [sflag:$0x1] =	stream.indirect_vreg.gather [hbm4b:s3+s2], $0x80, v3, vm0, $0xb8;
	[tilespmem:$0x10100] =	vst v63  }
0xd6: {  	_ = 	snop  }
0xd7: {  	[tilespmem:s31], [sflag:$0x1] =	stream.indirect_vreg.gather [hbm4b:s4+s2], $0x80, v3, vm0, $0xb8;
	[tilespmem:$0x10100] =	vst v63  }
0xd8: {  	v3 =	vld [tilespmem:$0xC0];
	_ =	sdelay $0x4  }
0xd9: {  	v60 =	vshll.u32 v3, $0x2  }
0xda: {  	v3 =	vand.u32 $0x7, v3;
	v4 =	vand.u32 $0xFFFFFFE0, v60  }
0xdb: {  	v3 =	vor.u32 v3, v4  }
0xdc: {  	v4 =	vperm.xlane v3, v0;
	_ =	sdelay $0x1  }
0xdd: {  	v4 =	vadd.s32 v1, v4;
	_ =	sdelay $0x1  }
0xde: {  	v3 =	vperm.xlane v3, v2;
	_ =	sdelay $0x1  }
0xdf: {  	s15 =	simm.s32 $0x8100;
	v3 =	vadd.s32 v1, v3  }
0xe0: {  	[tilespmem:s15], [sflag:$0x1] =	stream.indirect_vreg.gather [hbm4b:s3+s2], $0x80, v4, vm0, $0xb8;
	[tilespmem:$0x10100] =	vst v63  }
0xe1: {  	_ = 	snop  }
0xe2: {  	[tilespmem:s1], [sflag:$0x1] =	stream.indirect_vreg.gather [hbm4b:s4+s2], $0x80, v4, vm0, $0xb8;
	[tilespmem:$0x10100] =	vst v63  }
0xe3: {  	_ = 	snop  }
0xe4: {  	[tilespmem:s8], [sflag:$0x1] =	stream.indirect_vreg.gather [hbm4b:s3+s2], $0x80, v3, vm0, $0xb8;
	[tilespmem:$0x10100] =	vst v63  }
0xe5: {  	_ = 	snop  }
0xe6: {  	[tilespmem:s9], [sflag:$0x1] =	stream.indirect_vreg.gather [hbm4b:s4+s2], $0x80, v3, vm0, $0xb8;
	[tilespmem:$0x10100] =	vst v63  }
0xe7: {  	v3 =	vld [tilespmem:$0xD0];
	_ =	sdelay $0x4  }
0xe8: {  	v61 =	vshll.u32 v3, $0x2  }
0xe9: {  	v3 =	vand.u32 $0x7, v3;
	v4 =	vand.u32 $0xFFFFFFE0, v61  }
0xea: {  	v3 =	vor.u32 v3, v4  }
0xeb: {  	v4 =	vperm.xlane v3, v0;
	_ =	sdelay $0x1  }
0xec: {  	v4 =	vadd.s32 v1, v4;
	_ =	sdelay $0x1  }
0xed: {  	v3 =	vperm.xlane v3, v2;
	_ =	sdelay $0x1  }
0xee: {  	v3 =	vadd.s32 v1, v3  }
0xef: {  	[tilespmem:s10], [sflag:$0x1] =	stream.indirect_vreg.gather [hbm4b:s3+s2], $0x80, v4, vm0, $0xb8;
	[tilespmem:$0x10100] =	vst v63  }
0xf0: {  	_ = 	snop  }
0xf1: {  	[tilespmem:s11], [sflag:$0x1] =	stream.indirect_vreg.gather [hbm4b:s4+s2], $0x80, v4, vm0, $0xb8;
	[tilespmem:$0x10100] =	vst v63  }
0xf2: {  	_ = 	snop  }
0xf3: {  	[tilespmem:s12], [sflag:$0x1] =	stream.indirect_vreg.gather [hbm4b:s3+s2], $0x80, v3, vm0, $0xb8;
	[tilespmem:$0x10100] =	vst v63  }
0xf4: {  	_ = 	snop  }
0xf5: {  	[tilespmem:s13], [sflag:$0x1] =	stream.indirect_vreg.gather [hbm4b:s4+s2], $0x80, v3, vm0, $0xb8;
	[tilespmem:$0x10100] =	vst v63  }
0xf6: {  	v3 =	vld [tilespmem:$0xE0];
	_ =	sdelay $0x4  }
0xf7: {  	v62 =	vshll.u32 v3, $0x2  }
0xf8: {  	v3 =	vand.u32 $0x7, v3;
	v4 =	vand.u32 $0xFFFFFFE0, v62  }
0xf9: {  	v3 =	vor.u32 v3, v4  }
0xfa: {  	v4 =	vperm.xlane v3, v0;
	_ =	sdelay $0x1  }
0xfb: {  	v4 =	vadd.s32 v1, v4;
	_ =	sdelay $0x1  }
0xfc: {  	v3 =	vperm.xlane v3, v2;
	_ =	sdelay $0x1  }
0xfd: {  	v3 =	vadd.s32 v1, v3  }
0xfe: {  	[tilespmem:s7], [sflag:$0x1] =	stream.indirect_vreg.gather [hbm4b:s3+s2], $0x80, v4, vm0, $0xb8;
	[tilespmem:$0x10100] =	vst v63  }
0xff: {  	s16 =	simm.s32 $0xC900  }
0x100: {  	[tilespmem:s16], [sflag:$0x1] =	stream.indirect_vreg.gather [hbm4b:s4+s2], $0x80, v4, vm0, $0xb8;
	[tilespmem:$0x10100] =	vst v63  }
0x101: {  	s15 =	simm.s32 $0xD100  }
0x102: {  	[tilespmem:s15], [sflag:$0x1] =	stream.indirect_vreg.gather [hbm4b:s3+s2], $0x80, v3, vm0, $0xb8;
	[tilespmem:$0x10100] =	vst v63  }
0x103: {  	s16 =	simm.s32 $0xD900  }
0x104: {  	[tilespmem:s16], [sflag:$0x1] =	stream.indirect_vreg.gather [hbm4b:s4+s2], $0x80, v3, vm0, $0xb8;
	[tilespmem:$0x10100] =	vst v63  }
0x105: {  	v3 =	vld [tilespmem:$0xF0];
	_ =	sdelay $0x4  }
0x106: {  	v63 =	vshll.u32 v3, $0x2  }
0x107: {  	v3 =	vand.u32 $0x7, v3;
	v4 =	vand.u32 $0xFFFFFFE0, v63  }
0x108: {  	v3 =	vor.u32 v3, v4  }
0x109: {  	v4 =	vperm.xlane v3, v0;
	_ =	sdelay $0x1  }
0x10a: {  	v4 =	vadd.s32 v1, v4;
	_ =	sdelay $0x1  }
0x10b: {  	v3 =	vperm.xlane v3, v2;
	_ =	sdelay $0x1  }
0x10c: {  	s15 =	simm.s32 $0xE100;
	v3 =	vadd.s32 v1, v3  }
0x10d: {  	[tilespmem:s15], [sflag:$0x1] =	stream.indirect_vreg.gather [hbm4b:s3+s2], $0x80, v4, vm0, $0xb8;
	[tilespmem:$0x10100] =	vst v63  }
0x10e: {  	s16 =	simm.s32 $0xE900  }
0x10f: {  	[tilespmem:s16], [sflag:$0x1] =	stream.indirect_vreg.gather [hbm4b:s4+s2], $0x80, v4, vm0, $0xb8;
	[tilespmem:$0x10100] =	vst v63  }
0x110: {  	s15 =	simm.s32 $0xF100  }
0x111: {  	[tilespmem:s15], [sflag:$0x1] =	stream.indirect_vreg.gather [hbm4b:s3+s2], $0x80, v3, vm0, $0xb8;
	[tilespmem:$0x10100] =	vst v63  }
0x112: {  	s16 =	simm.s32 $0xF900  }
0x113: {  	[tilespmem:s16], [sflag:$0x1] =	stream.indirect_vreg.gather [hbm4b:s4+s2], $0x80, v3, vm0, $0xb8;
	[tilespmem:$0x10100] =	vst v63  }
0x114: {  	_ =	swait.ge [sflag:s14], $0x10000  }
0x115: {  	p0 =	sne.s32 s5, $0x1;
	s16 =	simm.s32 $0x100;
	[sflag:s14] =	ssyncset.done $0x0  }
.Ltmp0:
0x116: {  	s0 =	rddreg [dreg:$0x5];
	[sflag:s14] =	ssyncadd.s32 $0xFFFF0000;
	(pc) =	sbr.rel @p0 .LBB2_1-.Ltmp0, $4  }
0x117: {  	[hbm4b:s0+s2] =	stream.linear.scatter [tilespmem:s16], [sflag:$0x2], $0x10000, $0x38;
	[tilespmem:$0x10100] =	vst v63  }
0x118: {  	_ =	swait.ge [sflag:s6], $0x10000  }
0x119: {  	[sflag:s6] =	ssyncset.done $0x0  }
0x11a: {  	s5 =	sadd.s32 $0xFFFFFFFF, s5;
	[sflag:s6] =	ssyncadd.s32 $0xFFFF0000  }
0x11b: {  	_ =	sfence.sel $0x180000  }
0x11c: {  	[bflag:$0x0] =	sbarrier.arrive $0xFFFF  }
0x11d: {  	_ =	strace $0x9000004A  }
0x11e: {  	s0 =	stileid.u32;
	[bflag:$0x2] =	sbarrier.arrive $0xFFFF  }
0x11f: {  	p0 =	sne.s32 s0, $0x0;
	s0 =	rddreg [dreg:$0x1]  }
0x120: {  	s0 =	sadd.s32 @!p0 $0x100000, s0  }
0x121: {  	[sflag:s0] =	ssyncadd.tile.s32 @!p0 $0x1;
	_ =	shalt  }
.Lfunc_end2:
_tile_overlayer_lowered:
.L_overlay_start_2:
0x122: {  	(tag) =	ssettag $0x2  }
0x123: {  	s0 =	rddreg [dreg:$0x0];
	s2 =	stileid.u32  }
0x124: {  	s1 =	rddreg [dreg:$0x1];
	p0 =	sne.s32 s2, $0x0  }
0x125: {  	s3 =	rddreg [dreg:$0x2];
	[bflag:$0x3] =	sbarrier.arrive $0xFFFF;
	s2 =	simm.s32 @!p0 $0x1C02  }
0x126: {  	[timem:s3], [sflag:s2] =	dma.local @!p0 [hbm:s0], s1  }
0x127: {  	s0 =	simm.s32 @!p0 $0x2  }
0x128: {  	_ =	swait.ge @!p0 [sflag:s0], s1  }
0x129: {  	s1 =	ssub.s32 @!p0 $0x0, s1;
	[sflag:s0] =	ssyncset.done @!p0 $0x0  }
0x12a: {  	[sflag:s0] =	ssyncadd.s32 @!p0 s1  }
0x12b: {  	[bflag:$0x3] =	sbarrier.arrive $0xFFFF  }
0x12c: {  	_ =	shalt  }

// kernel: kernel.7.cloned.1.call-start
scs
__scs_entry_jumppad:
0x0: {  	(pc) =	sbr.rel $0x88, $3  }
0x1: {  	(tag) =	ssettag $0x0;
	lr =	simm.s32 $0x1  }
0x2: {  	[smem:$0x3F9D] =	sst lr;
	_ =	strace $0xD0000000  }
0x3: {  	_ = 	snop  }
0x4: {  	_ = 	snop  }
0x5: {  	_ = 	snop  }
0x6: {  	_ = 	snop  }
0x7: {  	_ = 	snop  }
__scs_overlays_trampoline_lowered:
0x8: {  	[smem:$0x3FAC] =	sst s0  }
0x9: {  	[smem:$0x3FAD] =	sst s1  }
0xa: {  	[smem:$0x3FAE] =	sst s2  }
0xb: {  	[smem:$0x3FAF] =	sst s3  }
0xc: {  	[smem:$0x3FB0] =	sst s4  }
0xd: {  	[smem:$0x3FB1] =	sst s5  }
0xe: {  	[smem:$0x3FB2] =	sst s6  }
0xf: {  	[smem:$0x3FB3] =	sst s7  }
0x10: {  	[smem:$0x3FB4] =	sst s8  }
0x11: {  	[smem:$0x3FB5] =	sst s9;
	s0 =	simm.s32 @!p0 $0x0  }
0x12: {  	s1 =	sld [smem:$0x3F9B];
	s0 =	simm.s32 @p0 $0x1  }
0x13: {  	[smem:$0x3FB6] =	sst s0;
	s0 =	simm.s32 @!p1 $0x0  }
0x14: {  	s2 =	sld [smem:$0x3F9A];
	s0 =	simm.s32 @p1 $0x1  }
0x15: {  	[smem:$0x3FB7] =	sst s0;
	s0 =	simm.s32 @!p2 $0x0  }
0x16: {  	s3 =	sld [smem:$0x3FDB];
	s0 =	simm.s32 @p2 $0x1  }
0x17: {  	s4 =	simm.s32 $0x1BF5;
	[smem:$0x3FB9] =	sst s0  }
0x18: {  	s0 =	sld [smem:$0x3F9C];
	_ =	swait.ge [sflag:s4], $0x0  }
0x19: {  	s7 =	sld [smem:$0x3F9D]  }
0x1a: {  	s8 =	sadd.s32 $0xFFFFE003, lr  }
0x1b: {  	s9 =	sadd.s32 $0xFFFFFEF7, lr;
	s5 =	simm.s32 $0xFFFFFFFF;
	p2 =	slt.u32 s8, $0xFFFFF086  }
0x1c: {  	p1 =	slt.u32 s9, $0xF7A;
	s5 =	simm.s32 @!p2 $0x0  }
0x1d: {  	s5 =	simm.s32 @p1 $0x1;
	p0 =	seq.s32 s7, s2  }
0x1e: {  	s7 =	smul.u32 @!p0 $0xF7A, s2;
	p2 =	seq.s32 @!p0 s5, $0x0  }
0x1f: {  	s9 =	smul.u32 $0xF7A, s1;
	s8 =	simm.s32 @!p0 $0x1BF5;
	p2 =	por !p2, p0  }
0x20: {  	[sflag:s8] =	ssyncset.s32 @!p0 $0xFFFFF086;
	s6 =	sadd.s32 @!p0 s3, s7;
	s7 =	simm.s32 @!p0 $0x108  }
0x21: {  	s3 =	sadd.s32 s3, s9;
	s6 =	sadd.s32 @!p0 $0x88, s6;
	s7 =	simm.s32 @p2 $0x1082  }
0x22: {  	[simem:s7], [sflag:s8] =	dma.local @!p0 [hbm:s6], $0xF7A  }
0x23: {  	s9 =	sor.u32 $0xD0000000, s2;
	s6 =	simm.s32 $0x108;
	_ =	swait.ge @!p0 [sflag:s8], $0x0  }
0x24: {  	s3 =	sadd.s32 $0x88, s3;
	s6 =	simm.s32 @!p1 $0x1082;
	[sflag:s4] =	ssyncset.s32 $0xFFFFF086  }
0x25: {  	[simem:s6], [sflag:s4] =	dma.local [hbm:s3], $0xF7A  }
0x26: {  	[smem:$0x3F9D] =	sst s1;
	(tag) =	ssettag s2;
	_ =	strace s9  }
0x27: {  	s1 =	sld [smem:$0x3FAD]  }
0x28: {  	s2 =	sld [smem:$0x3FAE]  }
0x29: {  	s4 =	sld [smem:$0x3FB0]  }
0x2a: {  	p0 =	seq.s32 s5, $0x0;
	s5 =	sld [smem:$0x3FB1]  }
0x2b: {  	s6 =	sld [smem:$0x3FB2]  }
0x2c: {  	s7 =	sld [smem:$0x3FB3]  }
0x2d: {  	s3 =	simm.s32 $0x108;
	s8 =	sld [smem:$0x3FB4]  }
0x2e: {  	s3 =	simm.s32 @!p0 $0x1082;
	s9 =	sld [smem:$0x3FB5]  }
0x2f: {  	lr =	sadd.s32 s0, s3;
	s0 =	sld [smem:$0x3FAC]  }
0x30: {  	s3 =	sld [smem:$0x3FAF]  }
0x31: {  	[smem:$0x3FB8] =	sst s10  }
0x32: {  	s10 =	sld [smem:$0x3FB6];
	_ =	sdelay $0x3  }
0x33: {  	p0 =	seq.s32 s10, $0x1;
	s10 =	sld [smem:$0x3FB8];
	_ =	sdelay $0x3  }
0x34: {  	[smem:$0x3FB8] =	sst s10  }
0x35: {  	s10 =	sld [smem:$0x3FB7];
	_ =	sdelay $0x3  }
0x36: {  	p1 =	seq.s32 s10, $0x1;
	s10 =	sld [smem:$0x3FB8];
	_ =	sdelay $0x3  }
0x37: {  	[smem:$0x3FB8] =	sst s10  }
0x38: {  	s10 =	sld [smem:$0x3FB9]  }
0x39: {  	_ = 	snop;
	(pc) =	sbr.ind lr, $3  }
0x3a: {  	_ = 	snop  }
0x3b: {  	_ = 	snop  }
0x3c: {  	p2 =	seq.s32 s10, $0x1;
	s10 =	sld [smem:$0x3FB8]  }
0x3d: {  	_ =	shalt  }
0x3e: {  	_ =	shalt  }
0x3f: {  	_ =	shalt  }
0x40: {  	_ =	shalt  }
0x41: {  	_ =	shalt  }
0x42: {  	_ =	shalt  }
0x43: {  	_ =	shalt  }
0x44: {  	_ =	shalt  }
0x45: {  	_ =	shalt  }
0x46: {  	_ =	shalt  }
0x47: {  	_ =	shalt  }
0x48: {  	_ =	shalt  }
0x49: {  	_ =	shalt  }
0x4a: {  	_ =	shalt  }
0x4b: {  	_ =	shalt  }
0x4c: {  	_ =	shalt  }
0x4d: {  	_ =	shalt  }
0x4e: {  	_ =	shalt  }
0x4f: {  	_ =	shalt  }
0x50: {  	_ =	shalt  }
0x51: {  	_ =	shalt  }
0x52: {  	_ =	shalt  }
0x53: {  	_ =	shalt  }
0x54: {  	_ =	shalt  }
0x55: {  	_ =	shalt  }
0x56: {  	_ =	shalt  }
0x57: {  	_ =	shalt  }
0x58: {  	_ =	shalt  }
0x59: {  	_ =	shalt  }
0x5a: {  	_ =	shalt  }
0x5b: {  	_ =	shalt  }
0x5c: {  	_ =	shalt  }
0x5d: {  	_ =	shalt  }
0x5e: {  	_ =	shalt  }
0x5f: {  	_ =	shalt  }
0x60: {  	_ =	shalt  }
0x61: {  	_ =	shalt  }
0x62: {  	_ =	shalt  }
0x63: {  	_ =	shalt  }
0x64: {  	_ =	shalt  }
0x65: {  	_ =	shalt  }
0x66: {  	_ =	shalt  }
0x67: {  	_ =	shalt  }
0x68: {  	_ =	shalt  }
0x69: {  	_ =	shalt  }
0x6a: {  	_ =	shalt  }
0x6b: {  	_ =	shalt  }
0x6c: {  	_ =	shalt  }
0x6d: {  	_ =	shalt  }
0x6e: {  	_ =	shalt  }
0x6f: {  	_ =	shalt  }
0x70: {  	_ =	shalt  }
0x71: {  	_ =	shalt  }
0x72: {  	_ =	shalt  }
0x73: {  	_ =	shalt  }
0x74: {  	_ =	shalt  }
0x75: {  	_ =	shalt  }
0x76: {  	_ =	shalt  }
0x77: {  	_ =	shalt  }
0x78: {  	_ =	shalt  }
0x79: {  	_ =	shalt  }
0x7a: {  	_ =	shalt  }
0x7b: {  	_ =	shalt  }
0x7c: {  	_ =	shalt  }
0x7d: {  	_ =	shalt  }
0x7e: {  	_ =	shalt  }
0x7f: {  	_ =	shalt  }
0x80: {  	_ =	shalt  }
0x81: {  	_ =	shalt  }
0x82: {  	_ =	shalt  }
0x83: {  	_ =	shalt  }
0x84: {  	_ =	shalt  }
0x85: {  	_ =	shalt  }
0x86: {  	_ =	shalt  }
0x87: {  	_ =	shalt  }
.Lfunc_end0:
.L_simem_size_0:
called_computation_lowered:
.L_overlay_start_0:
0x88: {  	s2 =	sld [smem:$0x3FD9]  }
0x89: {  	s3 =	sld [smem:$0x3FFE];
	_ =	sdelay $0x1  }
0x8a: {  	s1 =	srdreg.scid  }
0x8b: {  	s0 =	sand.u32 $0x1, s1  }
0x8c: {  	s17 =	sshll.u32 s0, $0xA;
	s2 =	sadd.s32 s3, s2  }
0x8d: {  	s2 =	sadd.s32 s2, s17  }
0x8e: {  	[smem:$0x3FC4] =	sst s2  }
0x8f: {  	_ = 	snop  }
0x90: {  	s2 =	sld [smem:$0x3FD0];
	(tm) =	ssettm $0x1  }
0x91: {  	s18 =	sld [smem:$0x3FFB];
	_ =	sdelay $0x3  }
0x92: {  	_ =	strace s18  }
0x93: {  	s3 =	sld [smem:$0x3FFC];
	_ =	sdelay $0x3  }
0x94: {  	_ =	strace s3  }
0x95: {  	s3 =	sld [smem:$0x3FFD];
	_ =	sdelay $0x3  }
0x96: {  	_ =	strace s3  }
0x97: {  	_ =	strace $0x8FFFFFFF  }
0x98: {  	s19 =	sld [smem:$0x3FDB];
	_ =	sdelay $0x1  }
0x99: {  	s4 =	simm.s32 $_scs_section_size  }
0x9a: {  	s5 =	simm.s32 $_size__tile_overlayer_lowered;
	s6 =	simm.s32 $_tile_overlayer_lowered  }
0x9b: {  	s22 =	simm.s32 $0x1BFF;
	s21 =	sshll.u32 s6, $0x1;
	s3 =	sadd.s32 s4, s19  }
0x9c: {  	s7 =	simm.s32 $0x0;
	s20 =	sshll.u32 s5, $0x1;
	s5 =	sadd.s32 s21, s3  }
0x9d: {  	[timem:s7], [sflag:s22] =	dma.local [hbm:s5], s20  }
0x9e: {  	_ =	swait.ge [sflag:s22], s20  }
0x9f: {  	s4 =	ssub.s32 $0x0, s20;
	[sflag:s22] =	ssyncset.done $0x0  }
0xa0: {  	[sflag:s22] =	ssyncadd.s32 s4;
	_ =	sdelay $0x1  }
0xa1: {  	s23 =	simm.s32 $0x1B8B  }
0xa2: {  	_ =	swait.ge [sflag:s23], $0x1  }
0xa3: {  	[sflag:s23] =	ssyncset.done $0x0  }
0xa4: {  	s25 =	simm.s32 $0x1B8E;
	s24 =	sld [smem:$0x3FFE];
	[sflag:s23] =	ssyncadd.s32 $0xFFFFFFFF  }
0xa5: {  	s26 =	simm.s32 $execute0_lowered;
	[smem:$0x3FD2] =	sst s25  }
0xa6: {  	s5 =	sshll.u32 s26, $0x1;
	_ =	strace $0x80000046;
	[dreg:$0x1] =	wrdreg $0xFFFFFFFF  }
0xa7: {  	s28 =	simm.s32 $_size_execute0_lowered;
	s3 =	sadd.s32 s3, s5;
	[dreg:$0x0] =	wrdreg $0x0  }
0xa8: {  	s5 =	sshll.u32 s28, $0x1;
	[dreg:$0x2] =	wrdreg s3  }
0xa9: {  	[dreg:$0x3] =	wrdreg s5  }
0xaa: {  	[dreg:$0x4] =	wrdreg $0xC0  }
0xab: {  	_ =	task [dreg:s7], $0x5FFFF  }
0xac: {  	[dreg:$0x1] =	wrdreg $0xFFFFFFFF  }
0xad: {  	[dreg:$0x0] =	wrdreg $0x60  }
0xae: {  	[dreg:$0x2] =	wrdreg s24  }
0xaf: {  	[dreg:$0x3] =	wrdreg s2  }
0xb0: {  	[dreg:$0x4] =	wrdreg $0x9  }
0xb1: {  	_ =	task.clear_ibuf [dreg:s7], $0x5FFFF;
	_ =	strace $0x90000046  }
0xb2: {  	s29 =	simm.s32 $0x9;
	_ =	strace $0x80000048  }
0xb3: {  	_ =	swait.ge [sflag:s29], $0x1  }
0xb4: {  	[sflag:s29] =	ssyncadd.s32 $0xFFFFFFFF  }
0xb5: {  	_ =	strace $0x90000048  }
0xb6: {  	_ =	sfence  }
0xb7: {  	s30 =	sld [smem:$0x0];
	_ =	sdelay $0x2  }
0xb8: {  	s31 =	sshll.u32 s1, $0xD;
	s1 =	sshrl.u32 s1, $0x2  }
0xb9: {  	s3 =	sand.u32 $0x4000, s31;
	s1 =	sadd.s32 s1, s30  }
0xba: {  	s0 =	sor.u32 s3, s0;
	s1 =	sshll.u32 s1, $0x11  }
0xbb: {  	s0 =	sor.u32 s1, s0  }
0xbc: {  	s0 =	sadd.s32 $0x8F2B, s0  }
0xbd: {  	[sflag:s0] =	ssyncadd.remote.s32 $0x1  }
0xbe: {  	_ =	sfence.sel $0xFFFF  }
0xbf: {  	[dreg:$0x0] =	wrdreg $0xFFFFFFFF;
	(pc) =	sbr.abs _section_cstart, $3  }
0xc0: {  	[dreg:$0x1] =	wrdreg $0xFFFFFFFF  }
0xc1: {  	_ =	task.clear_ibuf [dreg:s7], $0x2FFFF;
	_ =	strace $0x9FFFFFFF  }
0xc2: {  	(tm) =	ssettm $0x7FFFFFFF  }
0xc3: {  	_ =	shalt  }
tec
execute0_lowered:
.L_overlay_start_1:
0x0: {  	(tag) =	ssettag $0x1  }
0x1: {  	s0 =	rddreg [dreg:$0x0]  }
0x2: {  	s1 =	rddreg [dreg:$0x1];
	s2 =	simm.s32 $0x0  }
0x3: {  	s3 =	srdreg.scid;
	s5 =	stileid.u32;
	s26 =	simm.s32 $0x80  }
0x4: {  	s14 =	simm.s32 $0x1;
	s17 =	simm.s32 $0x1100;
	s18 =	simm.s32 $0x1900  }
0x5: {  	s19 =	simm.s32 $0x2100;
	s20 =	simm.s32 $0x2900;
	s21 =	simm.s32 $0x3100  }
0x6: {  	s28 =	simm.s32 $0x6100;
	s29 =	simm.s32 $0x6900;
	s30 =	simm.s32 $0x7100  }
0x7: {  	s31 =	simm.s32 $0x7900;
	s11 =	simm.s32 $0xA900;
	s12 =	simm.s32 $0xB100  }
0x8: {  	s13 =	simm.s32 $0xB900;
	[smem:$0x7FF] =	sst s2;
	s4 =	sand.u32 $0x1, s3  }
0x9: {  	s5 =	sshll.u32 s5, $0x9;
	s3 =	sadd.s32 $0x1A00, s0;
	s7 =	sadd.s32 $0xA4200, s0  }
0xa: {  	_ =	strace $0x80000047;
	s6 =	sshll.u32 s4, $0x8;
	s4 =	ssub.s32 $0x2, s4  }
0xb: {  	[dreg:$0x7] =	wrdreg s26;
	s26 =	simm.s32 $0x5900;
	s5 =	sor.u32 s6, s5  }
0xc: {  	s9 =	sshrl.u32 s4, $0x1;
	s6 =	sshrl.u32 s5, $0x3;
	s8 =	sor.u32 $0x80, s5  }
0xd: {  	s5 =	sshll.u32 s5, $0x6;
	s24 =	ssub.s32 s4, s9;
	s4 =	sadd.s32 $0x1B00, s0  }
0xe: {  	s9 =	simm.s32 $0x9900;
	s6 =	sadd.s32 s1, s6;
	s10 =	sshrl.u32 s8, $0x3  }
0xf: {  	s22 =	sadd.s32 s7, s5;
	s23 =	sshll.u32 s8, $0x6;
	s5 =	smax.u32 s24, $0x1  }
0x10: {  	s24 =	simm.s32 $0x4900;
	s8 =	simm.s32 $0x9100;
	[dreg:$0x3] =	wrdreg s6  }
0x11: {  	s1 =	sadd.s32 s1, s10;
	[dreg:$0x5] =	wrdreg s22;
	s25 =	sadd.s32 s7, s23  }
0x12: {  	v2 =	vlaneseq.u32;
	s6 =	simm.s32 $0x2;
	s22 =	simm.s32 $0x3900;
	s23 =	simm.s32 $0x4100  }
0x13: {  	vm0 =	vmmov $0xffff;
	v1 =	vshrl.u32 v2, $0x3;
	s10 =	simm.s32 $0xA100;
	s7 =	simm.s32 $0xC100;
	[dreg:$0x4] =	wrdreg s1  }
0x14: {  	v0 =	vand.u32 $0x7, v2;
	v2 =	vor.u32 $0x8, v2;
	v1 =	vmul.u32 $0x8, v1;
	[dreg:$0x6] =	wrdreg s25;
	s25 =	simm.s32 $0x5100;
	s1 =	simm.s32 $0x8900  }
.LBB2_1:
0x15: {  	s15 =	rddreg [dreg:$0x3]  }
0x16: {  	[tilespmem:s2], [sflag:$0x2] =	stream.linear.gather [hbm4b:s15+s2], $0x80, $0x38;
	[tilespmem:$0x10100] =	vst v63  }
0x17: {  	_ =	swait.ge [sflag:s6], $0x80  }
0x18: {  	s0 =	rddreg [dreg:$0x4];
	[sflag:s6] =	ssyncset.done $0x0  }
0x19: {  	s16 =	rddreg [dreg:$0x7];
	[sflag:s6] =	ssyncadd.s32 $0xFFFFFF80  }
0x1a: {  	[tilespmem:s16], [sflag:$0x2] =	stream.linear.gather [hbm4b:s0+s2], $0x80, $0x38;
	[tilespmem:$0x10100] =	vst v63  }
0x1b: {  	_ =	swait.ge [sflag:s6], $0x80  }
0x1c: {  	[sflag:s6] =	ssyncset.done $0x0  }
0x1d: {  	[sflag:s6] =	ssyncadd.s32 $0xFFFFFF80  }
0x1e: {  	v3 =	vld [tilespmem:$0x0];
	_ =	sdelay $0x4  }
0x1f: {  	v4 =	vshll.u32 v3, $0x2  }
0x20: {  	v3 =	vand.u32 $0x7, v3;
	v4 =	vand.u32 $0xFFFFFFE0, v4  }
0x21: {  	v3 =	vor.u32 v3, v4  }
0x22: {  	v4 =	vperm.xlane v3, v0;
	_ =	sdelay $0x1  }
0x23: {  	v4 =	vadd.s32 v1, v4;
	_ =	sdelay $0x1  }
0x24: {  	v3 =	vperm.xlane v3, v2;
	_ =	sdelay $0x1  }
0x25: {  	s0 =	simm.s32 $0x100;
	v3 =	vadd.s32 v1, v3  }
0x26: {  	[tilespmem:s0], [sflag:$0x1] =	stream.indirect_vreg.gather [hbm4b:s3+s2], $0x80, v4, vm0, $0xb8;
	[tilespmem:$0x10100] =	vst v63  }
0x27: {  	s16 =	simm.s32 $0x900  }
0x28: {  	[tilespmem:s16], [sflag:$0x1] =	stream.indirect_vreg.gather [hbm4b:s4+s2], $0x80, v4, vm0, $0xb8;
	[tilespmem:$0x10100] =	vst v63  }
0x29: {  	_ = 	snop  }
0x2a: {  	[tilespmem:s17], [sflag:$0x1] =	stream.indirect_vreg.gather [hbm4b:s3+s2], $0x80, v3, vm0, $0xb8;
	[tilespmem:$0x10100] =	vst v63  }
0x2b: {  	_ = 	snop  }
0x2c: {  	[tilespmem:s18], [sflag:$0x1] =	stream.indirect_vreg.gather [hbm4b:s4+s2], $0x80, v3, vm0, $0xb8;
	[tilespmem:$0x10100] =	vst v63  }
0x2d: {  	v3 =	vld [tilespmem:$0x10];
	_ =	sdelay $0x4  }
0x2e: {  	v49 =	vshll.u32 v3, $0x2  }
0x2f: {  	v3 =	vand.u32 $0x7, v3;
	v4 =	vand.u32 $0xFFFFFFE0, v49  }
0x30: {  	v3 =	vor.u32 v3, v4  }
0x31: {  	v4 =	vperm.xlane v3, v0;
	_ =	sdelay $0x1  }
0x32: {  	v4 =	vadd.s32 v1, v4;
	_ =	sdelay $0x1  }
0x33: {  	v3 =	vperm.xlane v3, v2;
	_ =	sdelay $0x1  }
0x34: {  	v3 =	vadd.s32 v1, v3  }
0x35: {  	[tilespmem:s19], [sflag:$0x1] =	stream.indirect_vreg.gather [hbm4b:s3+s2], $0x80, v4, vm0, $0xb8;
	[tilespmem:$0x10100] =	vst v63  }
0x36: {  	_ = 	snop  }
0x37: {  	[tilespmem:s20], [sflag:$0x1] =	stream.indirect_vreg.gather [hbm4b:s4+s2], $0x80, v4, vm0, $0xb8;
	[tilespmem:$0x10100] =	vst v63  }
0x38: {  	_ = 	snop  }
0x39: {  	[tilespmem:s21], [sflag:$0x1] =	stream.indirect_vreg.gather [hbm4b:s3+s2], $0x80, v3, vm0, $0xb8;
	[tilespmem:$0x10100] =	vst v63  }
0x3a: {  	_ = 	snop  }
0x3b: {  	[tilespmem:s22], [sflag:$0x1] =	stream.indirect_vreg.gather [hbm4b:s4+s2], $0x80, v3, vm0, $0xb8;
	[tilespmem:$0x10100] =	vst v63  }
0x3c: {  	v3 =	vld [tilespmem:$0x20];
	_ =	sdelay $0x4  }
0x3d: {  	v50 =	vshll.u32 v3, $0x2  }
0x3e: {  	v3 =	vand.u32 $0x7, v3;
	v4 =	vand.u32 $0xFFFFFFE0, v50  }
0x3f: {  	v3 =	vor.u32 v3, v4  }
0x40: {  	v4 =	vperm.xlane v3, v0;
	_ =	sdelay $0x1  }
0x41: {  	v4 =	vadd.s32 v1, v4;
	_ =	sdelay $0x1  }
0x42: {  	v3 =	vperm.xlane v3, v2;
	_ =	sdelay $0x1  }
0x43: {  	v3 =	vadd.s32 v1, v3  }
0x44: {  	[tilespmem:s23], [sflag:$0x1] =	stream.indirect_vreg.gather [hbm4b:s3+s2], $0x80, v4, vm0, $0xb8;
	[tilespmem:$0x10100] =	vst v63  }
0x45: {  	_ = 	snop  }
0x46: {  	[tilespmem:s24], [sflag:$0x1] =	stream.indirect_vreg.gather [hbm4b:s4+s2], $0x80, v4, vm0, $0xb8;
	[tilespmem:$0x10100] =	vst v63  }
0x47: {  	_ = 	snop  }
0x48: {  	[tilespmem:s25], [sflag:$0x1] =	stream.indirect_vreg.gather [hbm4b:s3+s2], $0x80, v3, vm0, $0xb8;
	[tilespmem:$0x10100] =	vst v63  }
0x49: {  	_ = 	snop  }
0x4a: {  	[tilespmem:s26], [sflag:$0x1] =	stream.indirect_vreg.gather [hbm4b:s4+s2], $0x80, v3, vm0, $0xb8;
	[tilespmem:$0x10100] =	vst v63  }
0x4b: {  	v3 =	vld [tilespmem:$0x30];
	_ =	sdelay $0x4  }
0x4c: {  	v51 =	vshll.u32 v3, $0x2  }
0x4d: {  	v3 =	vand.u32 $0x7, v3;
	v4 =	vand.u32 $0xFFFFFFE0, v51  }
0x4e: {  	v3 =	vor.u32 v3, v4  }
0x4f: {  	v4 =	vperm.xlane v3, v0;
	_ =	sdelay $0x1  }
0x50: {  	v4 =	vadd.s32 v1, v4;
	_ =	sdelay $0x1  }
0x51: {  	v3 =	vperm.xlane v3, v2;
	_ =	sdelay $0x1  }
0x52: {  	v3 =	vadd.s32 v1, v3  }
0x53: {  	[tilespmem:s28], [sflag:$0x1] =	stream.indirect_vreg.gather [hbm4b:s3+s2], $0x80, v4, vm0, $0xb8;
	[tilespmem:$0x10100] =	vst v63  }
0x54: {  	_ = 	snop  }
0x55: {  	[tilespmem:s29], [sflag:$0x1] =	stream.indirect_vreg.gather [hbm4b:s4+s2], $0x80, v4, vm0, $0xb8;
	[tilespmem:$0x10100] =	vst v63  }
0x56: {  	_ = 	snop  }
0x57: {  	[tilespmem:s30], [sflag:$0x1] =	stream.indirect_vreg.gather [hbm4b:s3+s2], $0x80, v3, vm0, $0xb8;
	[tilespmem:$0x10100] =	vst v63  }
0x58: {  	_ = 	snop  }
0x59: {  	[tilespmem:s31], [sflag:$0x1] =	stream.indirect_vreg.gather [hbm4b:s4+s2], $0x80, v3, vm0, $0xb8;
	[tilespmem:$0x10100] =	vst v63  }
0x5a: {  	v3 =	vld [tilespmem:$0x40];
	_ =	sdelay $0x4  }
0x5b: {  	v52 =	vshll.u32 v3, $0x2  }
0x5c: {  	v3 =	vand.u32 $0x7, v3;
	v4 =	vand.u32 $0xFFFFFFE0, v52  }
0x5d: {  	v3 =	vor.u32 v3, v4  }
0x5e: {  	v4 =	vperm.xlane v3, v0;
	_ =	sdelay $0x1  }
0x5f: {  	v4 =	vadd.s32 v1, v4;
	_ =	sdelay $0x1  }
0x60: {  	v3 =	vperm.xlane v3, v2;
	_ =	sdelay $0x1  }
0x61: {  	s15 =	simm.s32 $0x8100;
	v3 =	vadd.s32 v1, v3  }
0x62: {  	[tilespmem:s15], [sflag:$0x1] =	stream.indirect_vreg.gather [hbm4b:s3+s2], $0x80, v4, vm0, $0xb8;
	[tilespmem:$0x10100] =	vst v63  }
0x63: {  	_ = 	snop  }
0x64: {  	[tilespmem:s1], [sflag:$0x1] =	stream.indirect_vreg.gather [hbm4b:s4+s2], $0x80, v4, vm0, $0xb8;
	[tilespmem:$0x10100] =	vst v63  }
0x65: {  	_ = 	snop  }
0x66: {  	[tilespmem:s8], [sflag:$0x1] =	stream.indirect_vreg.gather [hbm4b:s3+s2], $0x80, v3, vm0, $0xb8;
	[tilespmem:$0x10100] =	vst v63  }
0x67: {  	_ = 	snop  }
0x68: {  	[tilespmem:s9], [sflag:$0x1] =	stream.indirect_vreg.gather [hbm4b:s4+s2], $0x80, v3, vm0, $0xb8;
	[tilespmem:$0x10100] =	vst v63  }
0x69: {  	v3 =	vld [tilespmem:$0x50];
	_ =	sdelay $0x4  }
0x6a: {  	v53 =	vshll.u32 v3, $0x2  }
0x6b: {  	v3 =	vand.u32 $0x7, v3;
	v4 =	vand.u32 $0xFFFFFFE0, v53  }
0x6c: {  	v3 =	vor.u32 v3, v4  }
0x6d: {  	v4 =	vperm.xlane v3, v0;
	_ =	sdelay $0x1  }
0x6e: {  	v4 =	vadd.s32 v1, v4;
	_ =	sdelay $0x1  }
0x6f: {  	v3 =	vperm.xlane v3, v2;
	_ =	sdelay $0x1  }
0x70: {  	v3 =	vadd.s32 v1, v3  }
0x71: {  	[tilespmem:s10], [sflag:$0x1] =	stream.indirect_vreg.gather [hbm4b:s3+s2], $0x80, v4, vm0, $0xb8;
	[tilespmem:$0x10100] =	vst v63  }
0x72: {  	_ = 	snop  }
0x73: {  	[tilespmem:s11], [sflag:$0x1] =	stream.indirect_vreg.gather [hbm4b:s4+s2], $0x80, v4, vm0, $0xb8;
	[tilespmem:$0x10100] =	vst v63  }
0x74: {  	_ = 	snop  }
0x75: {  	[tilespmem:s12], [sflag:$0x1] =	stream.indirect_vreg.gather [hbm4b:s3+s2], $0x80, v3, vm0, $0xb8;
	[tilespmem:$0x10100] =	vst v63  }
0x76: {  	_ = 	snop  }
0x77: {  	[tilespmem:s13], [sflag:$0x1] =	stream.indirect_vreg.gather [hbm4b:s4+s2], $0x80, v3, vm0, $0xb8;
	[tilespmem:$0x10100] =	vst v63  }
0x78: {  	v3 =	vld [tilespmem:$0x60];
	_ =	sdelay $0x4  }
0x79: {  	v54 =	vshll.u32 v3, $0x2  }
0x7a: {  	v3 =	vand.u32 $0x7, v3;
	v4 =	vand.u32 $0xFFFFFFE0, v54  }
0x7b: {  	v3 =	vor.u32 v3, v4  }
0x7c: {  	v4 =	vperm.xlane v3, v0;
	_ =	sdelay $0x1  }
0x7d: {  	v4 =	vadd.s32 v1, v4;
	_ =	sdelay $0x1  }
0x7e: {  	v3 =	vperm.xlane v3, v2;
	_ =	sdelay $0x1  }
0x7f: {  	v3 =	vadd.s32 v1, v3  }
0x80: {  	[tilespmem:s7], [sflag:$0x1] =	stream.indirect_vreg.gather [hbm4b:s3+s2], $0x80, v4, vm0, $0xb8;
	[tilespmem:$0x10100] =	vst v63  }
0x81: {  	s15 =	simm.s32 $0xC900  }
0x82: {  	[tilespmem:s15], [sflag:$0x1] =	stream.indirect_vreg.gather [hbm4b:s4+s2], $0x80, v4, vm0, $0xb8;
	[tilespmem:$0x10100] =	vst v63  }
0x83: {  	s15 =	simm.s32 $0xD100  }
0x84: {  	[tilespmem:s15], [sflag:$0x1] =	stream.indirect_vreg.gather [hbm4b:s3+s2], $0x80, v3, vm0, $0xb8;
	[tilespmem:$0x10100] =	vst v63  }
0x85: {  	s15 =	simm.s32 $0xD900  }
0x86: {  	[tilespmem:s15], [sflag:$0x1] =	stream.indirect_vreg.gather [hbm4b:s4+s2], $0x80, v3, vm0, $0xb8;
	[tilespmem:$0x10100] =	vst v63  }
0x87: {  	v3 =	vld [tilespmem:$0x70];
	_ =	sdelay $0x4  }
0x88: {  	v55 =	vshll.u32 v3, $0x2  }
0x89: {  	v3 =	vand.u32 $0x7, v3;
	v4 =	vand.u32 $0xFFFFFFE0, v55  }
0x8a: {  	v3 =	vor.u32 v3, v4  }
0x8b: {  	v4 =	vperm.xlane v3, v0;
	_ =	sdelay $0x1  }
0x8c: {  	v4 =	vadd.s32 v1, v4;
	_ =	sdelay $0x1  }
0x8d: {  	v3 =	vperm.xlane v3, v2;
	_ =	sdelay $0x1  }
0x8e: {  	s15 =	simm.s32 $0xE100;
	v3 =	vadd.s32 v1, v3  }
0x8f: {  	[tilespmem:s15], [sflag:$0x1] =	stream.indirect_vreg.gather [hbm4b:s3+s2], $0x80, v4, vm0, $0xb8;
	[tilespmem:$0x10100] =	vst v63  }
0x90: {  	s15 =	simm.s32 $0xE900  }
0x91: {  	[tilespmem:s15], [sflag:$0x1] =	stream.indirect_vreg.gather [hbm4b:s4+s2], $0x80, v4, vm0, $0xb8;
	[tilespmem:$0x10100] =	vst v63  }
0x92: {  	s15 =	simm.s32 $0xF100  }
0x93: {  	[tilespmem:s15], [sflag:$0x1] =	stream.indirect_vreg.gather [hbm4b:s3+s2], $0x80, v3, vm0, $0xb8;
	[tilespmem:$0x10100] =	vst v63  }
0x94: {  	s15 =	simm.s32 $0xF900  }
0x95: {  	[tilespmem:s15], [sflag:$0x1] =	stream.indirect_vreg.gather [hbm4b:s4+s2], $0x80, v3, vm0, $0xb8;
	[tilespmem:$0x10100] =	vst v63  }
0x96: {  	_ =	swait.ge [sflag:s14], $0x10000  }
0x97: {  	[sflag:s14] =	ssyncset.done $0x0  }
0x98: {  	s0 =	simm.s32 $0x100;
	s15 =	rddreg [dreg:$0x5];
	[sflag:s14] =	ssyncadd.s32 $0xFFFF0000  }
0x99: {  	[hbm4b:s15+s2] =	stream.linear.scatter [tilespmem:s0], [sflag:$0x2], $0x10000, $0x38;
	[tilespmem:$0x10100] =	vst v63  }
0x9a: {  	_ =	swait.ge [sflag:s6], $0x10000  }
0x9b: {  	[sflag:s6] =	ssyncset.done $0x0  }
0x9c: {  	[sflag:s6] =	ssyncadd.s32 $0xFFFF0000  }
0x9d: {  	v3 =	vld [tilespmem:$0x80];
	_ =	sdelay $0x4  }
0x9e: {  	v56 =	vshll.u32 v3, $0x2  }
0x9f: {  	v3 =	vand.u32 $0x7, v3;
	v4 =	vand.u32 $0xFFFFFFE0, v56  }
0xa0: {  	v3 =	vor.u32 v3, v4  }
0xa1: {  	v4 =	vperm.xlane v3, v0;
	_ =	sdelay $0x1  }
0xa2: {  	v4 =	vadd.s32 v1, v4;
	_ =	sdelay $0x1  }
0xa3: {  	v3 =	vperm.xlane v3, v2;
	_ =	sdelay $0x1  }
0xa4: {  	v3 =	vadd.s32 v1, v3  }
0xa5: {  	[tilespmem:s0], [sflag:$0x1] =	stream.indirect_vreg.gather [hbm4b:s3+s2], $0x80, v4, vm0, $0xb8;
	[tilespmem:$0x10100] =	vst v63  }
0xa6: {  	_ = 	snop  }
0xa7: {  	[tilespmem:s16], [sflag:$0x1] =	stream.indirect_vreg.gather [hbm4b:s4+s2], $0x80, v4, vm0, $0xb8;
	[tilespmem:$0x10100] =	vst v63  }
0xa8: {  	_ = 	snop  }
0xa9: {  	[tilespmem:s17], [sflag:$0x1] =	stream.indirect_vreg.gather [hbm4b:s3+s2], $0x80, v3, vm0, $0xb8;
	[tilespmem:$0x10100] =	vst v63  }
0xaa: {  	_ = 	snop  }
0xab: {  	[tilespmem:s18], [sflag:$0x1] =	stream.indirect_vreg.gather [hbm4b:s4+s2], $0x80, v3, vm0, $0xb8;
	[tilespmem:$0x10100] =	vst v63  }
0xac: {  	v3 =	vld [tilespmem:$0x90];
	_ =	sdelay $0x4  }
0xad: {  	v57 =	vshll.u32 v3, $0x2  }
0xae: {  	v3 =	vand.u32 $0x7, v3;
	v4 =	vand.u32 $0xFFFFFFE0, v57  }
0xaf: {  	v3 =	vor.u32 v3, v4  }
0xb0: {  	v4 =	vperm.xlane v3, v0;
	_ =	sdelay $0x1  }
0xb1: {  	v4 =	vadd.s32 v1, v4;
	_ =	sdelay $0x1  }
0xb2: {  	v3 =	vperm.xlane v3, v2;
	_ =	sdelay $0x1  }
0xb3: {  	v3 =	vadd.s32 v1, v3  }
0xb4: {  	[tilespmem:s19], [sflag:$0x1] =	stream.indirect_vreg.gather [hbm4b:s3+s2], $0x80, v4, vm0, $0xb8;
	[tilespmem:$0x10100] =	vst v63  }
0xb5: {  	_ = 	snop  }
0xb6: {  	[tilespmem:s20], [sflag:$0x1] =	stream.indirect_vreg.gather [hbm4b:s4+s2], $0x80, v4, vm0, $0xb8;
	[tilespmem:$0x10100] =	vst v63  }
0xb7: {  	_ = 	snop  }
0xb8: {  	[tilespmem:s21], [sflag:$0x1] =	stream.indirect_vreg.gather [hbm4b:s3+s2], $0x80, v3, vm0, $0xb8;
	[tilespmem:$0x10100] =	vst v63  }
0xb9: {  	_ = 	snop  }
0xba: {  	[tilespmem:s22], [sflag:$0x1] =	stream.indirect_vreg.gather [hbm4b:s4+s2], $0x80, v3, vm0, $0xb8;
	[tilespmem:$0x10100] =	vst v63  }
0xbb: {  	v3 =	vld [tilespmem:$0xA0];
	_ =	sdelay $0x4  }
0xbc: {  	v58 =	vshll.u32 v3, $0x2  }
0xbd: {  	v3 =	vand.u32 $0x7, v3;
	v4 =	vand.u32 $0xFFFFFFE0, v58  }
0xbe: {  	v3 =	vor.u32 v3, v4  }
0xbf: {  	v4 =	vperm.xlane v3, v0;
	_ =	sdelay $0x1  }
0xc0: {  	v4 =	vadd.s32 v1, v4;
	_ =	sdelay $0x1  }
0xc1: {  	v3 =	vperm.xlane v3, v2;
	_ =	sdelay $0x1  }
0xc2: {  	v3 =	vadd.s32 v1, v3  }
0xc3: {  	[tilespmem:s23], [sflag:$0x1] =	stream.indirect_vreg.gather [hbm4b:s3+s2], $0x80, v4, vm0, $0xb8;
	[tilespmem:$0x10100] =	vst v63  }
0xc4: {  	_ = 	snop  }
0xc5: {  	[tilespmem:s24], [sflag:$0x1] =	stream.indirect_vreg.gather [hbm4b:s4+s2], $0x80, v4, vm0, $0xb8;
	[tilespmem:$0x10100] =	vst v63  }
0xc6: {  	_ = 	snop  }
0xc7: {  	[tilespmem:s25], [sflag:$0x1] =	stream.indirect_vreg.gather [hbm4b:s3+s2], $0x80, v3, vm0, $0xb8;
	[tilespmem:$0x10100] =	vst v63  }
0xc8: {  	_ = 	snop  }
0xc9: {  	[tilespmem:s26], [sflag:$0x1] =	stream.indirect_vreg.gather [hbm4b:s4+s2], $0x80, v3, vm0, $0xb8;
	[tilespmem:$0x10100] =	vst v63  }
0xca: {  	v3 =	vld [tilespmem:$0xB0];
	_ =	sdelay $0x4  }
0xcb: {  	v59 =	vshll.u32 v3, $0x2  }
0xcc: {  	v3 =	vand.u32 $0x7, v3;
	v4 =	vand.u32 $0xFFFFFFE0, v59  }
0xcd: {  	v3 =	vor.u32 v3, v4  }
0xce: {  	v4 =	vperm.xlane v3, v0;
	_ =	sdelay $0x1  }
0xcf: {  	v4 =	vadd.s32 v1, v4;
	_ =	sdelay $0x1  }
0xd0: {  	v3 =	vperm.xlane v3, v2;
	_ =	sdelay $0x1  }
0xd1: {  	v3 =	vadd.s32 v1, v3  }
0xd2: {  	[tilespmem:s28], [sflag:$0x1] =	stream.indirect_vreg.gather [hbm4b:s3+s2], $0x80, v4, vm0, $0xb8;
	[tilespmem:$0x10100] =	vst v63  }
0xd3: {  	_ = 	snop  }
0xd4: {  	[tilespmem:s29], [sflag:$0x1] =	stream.indirect_vreg.gather [hbm4b:s4+s2], $0x80, v4, vm0, $0xb8;
	[tilespmem:$0x10100] =	vst v63  }
0xd5: {  	_ = 	snop  }
0xd6: {  	[tilespmem:s30], [sflag:$0x1] =	stream.indirect_vreg.gather [hbm4b:s3+s2], $0x80, v3, vm0, $0xb8;
	[tilespmem:$0x10100] =	vst v63  }
0xd7: {  	_ = 	snop  }
0xd8: {  	[tilespmem:s31], [sflag:$0x1] =	stream.indirect_vreg.gather [hbm4b:s4+s2], $0x80, v3, vm0, $0xb8;
	[tilespmem:$0x10100] =	vst v63  }
0xd9: {  	v3 =	vld [tilespmem:$0xC0];
	_ =	sdelay $0x4  }
0xda: {  	v60 =	vshll.u32 v3, $0x2  }
0xdb: {  	v3 =	vand.u32 $0x7, v3;
	v4 =	vand.u32 $0xFFFFFFE0, v60  }
0xdc: {  	v3 =	vor.u32 v3, v4  }
0xdd: {  	v4 =	vperm.xlane v3, v0;
	_ =	sdelay $0x1  }
0xde: {  	v4 =	vadd.s32 v1, v4;
	_ =	sdelay $0x1  }
0xdf: {  	v3 =	vperm.xlane v3, v2;
	_ =	sdelay $0x1  }
0xe0: {  	s15 =	simm.s32 $0x8100;
	v3 =	vadd.s32 v1, v3  }
0xe1: {  	[tilespmem:s15], [sflag:$0x1] =	stream.indirect_vreg.gather [hbm4b:s3+s2], $0x80, v4, vm0, $0xb8;
	[tilespmem:$0x10100] =	vst v63  }
0xe2: {  	_ = 	snop  }
0xe3: {  	[tilespmem:s1], [sflag:$0x1] =	stream.indirect_vreg.gather [hbm4b:s4+s2], $0x80, v4, vm0, $0xb8;
	[tilespmem:$0x10100] =	vst v63  }
0xe4: {  	_ = 	snop  }
0xe5: {  	[tilespmem:s8], [sflag:$0x1] =	stream.indirect_vreg.gather [hbm4b:s3+s2], $0x80, v3, vm0, $0xb8;
	[tilespmem:$0x10100] =	vst v63  }
0xe6: {  	_ = 	snop  }
0xe7: {  	[tilespmem:s9], [sflag:$0x1] =	stream.indirect_vreg.gather [hbm4b:s4+s2], $0x80, v3, vm0, $0xb8;
	[tilespmem:$0x10100] =	vst v63  }
0xe8: {  	v3 =	vld [tilespmem:$0xD0];
	_ =	sdelay $0x4  }
0xe9: {  	v61 =	vshll.u32 v3, $0x2  }
0xea: {  	v3 =	vand.u32 $0x7, v3;
	v4 =	vand.u32 $0xFFFFFFE0, v61  }
0xeb: {  	v3 =	vor.u32 v3, v4  }
0xec: {  	v4 =	vperm.xlane v3, v0;
	_ =	sdelay $0x1  }
0xed: {  	v4 =	vadd.s32 v1, v4;
	_ =	sdelay $0x1  }
0xee: {  	v3 =	vperm.xlane v3, v2;
	_ =	sdelay $0x1  }
0xef: {  	v3 =	vadd.s32 v1, v3  }
0xf0: {  	[tilespmem:s10], [sflag:$0x1] =	stream.indirect_vreg.gather [hbm4b:s3+s2], $0x80, v4, vm0, $0xb8;
	[tilespmem:$0x10100] =	vst v63  }
0xf1: {  	_ = 	snop  }
0xf2: {  	[tilespmem:s11], [sflag:$0x1] =	stream.indirect_vreg.gather [hbm4b:s4+s2], $0x80, v4, vm0, $0xb8;
	[tilespmem:$0x10100] =	vst v63  }
0xf3: {  	_ = 	snop  }
0xf4: {  	[tilespmem:s12], [sflag:$0x1] =	stream.indirect_vreg.gather [hbm4b:s3+s2], $0x80, v3, vm0, $0xb8;
	[tilespmem:$0x10100] =	vst v63  }
0xf5: {  	_ = 	snop  }
0xf6: {  	[tilespmem:s13], [sflag:$0x1] =	stream.indirect_vreg.gather [hbm4b:s4+s2], $0x80, v3, vm0, $0xb8;
	[tilespmem:$0x10100] =	vst v63  }
0xf7: {  	v3 =	vld [tilespmem:$0xE0];
	_ =	sdelay $0x4  }
0xf8: {  	v62 =	vshll.u32 v3, $0x2  }
0xf9: {  	v3 =	vand.u32 $0x7, v3;
	v4 =	vand.u32 $0xFFFFFFE0, v62  }
0xfa: {  	v3 =	vor.u32 v3, v4  }
0xfb: {  	v4 =	vperm.xlane v3, v0;
	_ =	sdelay $0x1  }
0xfc: {  	v4 =	vadd.s32 v1, v4;
	_ =	sdelay $0x1  }
0xfd: {  	v3 =	vperm.xlane v3, v2;
	_ =	sdelay $0x1  }
0xfe: {  	v3 =	vadd.s32 v1, v3  }
0xff: {  	[tilespmem:s7], [sflag:$0x1] =	stream.indirect_vreg.gather [hbm4b:s3+s2], $0x80, v4, vm0, $0xb8;
	[tilespmem:$0x10100] =	vst v63  }
0x100: {  	s16 =	simm.s32 $0xC900  }
0x101: {  	[tilespmem:s16], [sflag:$0x1] =	stream.indirect_vreg.gather [hbm4b:s4+s2], $0x80, v4, vm0, $0xb8;
	[tilespmem:$0x10100] =	vst v63  }
0x102: {  	s15 =	simm.s32 $0xD100  }
0x103: {  	[tilespmem:s15], [sflag:$0x1] =	stream.indirect_vreg.gather [hbm4b:s3+s2], $0x80, v3, vm0, $0xb8;
	[tilespmem:$0x10100] =	vst v63  }
0x104: {  	s16 =	simm.s32 $0xD900  }
0x105: {  	[tilespmem:s16], [sflag:$0x1] =	stream.indirect_vreg.gather [hbm4b:s4+s2], $0x80, v3, vm0, $0xb8;
	[tilespmem:$0x10100] =	vst v63  }
0x106: {  	v3 =	vld [tilespmem:$0xF0];
	_ =	sdelay $0x4  }
0x107: {  	v63 =	vshll.u32 v3, $0x2  }
0x108: {  	v3 =	vand.u32 $0x7, v3;
	v4 =	vand.u32 $0xFFFFFFE0, v63  }
0x109: {  	v3 =	vor.u32 v3, v4  }
0x10a: {  	v4 =	vperm.xlane v3, v0;
	_ =	sdelay $0x1  }
0x10b: {  	v4 =	vadd.s32 v1, v4;
	_ =	sdelay $0x1  }
0x10c: {  	v3 =	vperm.xlane v3, v2;
	_ =	sdelay $0x1  }
0x10d: {  	s15 =	simm.s32 $0xE100;
	v3 =	vadd.s32 v1, v3  }
0x10e: {  	[tilespmem:s15], [sflag:$0x1] =	stream.indirect_vreg.gather [hbm4b:s3+s2], $0x80, v4, vm0, $0xb8;
	[tilespmem:$0x10100] =	vst v63  }
0x10f: {  	s16 =	simm.s32 $0xE900  }
0x110: {  	[tilespmem:s16], [sflag:$0x1] =	stream.indirect_vreg.gather [hbm4b:s4+s2], $0x80, v4, vm0, $0xb8;
	[tilespmem:$0x10100] =	vst v63  }
0x111: {  	s15 =	simm.s32 $0xF100  }
0x112: {  	[tilespmem:s15], [sflag:$0x1] =	stream.indirect_vreg.gather [hbm4b:s3+s2], $0x80, v3, vm0, $0xb8;
	[tilespmem:$0x10100] =	vst v63  }
0x113: {  	s16 =	simm.s32 $0xF900  }
0x114: {  	[tilespmem:s16], [sflag:$0x1] =	stream.indirect_vreg.gather [hbm4b:s4+s2], $0x80, v3, vm0, $0xb8;
	[tilespmem:$0x10100] =	vst v63  }
0x115: {  	_ =	swait.ge [sflag:s14], $0x10000  }
0x116: {  	p0 =	sne.s32 s5, $0x1;
	s16 =	simm.s32 $0x100;
	[sflag:s14] =	ssyncset.done $0x0  }
.Ltmp0:
0x117: {  	s0 =	rddreg [dreg:$0x6];
	[sflag:s14] =	ssyncadd.s32 $0xFFFF0000;
	(pc) =	sbr.rel @p0 .LBB2_1-.Ltmp0, $4  }
0x118: {  	[hbm4b:s0+s2] =	stream.linear.scatter [tilespmem:s16], [sflag:$0x2], $0x10000, $0x38;
	[tilespmem:$0x10100] =	vst v63  }
0x119: {  	_ =	swait.ge [sflag:s6], $0x10000  }
0x11a: {  	[sflag:s6] =	ssyncset.done $0x0  }
0x11b: {  	s5 =	sadd.s32 $0xFFFFFFFF, s5;
	[sflag:s6] =	ssyncadd.s32 $0xFFFF0000  }
0x11c: {  	_ =	sfence.sel $0x180000  }
0x11d: {  	[bflag:$0x0] =	sbarrier.arrive $0xFFFF  }
0x11e: {  	_ =	strace $0x90000047  }
0x11f: {  	s0 =	stileid.u32;
	[bflag:$0x2] =	sbarrier.arrive $0xFFFF  }
0x120: {  	p0 =	sne.s32 s0, $0x0;
	s0 =	rddreg [dreg:$0x2]  }
0x121: {  	s0 =	sadd.s32 @!p0 $0x100000, s0  }
0x122: {  	[sflag:s0] =	ssyncadd.tile.s32 @!p0 $0x1;
	_ =	shalt  }
.Lfunc_end2:
_tile_overlayer_lowered:
.L_overlay_start_2:
0x123: {  	(tag) =	ssettag $0x2  }
0x124: {  	s0 =	rddreg [dreg:$0x0];
	s2 =	stileid.u32  }
0x125: {  	s1 =	rddreg [dreg:$0x1];
	p0 =	sne.s32 s2, $0x0  }
0x126: {  	s3 =	rddreg [dreg:$0x2];
	[bflag:$0x3] =	sbarrier.arrive $0xFFFF;
	s2 =	simm.s32 @!p0 $0x1C02  }
0x127: {  	[timem:s3], [sflag:s2] =	dma.local @!p0 [hbm:s0], s1  }
0x128: {  	s0 =	simm.s32 @!p0 $0x2  }
0x129: {  	_ =	swait.ge @!p0 [sflag:s0], s1  }
0x12a: {  	s1 =	ssub.s32 @!p0 $0x0, s1;
	[sflag:s0] =	ssyncset.done @!p0 $0x0  }
0x12b: {  	[sflag:s0] =	ssyncadd.s32 @!p0 s1  }
0x12c: {  	[bflag:$0x3] =	sbarrier.arrive $0xFFFF  }
0x12d: {  	_ =	shalt  }

</sc_bundles>
